<compile_context>
chip_gen: v7x
topology: tpu7x:2x2x1
jax: 0.10.2.dev20260603
libtpu: 0.0.44.dev20260713+nightly
codegen_flags: <defaults>
</compile_context>

<pallas_src>
import functools

import jax
import jax.numpy as jnp
from jax import lax
from jax.experimental import pallas as pl
from jax.experimental.pallas import tpu as pltpu
from jax.experimental.pallas import tpu_sc as plsc

N = 10000
E = 320000
G = 64
D_IN = 128

NC = 2
NS = 16
NW = NC * NS
EPW = E // NW
CHUNK = 80
NCHUNK = EPW // CHUNK
ECHUNK = 40
ENCHUNK = EPW // ECHUNK
N_PAD = 10240
RPT = N_PAD // NS

def _sc_mesh():
    return plsc.VectorSubcoreMesh(
        core_axis_name="c", subcore_axis_name="s",
        num_cores=NC, num_subcores=NS)


HROW = N_PAD // 128


def _deg_body(dst_hbm, zeros_hbm, out_hbm, didx, hist, rid, acc, sem):
    c = lax.axis_index("c")
    s = lax.axis_index("s")
    wid = s * NC + c

    @pl.when(s == 0)
    def _():
        pltpu.sync_copy(zeros_hbm, acc)

    def zrow(i, carry):
        def zc(g, carry2):
            hist[i, pl.ds(g * 16, 16)] = jnp.zeros((16,), jnp.float32)
            return carry2
        return lax.fori_loop(0, 128 // 16, zc, carry)

    lax.fori_loop(0, HROW, zrow, 0)
    pltpu.sync_copy(dst_hbm.at[pl.ds(wid * EPW, EPW)], didx)
    for g in range(HROW // 16):
        rid[pl.ds(g * 16, 16)] = (
            lax.iota(jnp.int32, 16) + jnp.int32(g * 16))
    ones16 = jnp.ones((16,), jnp.float32)

    def grp(g, carry):
        iv = didx[pl.ds(g * 16, 16)]
        row = lax.shift_right_logical(iv, 7)
        col = lax.bitwise_and(iv, jnp.int32(127))
        plsc.addupdate_scatter(hist, [row, col], ones16)
        return carry

    lax.fori_loop(0, EPW // 16, grp, 0)
    plsc.subcore_barrier()
    pltpu.sync_copy(hist, acc.at[rid], add=True)
    plsc.subcore_barrier()

    @pl.when(s == 0)
    def _():
        pltpu.sync_copy(acc, out_hbm.at[c])


NBUF = 5


def _edge_body(d, table_hbm, src_hbm, dst2_hbm, zeros_hbm, out_hbm,
               sidx, di0, di1, di2, di3, di4,
               rows0, rows1, rows2, rows3, rows4,
               acc, gsems, isems):
    c = lax.axis_index("c")
    s = lax.axis_index("s")
    wid = s * NC + c
    pltpu.sync_copy(zeros_hbm.at[pl.ds(s * RPT, RPT)],
                    acc.at[pl.ds(s * RPT, RPT)])
    base = wid * EPW
    pltpu.sync_copy(src_hbm.at[pl.ds(base, EPW)], sidx)
    plsc.subcore_barrier()
    bufs = (rows0, rows1, rows2, rows3, rows4)
    dbufs = (di0, di1, di2, di3, di4)

    def stage(j, b):
        pltpu.async_copy(dst2_hbm.at[wid, j], dbufs[b], isems.at[b])
        pltpu.async_copy(
            table_hbm.at[sidx.at[pl.ds(j * ECHUNK, ECHUNK)]],
            bufs[b], gsems.at[b])

    def swait(j, b):
        pltpu.make_async_copy(dst2_hbm.at[wid, j], dbufs[b],
                              isems.at[b]).wait()
        pltpu.make_async_copy(
            table_hbm.at[sidx.at[pl.ds(j * ECHUNK, ECHUNK)]],
            bufs[b], gsems.at[b]).wait()

    for b in range(NBUF):
        stage(b, b)

    def step(k, carry):
        for i in range(NBUF):
            j = k * NBUF + i
            swait(j, i)
            pltpu.sync_copy(bufs[i], acc.at[dbufs[i]], add=True)
            stage(j + NBUF, i)
        return carry

    lax.fori_loop(0, ENCHUNK // NBUF - 1, step, 0)
    for i in range(NBUF):
        j = ENCHUNK - NBUF + i
        swait(j, i)
        pltpu.sync_copy(bufs[i], acc.at[dbufs[i]], add=True)
    plsc.subcore_barrier()
    pltpu.sync_copy(acc.at[pl.ds(s * RPT, RPT)],
                    out_hbm.at[c, pl.ds(s * RPT, RPT)])


def _deg_pass(dst, zeros80):
    return pl.kernel(
        _deg_body,
        out_type=jax.ShapeDtypeStruct((NC, HROW, 128), jnp.float32),
        mesh=_sc_mesh(),
        compiler_params=pltpu.CompilerParams(needs_layout_passes=False),
        scratch_types=[
            pltpu.VMEM((EPW,), jnp.int32),
            pltpu.VMEM((HROW, 128), jnp.float32),
            pltpu.VMEM((HROW,), jnp.int32),
            pltpu.VMEM_SHARED((HROW, 128), jnp.float32),
            pltpu.SemaphoreType.DMA,
        ],
    )(dst, zeros80)


def _edge_pass(d, table, src, dst2, zeros):
    return pl.kernel(
        functools.partial(_edge_body, d),
        out_type=jax.ShapeDtypeStruct((NC, N_PAD, d), jnp.float32),
        mesh=_sc_mesh(),
        scratch_types=(
            [pltpu.VMEM((EPW,), jnp.int32)]
            + [pltpu.VMEM((ECHUNK,), jnp.int32) for _ in range(NBUF)]
            + [pltpu.VMEM((ECHUNK, d), jnp.float32) for _ in range(NBUF)]
            + [pltpu.VMEM_SHARED((N_PAD, d), jnp.float32),
               pltpu.SemaphoreType.DMA((NBUF,)),
               pltpu.SemaphoreType.DMA((NBUF,))]
        ),
    )(table, src, dst2, zeros)


def _tca_body(x_ref, w_ref, degp_ref, g1_ref, dinv_ref):
    degf = (degp_ref[0] + degp_ref[1]).reshape(N_PAD)
    deg = degf[:N] + 1.0
    dinv = lax.rsqrt(deg)[:, None]
    h = jnp.dot(x_ref[...], w_ref[...], preferred_element_type=jnp.float32)
    g1_ref[...] = h * dinv
    dinv_ref[...] = dinv


def _bn(a, gamma, beta):
    mu = jnp.mean(a, axis=0, keepdims=True)
    var = jnp.mean((a - mu) * (a - mu), axis=0, keepdims=True)
    return gamma * (a - mu) * lax.rsqrt(var + 1e-5) + beta


def _tcb_body(s1_ref, g1t_ref, dinv_ref, b1_ref, g1_ref, be1_ref, w2_ref,
              g2t_ref):
    dinv = dinv_ref[...]
    pre = (s1_ref[0, :N] + s1_ref[1, :N] + g1t_ref[...]) * dinv + b1_ref[...]
    a = jnp.maximum(pre, 0.0)
    y = _bn(a, g1_ref[...], be1_ref[...])
    h2 = jnp.dot(y, w2_ref[...], preferred_element_type=jnp.float32)
    g2t_ref[:, :64] = h2 * dinv
    g2t_ref[:, 64:] = jnp.zeros((N, 64), jnp.float32)


def _tcc_body(s2_ref, g2t_ref, dinv_ref, b2_ref, g2_ref, be2_ref, batch_ref,
              fcw1_ref, fcb1_ref, g3_ref, be3_ref, fcw2_ref, fcb2_ref,
              fcw3_ref, fcb3_ref, out_ref):
    dinv = dinv_ref[...]
    pre = ((s2_ref[0, :N, :64] + s2_ref[1, :N, :64] + g2t_ref[:, :64]) * dinv
           + b2_ref[...])
    a = jnp.maximum(pre, 0.0)
    h = _bn(a, g2_ref[...], be2_ref[...])
    seg = lax.broadcasted_iota(jnp.int32, (G, N), 0)
    mask = (batch_ref[...][None, :] == seg).astype(jnp.float32)
    pooled = jnp.dot(mask, h, preferred_element_type=jnp.float32)
    r = jnp.maximum(
        jnp.dot(pooled, fcw1_ref[...], preferred_element_type=jnp.float32)
        + fcb1_ref[...], 0.0)
    r = _bn(r, g3_ref[...], be3_ref[...])
    r = jnp.maximum(
        jnp.dot(r, fcw2_ref[...], preferred_element_type=jnp.float32)
        + fcb2_ref[...], 0.0)
    logits = (jnp.dot(r, fcw3_ref[...], preferred_element_type=jnp.float32)
              + fcb3_ref[...])
    m = jnp.max(logits, axis=1, keepdims=True)
    z = logits - m
    out_ref[...] = z - jnp.log(jnp.sum(jnp.exp(z), axis=1, keepdims=True))


def _tc_call(body, out_shapes, *args):
    return pl.pallas_call(
        body,
        out_shape=out_shapes,
    )(*args)


def kernel(x, edge_index, batch, W1, b1, g1, be1, W2, b2, g2, be2,
           fcW1, fcb1, g3, be3, fcW2, fcb2, fcW3, fcb3):
    src = edge_index[0]
    dst = edge_index[1]
    dst2 = dst.reshape(NW, ENCHUNK, ECHUNK)
    zeros128 = jnp.zeros((N_PAD, D_IN), jnp.float32)

    degp = _deg_pass(dst, jnp.zeros((HROW, 128), jnp.float32))

    g1t, dinv = _tc_call(
        _tca_body,
        (jax.ShapeDtypeStruct((N, D_IN), jnp.float32),
         jax.ShapeDtypeStruct((N, 1), jnp.float32)),
        x, W1, degp)

    s1 = _edge_pass(D_IN, g1t, src, dst2, zeros128)

    g2t = _tc_call(
        _tcb_body,
        jax.ShapeDtypeStruct((N, D_IN), jnp.float32),
        s1, g1t, dinv, b1, g1, be1, W2)

    s2 = _edge_pass(D_IN, g2t, src, dst2, zeros128)

    out = _tc_call(
        _tcc_body,
        jax.ShapeDtypeStruct((G, 3), jnp.float32),
        s2, g2t, dinv, b2, g2, be2, batch,
        fcW1, fcb1, g3, be3, fcW2, fcb2, fcW3, fcb3)
    return out

# --- scband reference (transcript-rebuilt; emitter-appended) ---
"""Pipeline reference for scband-network-12068858102174 (READ-ONLY COPY).

The authoritative reference and input builder live on the scoring server;
editing this copy changes nothing except your own understanding.
"""

import jax, jax.numpy as jnp
import numpy as np

N = 10000
E = 320000
G = 64
D_IN = 128


def _gcn_conv(x, edge_index, W, b, n):
    # GCNConv with add_self_loops=True, symmetric normalization
    loop = jnp.arange(n, dtype=edge_index.dtype)
    src = jnp.concatenate([edge_index[0], loop])
    dst = jnp.concatenate([edge_index[1], loop])
    deg = jnp.zeros((n,), x.dtype).at[dst].add(1.0)
    dinv = jnp.where(deg > 0, deg ** -0.5, 0.0)
    norm = dinv[src] * dinv[dst]
    h = x @ W
    msg = h[src] * norm[:, None]
    out = jnp.zeros((n, W.shape[1]), x.dtype).at[dst].add(msg)
    return out + b


def _bn(x, gamma, beta):
    mu = jnp.mean(x, axis=0, keepdims=True)
    var = jnp.var(x, axis=0, keepdims=True)
    return gamma * (x - mu) / jnp.sqrt(var + 1e-5) + beta


def setup_inputs(seed: int = 0) -> dict:
    key = jax.random.key(seed)
    ks = jax.random.split(key, 24)
    x = jax.random.normal(ks[0], (N, D_IN), dtype=jnp.float32)
    edge_index = jax.random.randint(ks[1], (2, E), 0, N, dtype=jnp.int32)
    batch = jnp.sort(jax.random.randint(ks[2], (N,), 0, G, dtype=jnp.int32))
    p = {}
    p['W1'] = jax.random.normal(ks[3], (D_IN, 128), dtype=jnp.float32) * 0.05
    p['b1'] = jnp.zeros((128,), jnp.float32)
    p['g1'] = jnp.ones((128,), jnp.float32)
    p['be1'] = jnp.zeros((128,), jnp.float32)
    p['W2'] = jax.random.normal(ks[4], (128, 64), dtype=jnp.float32) * 0.05
    p['b2'] = jnp.zeros((64,), jnp.float32)
    p['g2'] = jnp.ones((64,), jnp.float32)
    p['be2'] = jnp.zeros((64,), jnp.float32)
    p['fcW1'] = jax.random.normal(ks[5], (64, 64), dtype=jnp.float32) * 0.05
    p['fcb1'] = jnp.zeros((64,), jnp.float32)
    p['g3'] = jnp.ones((64,), jnp.float32)
    p['be3'] = jnp.zeros((64,), jnp.float32)
    p['fcW2'] = jax.random.normal(ks[6], (64, 64), dtype=jnp.float32) * 0.05
    p['fcb2'] = jnp.zeros((64,), jnp.float32)
    p['fcW3'] = jax.random.normal(ks[7], (64, 3), dtype=jnp.float32) * 0.05
    p['fcb3'] = jnp.zeros((3,), jnp.float32)
    out = {'x': x, 'edge_index': edge_index, 'batch': batch}
    out.update(p)
    return out


def reference(x, edge_index, batch, W1, b1, g1, be1, W2, b2, g2, be2,
              fcW1, fcb1, g3, be3, fcW2, fcb2, fcW3, fcb3):
    h = jax.nn.relu(_gcn_conv(x, edge_index, W1, b1, N))
    h = _bn(h, g1, be1)
    h = jax.nn.relu(_gcn_conv(h, edge_index, W2, b2, N))
    h = _bn(h, g2, be2)
    pooled = jax.ops.segment_sum(h, batch, num_segments=G)
    h = jax.nn.relu(pooled @ fcW1 + fcb1)
    h = _bn(h, g3, be3)
    h = jax.nn.relu(h @ fcW2 + fcb2)
    # dropout(p=0.2) treated as identity (deterministic eval)
    h = h @ fcW3 + fcb3
    return jax.nn.log_softmax(h, axis=1)

if __name__ == "__main__":
    import jax
    _d = setup_inputs()
    print(jax.jit(kernel)(*tuple(_d.values())))

</pallas_src>

<mosaic_0001>
#map = affine_map<(d0, d1) -> (0, 0)>
#map1 = affine_map<(d0, d1) -> (0)>
#map2 = affine_map<(d0, d1) -> (0, 0, 0)>
module attributes {stable_mosaic.version = 14 : i64} {
  func.func @_edge_body(%arg0: i32, %arg1: i32, %arg2: memref<10000x128xf32, #tpu.memory_space<hbm>>, %arg3: memref<320000xi32, #tpu.memory_space<hbm>>, %arg4: memref<32x250x40xi32, #tpu.memory_space<hbm>>, %arg5: memref<10240x128xf32, #tpu.memory_space<hbm>>, %arg6: memref<2x10240x128xf32, #tpu.memory_space<hbm>>, %arg7: memref<10000xi32, #tpu.memory_space<vmem>>, %arg8: memref<40xi32, #tpu.memory_space<vmem>>, %arg9: memref<40xi32, #tpu.memory_space<vmem>>, %arg10: memref<40xi32, #tpu.memory_space<vmem>>, %arg11: memref<40xi32, #tpu.memory_space<vmem>>, %arg12: memref<40xi32, #tpu.memory_space<vmem>>, %arg13: memref<40x128xf32, #tpu.memory_space<vmem>>, %arg14: memref<40x128xf32, #tpu.memory_space<vmem>>, %arg15: memref<40x128xf32, #tpu.memory_space<vmem>>, %arg16: memref<40x128xf32, #tpu.memory_space<vmem>>, %arg17: memref<40x128xf32, #tpu.memory_space<vmem>>, %arg18: memref<10240x128xf32, #tpu.memory_space<vmem_shared>>, %arg19: memref<5x!tpu.dma_semaphore, #tpu.memory_space<semaphore_mem>>, %arg20: memref<5x!tpu.dma_semaphore, #tpu.memory_space<semaphore_mem>>) attributes {dimension_semantics = [#tpu.dimension_semantics<core_parallel>, #tpu.dimension_semantics<subcore_parallel>], iteration_bounds = array<i64: 2, 16>, scalar_prefetch = 0 : i64, scratch_operands = 14 : i64, tpu.core_type = #tpu.core_type<sc_vector_subcore>, window_params = [{transform_indices = #map}, {transform_indices = #map1}, {transform_indices = #map2}, {transform_indices = #map}, {transform_indices = #map2}]} {
    %mul3A = arith.constant 2 : i32
    %mul3A_0 = arith.muli %arg1, %mul3A : i32
    %add3A = arith.addi %mul3A_0, %arg0 : i32
    %mul3A_1 = arith.constant 640 : i32
    %mul3A_2 = arith.muli %arg1, %mul3A_1 : i32
    %mul3A_3 = arith.constant 640 : i32
    %mul3A_4 = arith.muli %arg1, %mul3A_3 : i32
    "tpu.region"() ({
      %run_scoped3A = tpu.sem_alloc : memref<!tpu.dma_semaphore, #tpu.memory_space<semaphore_mem>>
      %dma_start3A_195 = arith.constant 0 : i32
      %dma_start3A_196 = tpu.memref_slice %arg18[%mul3A_4, %dma_start3A_195] : memref<10240x128xf32, #tpu.memory_space<vmem_shared>> -> memref<640x128xf32, #tpu.memory_space<vmem_shared>>
      %dma_start3A_197 = arith.constant 0 : i32
      %dma_start3A_198 = tpu.memref_slice %arg5[%mul3A_2, %dma_start3A_197] : memref<10240x128xf32, #tpu.memory_space<hbm>> -> memref<640x128xf32, #tpu.memory_space<hbm>>
      tpu.enqueue_dma source(%dma_start3A_198 : memref<640x128xf32, #tpu.memory_space<hbm>>) target(%dma_start3A_196 : memref<640x128xf32, #tpu.memory_space<vmem_shared>>) target_semaphore(%run_scoped3A : memref<!tpu.dma_semaphore, #tpu.memory_space<semaphore_mem>>)
      %dma_wait3A_199 = arith.constant 0 : i32
      %dma_wait3A_200 = tpu.memref_slice %arg18[%mul3A_4, %dma_wait3A_199] : memref<10240x128xf32, #tpu.memory_space<vmem_shared>> -> memref<640x128xf32, #tpu.memory_space<vmem_shared>>
      %dma_wait3A_201 = arith.constant 0 : i32
      %dma_wait3A_202 = tpu.memref_slice %arg5[%mul3A_2, %dma_wait3A_201] : memref<10240x128xf32, #tpu.memory_space<hbm>> -> memref<640x128xf32, #tpu.memory_space<hbm>>
      tpu.wait_dma2 semaphore(%run_scoped3A : memref<!tpu.dma_semaphore, #tpu.memory_space<semaphore_mem>>) src(%dma_wait3A_202 : memref<640x128xf32, #tpu.memory_space<hbm>>) dst(%dma_wait3A_200 : memref<640x128xf32, #tpu.memory_space<vmem_shared>>)
      tpu.yield
    }) : () -> ()
    %mul3A_5 = arith.constant 10000 : i32
    %mul3A_6 = arith.muli %add3A, %mul3A_5 : i32
    "tpu.region"() ({
      %run_scoped3A = tpu.sem_alloc : memref<!tpu.dma_semaphore, #tpu.memory_space<semaphore_mem>>
      %dma_start3A_195 = tpu.memref_slice %arg3[%mul3A_6] : memref<320000xi32, #tpu.memory_space<hbm>> -> memref<10000xi32, #tpu.memory_space<hbm>>
      %dma_start3A_196 = tpu.memref_slice %arg3[%mul3A_6] : memref<320000xi32, #tpu.memory_space<hbm>> -> memref<10000xi32, #tpu.memory_space<hbm>>
      tpu.enqueue_dma source(%dma_start3A_196 : memref<10000xi32, #tpu.memory_space<hbm>>) target(%arg7 : memref<10000xi32, #tpu.memory_space<vmem>>) target_semaphore(%run_scoped3A : memref<!tpu.dma_semaphore, #tpu.memory_space<semaphore_mem>>)
      %dma_wait3A_197 = tpu.memref_slice %arg3[%mul3A_6] : memref<320000xi32, #tpu.memory_space<hbm>> -> memref<10000xi32, #tpu.memory_space<hbm>>
      %dma_wait3A_198 = tpu.memref_slice %arg3[%mul3A_6] : memref<320000xi32, #tpu.memory_space<hbm>> -> memref<10000xi32, #tpu.memory_space<hbm>>
      tpu.wait_dma2 semaphore(%run_scoped3A : memref<!tpu.dma_semaphore, #tpu.memory_space<semaphore_mem>>) src(%dma_wait3A_198 : memref<10000xi32, #tpu.memory_space<hbm>>) dst(%arg7 : memref<10000xi32, #tpu.memory_space<vmem>>)
      tpu.yield
    }) : () -> ()
    %barrier3A = arith.constant 0 : index
    tpu.barrier barrier_id(%barrier3A)
    %dma_start3A = arith.constant 0 : i32
    %dma_start3A_7 = arith.constant 0 : i32
    %dma_start3A_8 = arith.constant 0 : i32
    %dma_start3A_9 = tpu.memref_slice %arg4[%add3A, %dma_start3A, %dma_start3A_8] : memref<32x250x40xi32, #tpu.memory_space<hbm>> -> memref<1x1x40xi32, #tpu.memory_space<hbm>>
    %dma_start3A_10 = tpu.memref_squeeze %dma_start3A_9 : memref<1x1x40xi32, #tpu.memory_space<hbm>> -> memref<40xi32, #tpu.memory_space<hbm>>
    %dma_start3A_11 = tpu.memref_slice %arg20[%dma_start3A_7] : memref<5x!tpu.dma_semaphore, #tpu.memory_space<semaphore_mem>> -> memref<1x!tpu.dma_semaphore, #tpu.memory_space<semaphore_mem>>
    %dma_start3A_12 = tpu.memref_squeeze %dma_start3A_11 : memref<1x!tpu.dma_semaphore, #tpu.memory_space<semaphore_mem>> -> memref<!tpu.dma_semaphore, #tpu.memory_space<semaphore_mem>>
    %dma_start3A_13 = arith.constant 0 : i32
    %dma_start3A_14 = tpu.memref_slice %arg4[%add3A, %dma_start3A, %dma_start3A_13] : memref<32x250x40xi32, #tpu.memory_space<hbm>> -> memref<1x1x40xi32, #tpu.memory_space<hbm>>
    %dma_start3A_15 = tpu.memref_squeeze %dma_start3A_14 : memref<1x1x40xi32, #tpu.memory_space<hbm>> -> memref<40xi32, #tpu.memory_space<hbm>>
    tpu.enqueue_dma source(%dma_start3A_15 : memref<40xi32, #tpu.memory_space<hbm>>) target(%arg8 : memref<40xi32, #tpu.memory_space<vmem>>) target_semaphore(%dma_start3A_12 : memref<!tpu.dma_semaphore, #tpu.memory_space<semaphore_mem>>)
    %dma_start3A_16 = arith.constant 0 : i32
    %dma_start3A_17 = arith.constant 0 : i32
    %dma_start3A_18 = tpu.memref_slice %arg7[%dma_start3A_17] : memref<10000xi32, #tpu.memory_space<vmem>> -> memref<40xi32, #tpu.memory_space<vmem>>
    %dma_start3A_19 = arith.constant 0 : i32
    %dma_start3A_20 = arith.constant 0 : i32
    %dma_start3A_21 = tpu.memref_slice %arg2[%dma_start3A_19, %dma_start3A_20] : memref<10000x128xf32, #tpu.memory_space<hbm>> -> memref<10000x128xf32, #tpu.memory_space<hbm>>
    %dma_start3A_22 = tpu.memref_slice %arg19[%dma_start3A_16] : memref<5x!tpu.dma_semaphore, #tpu.memory_space<semaphore_mem>> -> memref<1x!tpu.dma_semaphore, #tpu.memory_space<semaphore_mem>>
    %dma_start3A_23 = tpu.memref_squeeze %dma_start3A_22 : memref<1x!tpu.dma_semaphore, #tpu.memory_space<semaphore_mem>> -> memref<!tpu.dma_semaphore, #tpu.memory_space<semaphore_mem>>
    tpu.enqueue_indirect_dma source(%dma_start3A_21 : memref<10000x128xf32, #tpu.memory_space<hbm>>) target(%arg13 : memref<40x128xf32, #tpu.memory_space<vmem>>) offsets(%dma_start3A_18 : memref<40xi32, #tpu.memory_space<vmem>>) semaphore(%dma_start3A_23 : memref<!tpu.dma_semaphore, #tpu.memory_space<semaphore_mem>>)
    %dma_start3A_24 = arith.constant 1 : i32
    %dma_start3A_25 = arith.constant 1 : i32
    %dma_start3A_26 = arith.constant 0 : i32
    %dma_start3A_27 = tpu.memref_slice %arg4[%add3A, %dma_start3A_24, %dma_start3A_26] : memref<32x250x40xi32, #tpu.memory_space<hbm>> -> memref<1x1x40xi32, #tpu.memory_space<hbm>>
    %dma_start3A_28 = tpu.memref_squeeze %dma_start3A_27 : memref<1x1x40xi32, #tpu.memory_space<hbm>> -> memref<40xi32, #tpu.memory_space<hbm>>
    %dma_start3A_29 = tpu.memref_slice %arg20[%dma_start3A_25] : memref<5x!tpu.dma_semaphore, #tpu.memory_space<semaphore_mem>> -> memref<1x!tpu.dma_semaphore, #tpu.memory_space<semaphore_mem>>
    %dma_start3A_30 = tpu.memref_squeeze %dma_start3A_29 : memref<1x!tpu.dma_semaphore, #tpu.memory_space<semaphore_mem>> -> memref<!tpu.dma_semaphore, #tpu.memory_space<semaphore_mem>>
    %dma_start3A_31 = arith.constant 0 : i32
    %dma_start3A_32 = tpu.memref_slice %arg4[%add3A, %dma_start3A_24, %dma_start3A_31] : memref<32x250x40xi32, #tpu.memory_space<hbm>> -> memref<1x1x40xi32, #tpu.memory_space<hbm>>
    %dma_start3A_33 = tpu.memref_squeeze %dma_start3A_32 : memref<1x1x40xi32, #tpu.memory_space<hbm>> -> memref<40xi32, #tpu.memory_space<hbm>>
    tpu.enqueue_dma source(%dma_start3A_33 : memref<40xi32, #tpu.memory_space<hbm>>) target(%arg9 : memref<40xi32, #tpu.memory_space<vmem>>) target_semaphore(%dma_start3A_30 : memref<!tpu.dma_semaphore, #tpu.memory_space<semaphore_mem>>)
    %dma_start3A_34 = arith.constant 1 : i32
    %dma_start3A_35 = arith.constant 40 : i32
    %dma_start3A_36 = tpu.memref_slice %arg7[%dma_start3A_35] : memref<10000xi32, #tpu.memory_space<vmem>> -> memref<40xi32, #tpu.memory_space<vmem>>
    %dma_start3A_37 = arith.constant 0 : i32
    %dma_start3A_38 = arith.constant 0 : i32
    %dma_start3A_39 = tpu.memref_slice %arg2[%dma_start3A_37, %dma_start3A_38] : memref<10000x128xf32, #tpu.memory_space<hbm>> -> memref<10000x128xf32, #tpu.memory_space<hbm>>
    %dma_start3A_40 = tpu.memref_slice %arg19[%dma_start3A_34] : memref<5x!tpu.dma_semaphore, #tpu.memory_space<semaphore_mem>> -> memref<1x!tpu.dma_semaphore, #tpu.memory_space<semaphore_mem>>
    %dma_start3A_41 = tpu.memref_squeeze %dma_start3A_40 : memref<1x!tpu.dma_semaphore, #tpu.memory_space<semaphore_mem>> -> memref<!tpu.dma_semaphore, #tpu.memory_space<semaphore_mem>>
    tpu.enqueue_indirect_dma source(%dma_start3A_39 : memref<10000x128xf32, #tpu.memory_space<hbm>>) target(%arg14 : memref<40x128xf32, #tpu.memory_space<vmem>>) offsets(%dma_start3A_36 : memref<40xi32, #tpu.memory_space<vmem>>) semaphore(%dma_start3A_41 : memref<!tpu.dma_semaphore, #tpu.memory_space<semaphore_mem>>)
    %dma_start3A_42 = arith.constant 2 : i32
    %dma_start3A_43 = arith.constant 2 : i32
    %dma_start3A_44 = arith.constant 0 : i32
    %dma_start3A_45 = tpu.memref_slice %arg4[%add3A, %dma_start3A_42, %dma_start3A_44] : memref<32x250x40xi32, #tpu.memory_space<hbm>> -> memref<1x1x40xi32, #tpu.memory_space<hbm>>
    %dma_start3A_46 = tpu.memref_squeeze %dma_start3A_45 : memref<1x1x40xi32, #tpu.memory_space<hbm>> -> memref<40xi32, #tpu.memory_space<hbm>>
    %dma_start3A_47 = tpu.memref_slice %arg20[%dma_start3A_43] : memref<5x!tpu.dma_semaphore, #tpu.memory_space<semaphore_mem>> -> memref<1x!tpu.dma_semaphore, #tpu.memory_space<semaphore_mem>>
    %dma_start3A_48 = tpu.memref_squeeze %dma_start3A_47 : memref<1x!tpu.dma_semaphore, #tpu.memory_space<semaphore_mem>> -> memref<!tpu.dma_semaphore, #tpu.memory_space<semaphore_mem>>
    %dma_start3A_49 = arith.constant 0 : i32
    %dma_start3A_50 = tpu.memref_slice %arg4[%add3A, %dma_start3A_42, %dma_start3A_49] : memref<32x250x40xi32, #tpu.memory_space<hbm>> -> memref<1x1x40xi32, #tpu.memory_space<hbm>>
    %dma_start3A_51 = tpu.memref_squeeze %dma_start3A_50 : memref<1x1x40xi32, #tpu.memory_space<hbm>> -> memref<40xi32, #tpu.memory_space<hbm>>
    tpu.enqueue_dma source(%dma_start3A_51 : memref<40xi32, #tpu.memory_space<hbm>>) target(%arg10 : memref<40xi32, #tpu.memory_space<vmem>>) target_semaphore(%dma_start3A_48 : memref<!tpu.dma_semaphore, #tpu.memory_space<semaphore_mem>>)
    %dma_start3A_52 = arith.constant 2 : i32
    %dma_start3A_53 = arith.constant 80 : i32
    %dma_start3A_54 = tpu.memref_slice %arg7[%dma_start3A_53] : memref<10000xi32, #tpu.memory_space<vmem>> -> memref<40xi32, #tpu.memory_space<vmem>>
    %dma_start3A_55 = arith.constant 0 : i32
    %dma_start3A_56 = arith.constant 0 : i32
    %dma_start3A_57 = tpu.memref_slice %arg2[%dma_start3A_55, %dma_start3A_56] : memref<10000x128xf32, #tpu.memory_space<hbm>> -> memref<10000x128xf32, #tpu.memory_space<hbm>>
    %dma_start3A_58 = tpu.memref_slice %arg19[%dma_start3A_52] : memref<5x!tpu.dma_semaphore, #tpu.memory_space<semaphore_mem>> -> memref<1x!tpu.dma_semaphore, #tpu.memory_space<semaphore_mem>>
    %dma_start3A_59 = tpu.memref_squeeze %dma_start3A_58 : memref<1x!tpu.dma_semaphore, #tpu.memory_space<semaphore_mem>> -> memref<!tpu.dma_semaphore, #tpu.memory_space<semaphore_mem>>
    tpu.enqueue_indirect_dma source(%dma_start3A_57 : memref<10000x128xf32, #tpu.memory_space<hbm>>) target(%arg15 : memref<40x128xf32, #tpu.memory_space<vmem>>) offsets(%dma_start3A_54 : memref<40xi32, #tpu.memory_space<vmem>>) semaphore(%dma_start3A_59 : memref<!tpu.dma_semaphore, #tpu.memory_space<semaphore_mem>>)
    %dma_start3A_60 = arith.constant 3 : i32
    %dma_start3A_61 = arith.constant 3 : i32
    %dma_start3A_62 = arith.constant 0 : i32
    %dma_start3A_63 = tpu.memref_slice %arg4[%add3A, %dma_start3A_60, %dma_start3A_62] : memref<32x250x40xi32, #tpu.memory_space<hbm>> -> memref<1x1x40xi32, #tpu.memory_space<hbm>>
    %dma_start3A_64 = tpu.memref_squeeze %dma_start3A_63 : memref<1x1x40xi32, #tpu.memory_space<hbm>> -> memref<40xi32, #tpu.memory_space<hbm>>
    %dma_start3A_65 = tpu.memref_slice %arg20[%dma_start3A_61] : memref<5x!tpu.dma_semaphore, #tpu.memory_space<semaphore_mem>> -> memref<1x!tpu.dma_semaphore, #tpu.memory_space<semaphore_mem>>
    %dma_start3A_66 = tpu.memref_squeeze %dma_start3A_65 : memref<1x!tpu.dma_semaphore, #tpu.memory_space<semaphore_mem>> -> memref<!tpu.dma_semaphore, #tpu.memory_space<semaphore_mem>>
    %dma_start3A_67 = arith.constant 0 : i32
    %dma_start3A_68 = tpu.memref_slice %arg4[%add3A, %dma_start3A_60, %dma_start3A_67] : memref<32x250x40xi32, #tpu.memory_space<hbm>> -> memref<1x1x40xi32, #tpu.memory_space<hbm>>
    %dma_start3A_69 = tpu.memref_squeeze %dma_start3A_68 : memref<1x1x40xi32, #tpu.memory_space<hbm>> -> memref<40xi32, #tpu.memory_space<hbm>>
    tpu.enqueue_dma source(%dma_start3A_69 : memref<40xi32, #tpu.memory_space<hbm>>) target(%arg11 : memref<40xi32, #tpu.memory_space<vmem>>) target_semaphore(%dma_start3A_66 : memref<!tpu.dma_semaphore, #tpu.memory_space<semaphore_mem>>)
    %dma_start3A_70 = arith.constant 3 : i32
    %dma_start3A_71 = arith.constant 120 : i32
    %dma_start3A_72 = tpu.memref_slice %arg7[%dma_start3A_71] : memref<10000xi32, #tpu.memory_space<vmem>> -> memref<40xi32, #tpu.memory_space<vmem>>
    %dma_start3A_73 = arith.constant 0 : i32
    %dma_start3A_74 = arith.constant 0 : i32
    %dma_start3A_75 = tpu.memref_slice %arg2[%dma_start3A_73, %dma_start3A_74] : memref<10000x128xf32, #tpu.memory_space<hbm>> -> memref<10000x128xf32, #tpu.memory_space<hbm>>
    %dma_start3A_76 = tpu.memref_slice %arg19[%dma_start3A_70] : memref<5x!tpu.dma_semaphore, #tpu.memory_space<semaphore_mem>> -> memref<1x!tpu.dma_semaphore, #tpu.memory_space<semaphore_mem>>
    %dma_start3A_77 = tpu.memref_squeeze %dma_start3A_76 : memref<1x!tpu.dma_semaphore, #tpu.memory_space<semaphore_mem>> -> memref<!tpu.dma_semaphore, #tpu.memory_space<semaphore_mem>>
    tpu.enqueue_indirect_dma source(%dma_start3A_75 : memref<10000x128xf32, #tpu.memory_space<hbm>>) target(%arg16 : memref<40x128xf32, #tpu.memory_space<vmem>>) offsets(%dma_start3A_72 : memref<40xi32, #tpu.memory_space<vmem>>) semaphore(%dma_start3A_77 : memref<!tpu.dma_semaphore, #tpu.memory_space<semaphore_mem>>)
    %dma_start3A_78 = arith.constant 4 : i32
    %dma_start3A_79 = arith.constant 4 : i32
    %dma_start3A_80 = arith.constant 0 : i32
    %dma_start3A_81 = tpu.memref_slice %arg4[%add3A, %dma_start3A_78, %dma_start3A_80] : memref<32x250x40xi32, #tpu.memory_space<hbm>> -> memref<1x1x40xi32, #tpu.memory_space<hbm>>
    %dma_start3A_82 = tpu.memref_squeeze %dma_start3A_81 : memref<1x1x40xi32, #tpu.memory_space<hbm>> -> memref<40xi32, #tpu.memory_space<hbm>>
    %dma_start3A_83 = tpu.memref_slice %arg20[%dma_start3A_79] : memref<5x!tpu.dma_semaphore, #tpu.memory_space<semaphore_mem>> -> memref<1x!tpu.dma_semaphore, #tpu.memory_space<semaphore_mem>>
    %dma_start3A_84 = tpu.memref_squeeze %dma_start3A_83 : memref<1x!tpu.dma_semaphore, #tpu.memory_space<semaphore_mem>> -> memref<!tpu.dma_semaphore, #tpu.memory_space<semaphore_mem>>
    %dma_start3A_85 = arith.constant 0 : i32
    %dma_start3A_86 = tpu.memref_slice %arg4[%add3A, %dma_start3A_78, %dma_start3A_85] : memref<32x250x40xi32, #tpu.memory_space<hbm>> -> memref<1x1x40xi32, #tpu.memory_space<hbm>>
    %dma_start3A_87 = tpu.memref_squeeze %dma_start3A_86 : memref<1x1x40xi32, #tpu.memory_space<hbm>> -> memref<40xi32, #tpu.memory_space<hbm>>
    tpu.enqueue_dma source(%dma_start3A_87 : memref<40xi32, #tpu.memory_space<hbm>>) target(%arg12 : memref<40xi32, #tpu.memory_space<vmem>>) target_semaphore(%dma_start3A_84 : memref<!tpu.dma_semaphore, #tpu.memory_space<semaphore_mem>>)
    %dma_start3A_88 = arith.constant 4 : i32
    %dma_start3A_89 = arith.constant 160 : i32
    %dma_start3A_90 = tpu.memref_slice %arg7[%dma_start3A_89] : memref<10000xi32, #tpu.memory_space<vmem>> -> memref<40xi32, #tpu.memory_space<vmem>>
    %dma_start3A_91 = arith.constant 0 : i32
    %dma_start3A_92 = arith.constant 0 : i32
    %dma_start3A_93 = tpu.memref_slice %arg2[%dma_start3A_91, %dma_start3A_92] : memref<10000x128xf32, #tpu.memory_space<hbm>> -> memref<10000x128xf32, #tpu.memory_space<hbm>>
    %dma_start3A_94 = tpu.memref_slice %arg19[%dma_start3A_88] : memref<5x!tpu.dma_semaphore, #tpu.memory_space<semaphore_mem>> -> memref<1x!tpu.dma_semaphore, #tpu.memory_space<semaphore_mem>>
    %dma_start3A_95 = tpu.memref_squeeze %dma_start3A_94 : memref<1x!tpu.dma_semaphore, #tpu.memory_space<semaphore_mem>> -> memref<!tpu.dma_semaphore, #tpu.memory_space<semaphore_mem>>
    tpu.enqueue_indirect_dma source(%dma_start3A_93 : memref<10000x128xf32, #tpu.memory_space<hbm>>) target(%arg17 : memref<40x128xf32, #tpu.memory_space<vmem>>) offsets(%dma_start3A_90 : memref<40xi32, #tpu.memory_space<vmem>>) semaphore(%dma_start3A_95 : memref<!tpu.dma_semaphore, #tpu.memory_space<semaphore_mem>>)
    %scan3A = arith.constant 0 : i32
    %scan3A_96 = arith.constant 0 : i32
    %scan3A_97 = arith.constant 49 : i32
    %scan3A_98 = arith.addi %scan3A_96, %scan3A_97 : i32
    %scan3A_99 = arith.constant 1 : i32
    scf.for %scan3A_195 = %scan3A_96 to %scan3A_98 step %scan3A_99  : i32 {
      %mul3A_196 = arith.constant 5 : i32
      %mul3A_197 = arith.muli %scan3A_195, %mul3A_196 : i32
      %add3A_198 = arith.constant 0 : i32
      %add3A_199 = arith.addi %mul3A_197, %add3A_198 : i32
      %dma_wait3A_200 = arith.constant 0 : i32
      %dma_wait3A_201 = arith.constant 0 : i32
      %dma_wait3A_202 = tpu.memref_slice %arg4[%add3A, %add3A_199, %dma_wait3A_201] : memref<32x250x40xi32, #tpu.memory_space<hbm>> -> memref<1x1x40xi32, #tpu.memory_space<hbm>>
      %dma_wait3A_203 = tpu.memref_squeeze %dma_wait3A_202 : memref<1x1x40xi32, #tpu.memory_space<hbm>> -> memref<40xi32, #tpu.memory_space<hbm>>
      %dma_wait3A_204 = tpu.memref_slice %arg20[%dma_wait3A_200] : memref<5x!tpu.dma_semaphore, #tpu.memory_space<semaphore_mem>> -> memref<1x!tpu.dma_semaphore, #tpu.memory_space<semaphore_mem>>
      %dma_wait3A_205 = tpu.memref_squeeze %dma_wait3A_204 : memref<1x!tpu.dma_semaphore, #tpu.memory_space<semaphore_mem>> -> memref<!tpu.dma_semaphore, #tpu.memory_space<semaphore_mem>>
      %dma_wait3A_206 = arith.constant 0 : i32
      %dma_wait3A_207 = tpu.memref_slice %arg4[%add3A, %add3A_199, %dma_wait3A_206] : memref<32x250x40xi32, #tpu.memory_space<hbm>> -> memref<1x1x40xi32, #tpu.memory_space<hbm>>
      %dma_wait3A_208 = tpu.memref_squeeze %dma_wait3A_207 : memref<1x1x40xi32, #tpu.memory_space<hbm>> -> memref<40xi32, #tpu.memory_space<hbm>>
      tpu.wait_dma2 semaphore(%dma_wait3A_205 : memref<!tpu.dma_semaphore, #tpu.memory_space<semaphore_mem>>) src(%dma_wait3A_208 : memref<40xi32, #tpu.memory_space<hbm>>) dst(%arg8 : memref<40xi32, #tpu.memory_space<vmem>>)
      %mul3A_209 = arith.constant 40 : i32
      %mul3A_210 = arith.muli %add3A_199, %mul3A_209 : i32
      %dma_wait3A_211 = arith.constant 0 : i32
      %dma_wait3A_212 = tpu.memref_slice %arg7[%mul3A_210] : memref<10000xi32, #tpu.memory_space<vmem>> -> memref<40xi32, #tpu.memory_space<vmem>>
      %dma_wait3A_213 = arith.constant 0 : i32
      %dma_wait3A_214 = arith.constant 0 : i32
      %dma_wait3A_215 = tpu.memref_slice %arg2[%dma_wait3A_213, %dma_wait3A_214] : memref<10000x128xf32, #tpu.memory_space<hbm>> -> memref<10000x128xf32, #tpu.memory_space<hbm>>
      %dma_wait3A_216 = tpu.memref_slice %arg19[%dma_wait3A_211] : memref<5x!tpu.dma_semaphore, #tpu.memory_space<semaphore_mem>> -> memref<1x!tpu.dma_semaphore, #tpu.memory_space<semaphore_mem>>
      %dma_wait3A_217 = tpu.memref_squeeze %dma_wait3A_216 : memref<1x!tpu.dma_semaphore, #tpu.memory_space<semaphore_mem>> -> memref<!tpu.dma_semaphore, #tpu.memory_space<semaphore_mem>>
      tpu.wait_indirect_dma semaphore(%dma_wait3A_217 : memref<!tpu.dma_semaphore, #tpu.memory_space<semaphore_mem>>) src(%dma_wait3A_215 : memref<10000x128xf32, #tpu.memory_space<hbm>>) dst(%arg13 : memref<40x128xf32, #tpu.memory_space<vmem>>)
      "tpu.region"() ({
        %run_scoped3A = tpu.sem_alloc : memref<!tpu.dma_semaphore, #tpu.memory_space<semaphore_mem>>
        %dma_start3A_406 = arith.constant 0 : i32
        %dma_start3A_407 = arith.constant 0 : i32
        %dma_start3A_408 = tpu.memref_slice %arg18[%dma_start3A_406, %dma_start3A_407] : memref<10240x128xf32, #tpu.memory_space<vmem_shared>> -> memref<10240x128xf32, #tpu.memory_space<vmem_shared>>
        tpu.enqueue_indirect_dma source(%arg13 : memref<40x128xf32, #tpu.memory_space<vmem>>) target(%dma_start3A_408 : memref<10240x128xf32, #tpu.memory_space<vmem_shared>>) offsets(%arg8 : memref<40xi32, #tpu.memory_space<vmem>>) semaphore(%run_scoped3A : memref<!tpu.dma_semaphore, #tpu.memory_space<semaphore_mem>>) {add = true}
        %dma_wait3A_409 = arith.constant 0 : i32
        %dma_wait3A_410 = arith.constant 0 : i32
        %dma_wait3A_411 = tpu.memref_slice %arg18[%dma_wait3A_409, %dma_wait3A_410] : memref<10240x128xf32, #tpu.memory_space<vmem_shared>> -> memref<10240x128xf32, #tpu.memory_space<vmem_shared>>
        tpu.wait_indirect_dma semaphore(%run_scoped3A : memref<!tpu.dma_semaphore, #tpu.memory_space<semaphore_mem>>) src(%arg13 : memref<40x128xf32, #tpu.memory_space<vmem>>) dst(%dma_wait3A_411 : memref<10240x128xf32, #tpu.memory_space<vmem_shared>>)
        tpu.yield
      }) : () -> ()
      %add3A_218 = arith.constant 5 : i32
      %add3A_219 = arith.addi %add3A_199, %add3A_218 : i32
      %dma_start3A_220 = arith.constant 0 : i32
      %dma_start3A_221 = arith.constant 0 : i32
      %dma_start3A_222 = tpu.memref_slice %arg4[%add3A, %add3A_219, %dma_start3A_221] : memref<32x250x40xi32, #tpu.memory_space<hbm>> -> memref<1x1x40xi32, #tpu.memory_space<hbm>>
      %dma_start3A_223 = tpu.memref_squeeze %dma_start3A_222 : memref<1x1x40xi32, #tpu.memory_space<hbm>> -> memref<40xi32, #tpu.memory_space<hbm>>
      %dma_start3A_224 = tpu.memref_slice %arg20[%dma_start3A_220] : memref<5x!tpu.dma_semaphore, #tpu.memory_space<semaphore_mem>> -> memref<1x!tpu.dma_semaphore, #tpu.memory_space<semaphore_mem>>
      %dma_start3A_225 = tpu.memref_squeeze %dma_start3A_224 : memref<1x!tpu.dma_semaphore, #tpu.memory_space<semaphore_mem>> -> memref<!tpu.dma_semaphore, #tpu.memory_space<semaphore_mem>>
      %dma_start3A_226 = arith.constant 0 : i32
      %dma_start3A_227 = tpu.memref_slice %arg4[%add3A, %add3A_219, %dma_start3A_226] : memref<32x250x40xi32, #tpu.memory_space<hbm>> -> memref<1x1x40xi32, #tpu.memory_space<hbm>>
      %dma_start3A_228 = tpu.memref_squeeze %dma_start3A_227 : memref<1x1x40xi32, #tpu.memory_space<hbm>> -> memref<40xi32, #tpu.memory_space<hbm>>
      tpu.enqueue_dma source(%dma_start3A_228 : memref<40xi32, #tpu.memory_space<hbm>>) target(%arg8 : memref<40xi32, #tpu.memory_space<vmem>>) target_semaphore(%dma_start3A_225 : memref<!tpu.dma_semaphore, #tpu.memory_space<semaphore_mem>>)
      %mul3A_229 = arith.constant 40 : i32
      %mul3A_230 = arith.muli %add3A_219, %mul3A_229 : i32
      %dma_start3A_231 = arith.constant 0 : i32
      %dma_start3A_232 = tpu.memref_slice %arg7[%mul3A_230] : memref<10000xi32, #tpu.memory_space<vmem>> -> memref<40xi32, #tpu.memory_space<vmem>>
      %dma_start3A_233 = arith.constant 0 : i32
      %dma_start3A_234 = arith.constant 0 : i32
      %dma_start3A_235 = tpu.memref_slice %arg2[%dma_start3A_233, %dma_start3A_234] : memref<10000x128xf32, #tpu.memory_space<hbm>> -> memref<10000x128xf32, #tpu.memory_space<hbm>>
      %dma_start3A_236 = tpu.memref_slice %arg19[%dma_start3A_231] : memref<5x!tpu.dma_semaphore, #tpu.memory_space<semaphore_mem>> -> memref<1x!tpu.dma_semaphore, #tpu.memory_space<semaphore_mem>>
      %dma_start3A_237 = tpu.memref_squeeze %dma_start3A_236 : memref<1x!tpu.dma_semaphore, #tpu.memory_space<semaphore_mem>> -> memref<!tpu.dma_semaphore, #tpu.memory_space<semaphore_mem>>
      tpu.enqueue_indirect_dma source(%dma_start3A_235 : memref<10000x128xf32, #tpu.memory_space<hbm>>) target(%arg13 : memref<40x128xf32, #tpu.memory_space<vmem>>) offsets(%dma_start3A_232 : memref<40xi32, #tpu.memory_space<vmem>>) semaphore(%dma_start3A_237 : memref<!tpu.dma_semaphore, #tpu.memory_space<semaphore_mem>>)
      %mul3A_238 = arith.constant 5 : i32
      %mul3A_239 = arith.muli %scan3A_195, %mul3A_238 : i32
      %add3A_240 = arith.constant 1 : i32
      %add3A_241 = arith.addi %mul3A_239, %add3A_240 : i32
      %dma_wait3A_242 = arith.constant 1 : i32
      %dma_wait3A_243 = arith.constant 0 : i32
      %dma_wait3A_244 = tpu.memref_slice %arg4[%add3A, %add3A_241, %dma_wait3A_243] : memref<32x250x40xi32, #tpu.memory_space<hbm>> -> memref<1x1x40xi32, #tpu.memory_space<hbm>>
      %dma_wait3A_245 = tpu.memref_squeeze %dma_wait3A_244 : memref<1x1x40xi32, #tpu.memory_space<hbm>> -> memref<40xi32, #tpu.memory_space<hbm>>
      %dma_wait3A_246 = tpu.memref_slice %arg20[%dma_wait3A_242] : memref<5x!tpu.dma_semaphore, #tpu.memory_space<semaphore_mem>> -> memref<1x!tpu.dma_semaphore, #tpu.memory_space<semaphore_mem>>
      %dma_wait3A_247 = tpu.memref_squeeze %dma_wait3A_246 : memref<1x!tpu.dma_semaphore, #tpu.memory_space<semaphore_mem>> -> memref<!tpu.dma_semaphore, #tpu.memory_space<semaphore_mem>>
      %dma_wait3A_248 = arith.constant 0 : i32
      %dma_wait3A_249 = tpu.memref_slice %arg4[%add3A, %add3A_241, %dma_wait3A_248] : memref<32x250x40xi32, #tpu.memory_space<hbm>> -> memref<1x1x40xi32, #tpu.memory_space<hbm>>
      %dma_wait3A_250 = tpu.memref_squeeze %dma_wait3A_249 : memref<1x1x40xi32, #tpu.memory_space<hbm>> -> memref<40xi32, #tpu.memory_space<hbm>>
      tpu.wait_dma2 semaphore(%dma_wait3A_247 : memref<!tpu.dma_semaphore, #tpu.memory_space<semaphore_mem>>) src(%dma_wait3A_250 : memref<40xi32, #tpu.memory_space<hbm>>) dst(%arg9 : memref<40xi32, #tpu.memory_space<vmem>>)
      %mul3A_251 = arith.constant 40 : i32
      %mul3A_252 = arith.muli %add3A_241, %mul3A_251 : i32
      %dma_wait3A_253 = arith.constant 1 : i32
      %dma_wait3A_254 = tpu.memref_slice %arg7[%mul3A_252] : memref<10000xi32, #tpu.memory_space<vmem>> -> memref<40xi32, #tpu.memory_space<vmem>>
      %dma_wait3A_255 = arith.constant 0 : i32
      %dma_wait3A_256 = arith.constant 0 : i32
      %dma_wait3A_257 = tpu.memref_slice %arg2[%dma_wait3A_255, %dma_wait3A_256] : memref<10000x128xf32, #tpu.memory_space<hbm>> -> memref<10000x128xf32, #tpu.memory_space<hbm>>
      %dma_wait3A_258 = tpu.memref_slice %arg19[%dma_wait3A_253] : memref<5x!tpu.dma_semaphore, #tpu.memory_space<semaphore_mem>> -> memref<1x!tpu.dma_semaphore, #tpu.memory_space<semaphore_mem>>
      %dma_wait3A_259 = tpu.memref_squeeze %dma_wait3A_258 : memref<1x!tpu.dma_semaphore, #tpu.memory_space<semaphore_mem>> -> memref<!tpu.dma_semaphore, #tpu.memory_space<semaphore_mem>>
      tpu.wait_indirect_dma semaphore(%dma_wait3A_259 : memref<!tpu.dma_semaphore, #tpu.memory_space<semaphore_mem>>) src(%dma_wait3A_257 : memref<10000x128xf32, #tpu.memory_space<hbm>>) dst(%arg14 : memref<40x128xf32, #tpu.memory_space<vmem>>)
      "tpu.region"() ({
        %run_scoped3A = tpu.sem_alloc : memref<!tpu.dma_semaphore, #tpu.memory_space<semaphore_mem>>
        %dma_start3A_406 = arith.constant 0 : i32
        %dma_start3A_407 = arith.constant 0 : i32
        %dma_start3A_408 = tpu.memref_slice %arg18[%dma_start3A_406, %dma_start3A_407] : memref<10240x128xf32, #tpu.memory_space<vmem_shared>> -> memref<10240x128xf32, #tpu.memory_space<vmem_shared>>
        tpu.enqueue_indirect_dma source(%arg14 : memref<40x128xf32, #tpu.memory_space<vmem>>) target(%dma_start3A_408 : memref<10240x128xf32, #tpu.memory_space<vmem_shared>>) offsets(%arg9 : memref<40xi32, #tpu.memory_space<vmem>>) semaphore(%run_scoped3A : memref<!tpu.dma_semaphore, #tpu.memory_space<semaphore_mem>>) {add = true}
        %dma_wait3A_409 = arith.constant 0 : i32
        %dma_wait3A_410 = arith.constant 0 : i32
        %dma_wait3A_411 = tpu.memref_slice %arg18[%dma_wait3A_409, %dma_wait3A_410] : memref<10240x128xf32, #tpu.memory_space<vmem_shared>> -> memref<10240x128xf32, #tpu.memory_space<vmem_shared>>
        tpu.wait_indirect_dma semaphore(%run_scoped3A : memref<!tpu.dma_semaphore, #tpu.memory_space<semaphore_mem>>) src(%arg14 : memref<40x128xf32, #tpu.memory_space<vmem>>) dst(%dma_wait3A_411 : memref<10240x128xf32, #tpu.memory_space<vmem_shared>>)
        tpu.yield
      }) : () -> ()
      %add3A_260 = arith.constant 5 : i32
      %add3A_261 = arith.addi %add3A_241, %add3A_260 : i32
      %dma_start3A_262 = arith.constant 1 : i32
      %dma_start3A_263 = arith.constant 0 : i32
      %dma_start3A_264 = tpu.memref_slice %arg4[%add3A, %add3A_261, %dma_start3A_263] : memref<32x250x40xi32, #tpu.memory_space<hbm>> -> memref<1x1x40xi32, #tpu.memory_space<hbm>>
      %dma_start3A_265 = tpu.memref_squeeze %dma_start3A_264 : memref<1x1x40xi32, #tpu.memory_space<hbm>> -> memref<40xi32, #tpu.memory_space<hbm>>
      %dma_start3A_266 = tpu.memref_slice %arg20[%dma_start3A_262] : memref<5x!tpu.dma_semaphore, #tpu.memory_space<semaphore_mem>> -> memref<1x!tpu.dma_semaphore, #tpu.memory_space<semaphore_mem>>
      %dma_start3A_267 = tpu.memref_squeeze %dma_start3A_266 : memref<1x!tpu.dma_semaphore, #tpu.memory_space<semaphore_mem>> -> memref<!tpu.dma_semaphore, #tpu.memory_space<semaphore_mem>>
      %dma_start3A_268 = arith.constant 0 : i32
      %dma_start3A_269 = tpu.memref_slice %arg4[%add3A, %add3A_261, %dma_start3A_268] : memref<32x250x40xi32, #tpu.memory_space<hbm>> -> memref<1x1x40xi32, #tpu.memory_space<hbm>>
      %dma_start3A_270 = tpu.memref_squeeze %dma_start3A_269 : memref<1x1x40xi32, #tpu.memory_space<hbm>> -> memref<40xi32, #tpu.memory_space<hbm>>
      tpu.enqueue_dma source(%dma_start3A_270 : memref<40xi32, #tpu.memory_space<hbm>>) target(%arg9 : memref<40xi32, #tpu.memory_space<vmem>>) target_semaphore(%dma_start3A_267 : memref<!tpu.dma_semaphore, #tpu.memory_space<semaphore_mem>>)
      %mul3A_271 = arith.constant 40 : i32
      %mul3A_272 = arith.muli %add3A_261, %mul3A_271 : i32
      %dma_start3A_273 = arith.constant 1 : i32
      %dma_start3A_274 = tpu.memref_slice %arg7[%mul3A_272] : memref<10000xi32, #tpu.memory_space<vmem>> -> memref<40xi32, #tpu.memory_space<vmem>>
      %dma_start3A_275 = arith.constant 0 : i32
      %dma_start3A_276 = arith.constant 0 : i32
      %dma_start3A_277 = tpu.memref_slice %arg2[%dma_start3A_275, %dma_start3A_276] : memref<10000x128xf32, #tpu.memory_space<hbm>> -> memref<10000x128xf32, #tpu.memory_space<hbm>>
      %dma_start3A_278 = tpu.memref_slice %arg19[%dma_start3A_273] : memref<5x!tpu.dma_semaphore, #tpu.memory_space<semaphore_mem>> -> memref<1x!tpu.dma_semaphore, #tpu.memory_space<semaphore_mem>>
      %dma_start3A_279 = tpu.memref_squeeze %dma_start3A_278 : memref<1x!tpu.dma_semaphore, #tpu.memory_space<semaphore_mem>> -> memref<!tpu.dma_semaphore, #tpu.memory_space<semaphore_mem>>
      tpu.enqueue_indirect_dma source(%dma_start3A_277 : memref<10000x128xf32, #tpu.memory_space<hbm>>) target(%arg14 : memref<40x128xf32, #tpu.memory_space<vmem>>) offsets(%dma_start3A_274 : memref<40xi32, #tpu.memory_space<vmem>>) semaphore(%dma_start3A_279 : memref<!tpu.dma_semaphore, #tpu.memory_space<semaphore_mem>>)
      %mul3A_280 = arith.constant 5 : i32
      %mul3A_281 = arith.muli %scan3A_195, %mul3A_280 : i32
      %add3A_282 = arith.constant 2 : i32
      %add3A_283 = arith.addi %mul3A_281, %add3A_282 : i32
      %dma_wait3A_284 = arith.constant 2 : i32
      %dma_wait3A_285 = arith.constant 0 : i32
      %dma_wait3A_286 = tpu.memref_slice %arg4[%add3A, %add3A_283, %dma_wait3A_285] : memref<32x250x40xi32, #tpu.memory_space<hbm>> -> memref<1x1x40xi32, #tpu.memory_space<hbm>>
      %dma_wait3A_287 = tpu.memref_squeeze %dma_wait3A_286 : memref<1x1x40xi32, #tpu.memory_space<hbm>> -> memref<40xi32, #tpu.memory_space<hbm>>
      %dma_wait3A_288 = tpu.memref_slice %arg20[%dma_wait3A_284] : memref<5x!tpu.dma_semaphore, #tpu.memory_space<semaphore_mem>> -> memref<1x!tpu.dma_semaphore, #tpu.memory_space<semaphore_mem>>
      %dma_wait3A_289 = tpu.memref_squeeze %dma_wait3A_288 : memref<1x!tpu.dma_semaphore, #tpu.memory_space<semaphore_mem>> -> memref<!tpu.dma_semaphore, #tpu.memory_space<semaphore_mem>>
      %dma_wait3A_290 = arith.constant 0 : i32
      %dma_wait3A_291 = tpu.memref_slice %arg4[%add3A, %add3A_283, %dma_wait3A_290] : memref<32x250x40xi32, #tpu.memory_space<hbm>> -> memref<1x1x40xi32, #tpu.memory_space<hbm>>
      %dma_wait3A_292 = tpu.memref_squeeze %dma_wait3A_291 : memref<1x1x40xi32, #tpu.memory_space<hbm>> -> memref<40xi32, #tpu.memory_space<hbm>>
      tpu.wait_dma2 semaphore(%dma_wait3A_289 : memref<!tpu.dma_semaphore, #tpu.memory_space<semaphore_mem>>) src(%dma_wait3A_292 : memref<40xi32, #tpu.memory_space<hbm>>) dst(%arg10 : memref<40xi32, #tpu.memory_space<vmem>>)
      %mul3A_293 = arith.constant 40 : i32
      %mul3A_294 = arith.muli %add3A_283, %mul3A_293 : i32
      %dma_wait3A_295 = arith.constant 2 : i32
      %dma_wait3A_296 = tpu.memref_slice %arg7[%mul3A_294] : memref<10000xi32, #tpu.memory_space<vmem>> -> memref<40xi32, #tpu.memory_space<vmem>>
      %dma_wait3A_297 = arith.constant 0 : i32
      %dma_wait3A_298 = arith.constant 0 : i32
      %dma_wait3A_299 = tpu.memref_slice %arg2[%dma_wait3A_297, %dma_wait3A_298] : memref<10000x128xf32, #tpu.memory_space<hbm>> -> memref<10000x128xf32, #tpu.memory_space<hbm>>
      %dma_wait3A_300 = tpu.memref_slice %arg19[%dma_wait3A_295] : memref<5x!tpu.dma_semaphore, #tpu.memory_space<semaphore_mem>> -> memref<1x!tpu.dma_semaphore, #tpu.memory_space<semaphore_mem>>
      %dma_wait3A_301 = tpu.memref_squeeze %dma_wait3A_300 : memref<1x!tpu.dma_semaphore, #tpu.memory_space<semaphore_mem>> -> memref<!tpu.dma_semaphore, #tpu.memory_space<semaphore_mem>>
      tpu.wait_indirect_dma semaphore(%dma_wait3A_301 : memref<!tpu.dma_semaphore, #tpu.memory_space<semaphore_mem>>) src(%dma_wait3A_299 : memref<10000x128xf32, #tpu.memory_space<hbm>>) dst(%arg15 : memref<40x128xf32, #tpu.memory_space<vmem>>)
      "tpu.region"() ({
        %run_scoped3A = tpu.sem_alloc : memref<!tpu.dma_semaphore, #tpu.memory_space<semaphore_mem>>
        %dma_start3A_406 = arith.constant 0 : i32
        %dma_start3A_407 = arith.constant 0 : i32
        %dma_start3A_408 = tpu.memref_slice %arg18[%dma_start3A_406, %dma_start3A_407] : memref<10240x128xf32, #tpu.memory_space<vmem_shared>> -> memref<10240x128xf32, #tpu.memory_space<vmem_shared>>
        tpu.enqueue_indirect_dma source(%arg15 : memref<40x128xf32, #tpu.memory_space<vmem>>) target(%dma_start3A_408 : memref<10240x128xf32, #tpu.memory_space<vmem_shared>>) offsets(%arg10 : memref<40xi32, #tpu.memory_space<vmem>>) semaphore(%run_scoped3A : memref<!tpu.dma_semaphore, #tpu.memory_space<semaphore_mem>>) {add = true}
        %dma_wait3A_409 = arith.constant 0 : i32
        %dma_wait3A_410 = arith.constant 0 : i32
        %dma_wait3A_411 = tpu.memref_slice %arg18[%dma_wait3A_409, %dma_wait3A_410] : memref<10240x128xf32, #tpu.memory_space<vmem_shared>> -> memref<10240x128xf32, #tpu.memory_space<vmem_shared>>
        tpu.wait_indirect_dma semaphore(%run_scoped3A : memref<!tpu.dma_semaphore, #tpu.memory_space<semaphore_mem>>) src(%arg15 : memref<40x128xf32, #tpu.memory_space<vmem>>) dst(%dma_wait3A_411 : memref<10240x128xf32, #tpu.memory_space<vmem_shared>>)
        tpu.yield
      }) : () -> ()
      %add3A_302 = arith.constant 5 : i32
      %add3A_303 = arith.addi %add3A_283, %add3A_302 : i32
      %dma_start3A_304 = arith.constant 2 : i32
      %dma_start3A_305 = arith.constant 0 : i32
      %dma_start3A_306 = tpu.memref_slice %arg4[%add3A, %add3A_303, %dma_start3A_305] : memref<32x250x40xi32, #tpu.memory_space<hbm>> -> memref<1x1x40xi32, #tpu.memory_space<hbm>>
      %dma_start3A_307 = tpu.memref_squeeze %dma_start3A_306 : memref<1x1x40xi32, #tpu.memory_space<hbm>> -> memref<40xi32, #tpu.memory_space<hbm>>
      %dma_start3A_308 = tpu.memref_slice %arg20[%dma_start3A_304] : memref<5x!tpu.dma_semaphore, #tpu.memory_space<semaphore_mem>> -> memref<1x!tpu.dma_semaphore, #tpu.memory_space<semaphore_mem>>
      %dma_start3A_309 = tpu.memref_squeeze %dma_start3A_308 : memref<1x!tpu.dma_semaphore, #tpu.memory_space<semaphore_mem>> -> memref<!tpu.dma_semaphore, #tpu.memory_space<semaphore_mem>>
      %dma_start3A_310 = arith.constant 0 : i32
      %dma_start3A_311 = tpu.memref_slice %arg4[%add3A, %add3A_303, %dma_start3A_310] : memref<32x250x40xi32, #tpu.memory_space<hbm>> -> memref<1x1x40xi32, #tpu.memory_space<hbm>>
      %dma_start3A_312 = tpu.memref_squeeze %dma_start3A_311 : memref<1x1x40xi32, #tpu.memory_space<hbm>> -> memref<40xi32, #tpu.memory_space<hbm>>
      tpu.enqueue_dma source(%dma_start3A_312 : memref<40xi32, #tpu.memory_space<hbm>>) target(%arg10 : memref<40xi32, #tpu.memory_space<vmem>>) target_semaphore(%dma_start3A_309 : memref<!tpu.dma_semaphore, #tpu.memory_space<semaphore_mem>>)
      %mul3A_313 = arith.constant 40 : i32
      %mul3A_314 = arith.muli %add3A_303, %mul3A_313 : i32
      %dma_start3A_315 = arith.constant 2 : i32
      %dma_start3A_316 = tpu.memref_slice %arg7[%mul3A_314] : memref<10000xi32, #tpu.memory_space<vmem>> -> memref<40xi32, #tpu.memory_space<vmem>>
      %dma_start3A_317 = arith.constant 0 : i32
      %dma_start3A_318 = arith.constant 0 : i32
      %dma_start3A_319 = tpu.memref_slice %arg2[%dma_start3A_317, %dma_start3A_318] : memref<10000x128xf32, #tpu.memory_space<hbm>> -> memref<10000x128xf32, #tpu.memory_space<hbm>>
      %dma_start3A_320 = tpu.memref_slice %arg19[%dma_start3A_315] : memref<5x!tpu.dma_semaphore, #tpu.memory_space<semaphore_mem>> -> memref<1x!tpu.dma_semaphore, #tpu.memory_space<semaphore_mem>>
      %dma_start3A_321 = tpu.memref_squeeze %dma_start3A_320 : memref<1x!tpu.dma_semaphore, #tpu.memory_space<semaphore_mem>> -> memref<!tpu.dma_semaphore, #tpu.memory_space<semaphore_mem>>
      tpu.enqueue_indirect_dma source(%dma_start3A_319 : memref<10000x128xf32, #tpu.memory_space<hbm>>) target(%arg15 : memref<40x128xf32, #tpu.memory_space<vmem>>) offsets(%dma_start3A_316 : memref<40xi32, #tpu.memory_space<vmem>>) semaphore(%dma_start3A_321 : memref<!tpu.dma_semaphore, #tpu.memory_space<semaphore_mem>>)
      %mul3A_322 = arith.constant 5 : i32
      %mul3A_323 = arith.muli %scan3A_195, %mul3A_322 : i32
      %add3A_324 = arith.constant 3 : i32
      %add3A_325 = arith.addi %mul3A_323, %add3A_324 : i32
      %dma_wait3A_326 = arith.constant 3 : i32
      %dma_wait3A_327 = arith.constant 0 : i32
      %dma_wait3A_328 = tpu.memref_slice %arg4[%add3A, %add3A_325, %dma_wait3A_327] : memref<32x250x40xi32, #tpu.memory_space<hbm>> -> memref<1x1x40xi32, #tpu.memory_space<hbm>>
      %dma_wait3A_329 = tpu.memref_squeeze %dma_wait3A_328 : memref<1x1x40xi32, #tpu.memory_space<hbm>> -> memref<40xi32, #tpu.memory_space<hbm>>
      %dma_wait3A_330 = tpu.memref_slice %arg20[%dma_wait3A_326] : memref<5x!tpu.dma_semaphore, #tpu.memory_space<semaphore_mem>> -> memref<1x!tpu.dma_semaphore, #tpu.memory_space<semaphore_mem>>
      %dma_wait3A_331 = tpu.memref_squeeze %dma_wait3A_330 : memref<1x!tpu.dma_semaphore, #tpu.memory_space<semaphore_mem>> -> memref<!tpu.dma_semaphore, #tpu.memory_space<semaphore_mem>>
      %dma_wait3A_332 = arith.constant 0 : i32
      %dma_wait3A_333 = tpu.memref_slice %arg4[%add3A, %add3A_325, %dma_wait3A_332] : memref<32x250x40xi32, #tpu.memory_space<hbm>> -> memref<1x1x40xi32, #tpu.memory_space<hbm>>
      %dma_wait3A_334 = tpu.memref_squeeze %dma_wait3A_333 : memref<1x1x40xi32, #tpu.memory_space<hbm>> -> memref<40xi32, #tpu.memory_space<hbm>>
      tpu.wait_dma2 semaphore(%dma_wait3A_331 : memref<!tpu.dma_semaphore, #tpu.memory_space<semaphore_mem>>) src(%dma_wait3A_334 : memref<40xi32, #tpu.memory_space<hbm>>) dst(%arg11 : memref<40xi32, #tpu.memory_space<vmem>>)
      %mul3A_335 = arith.constant 40 : i32
      %mul3A_336 = arith.muli %add3A_325, %mul3A_335 : i32
      %dma_wait3A_337 = arith.constant 3 : i32
      %dma_wait3A_338 = tpu.memref_slice %arg7[%mul3A_336] : memref<10000xi32, #tpu.memory_space<vmem>> -> memref<40xi32, #tpu.memory_space<vmem>>
      %dma_wait3A_339 = arith.constant 0 : i32
      %dma_wait3A_340 = arith.constant 0 : i32
      %dma_wait3A_341 = tpu.memref_slice %arg2[%dma_wait3A_339, %dma_wait3A_340] : memref<10000x128xf32, #tpu.memory_space<hbm>> -> memref<10000x128xf32, #tpu.memory_space<hbm>>
      %dma_wait3A_342 = tpu.memref_slice %arg19[%dma_wait3A_337] : memref<5x!tpu.dma_semaphore, #tpu.memory_space<semaphore_mem>> -> memref<1x!tpu.dma_semaphore, #tpu.memory_space<semaphore_mem>>
      %dma_wait3A_343 = tpu.memref_squeeze %dma_wait3A_342 : memref<1x!tpu.dma_semaphore, #tpu.memory_space<semaphore_mem>> -> memref<!tpu.dma_semaphore, #tpu.memory_space<semaphore_mem>>
      tpu.wait_indirect_dma semaphore(%dma_wait3A_343 : memref<!tpu.dma_semaphore, #tpu.memory_space<semaphore_mem>>) src(%dma_wait3A_341 : memref<10000x128xf32, #tpu.memory_space<hbm>>) dst(%arg16 : memref<40x128xf32, #tpu.memory_space<vmem>>)
      "tpu.region"() ({
        %run_scoped3A = tpu.sem_alloc : memref<!tpu.dma_semaphore, #tpu.memory_space<semaphore_mem>>
        %dma_start3A_406 = arith.constant 0 : i32
        %dma_start3A_407 = arith.constant 0 : i32
        %dma_start3A_408 = tpu.memref_slice %arg18[%dma_start3A_406, %dma_start3A_407] : memref<10240x128xf32, #tpu.memory_space<vmem_shared>> -> memref<10240x128xf32, #tpu.memory_space<vmem_shared>>
        tpu.enqueue_indirect_dma source(%arg16 : memref<40x128xf32, #tpu.memory_space<vmem>>) target(%dma_start3A_408 : memref<10240x128xf32, #tpu.memory_space<vmem_shared>>) offsets(%arg11 : memref<40xi32, #tpu.memory_space<vmem>>) semaphore(%run_scoped3A : memref<!tpu.dma_semaphore, #tpu.memory_space<semaphore_mem>>) {add = true}
        %dma_wait3A_409 = arith.constant 0 : i32
        %dma_wait3A_410 = arith.constant 0 : i32
        %dma_wait3A_411 = tpu.memref_slice %arg18[%dma_wait3A_409, %dma_wait3A_410] : memref<10240x128xf32, #tpu.memory_space<vmem_shared>> -> memref<10240x128xf32, #tpu.memory_space<vmem_shared>>
        tpu.wait_indirect_dma semaphore(%run_scoped3A : memref<!tpu.dma_semaphore, #tpu.memory_space<semaphore_mem>>) src(%arg16 : memref<40x128xf32, #tpu.memory_space<vmem>>) dst(%dma_wait3A_411 : memref<10240x128xf32, #tpu.memory_space<vmem_shared>>)
        tpu.yield
      }) : () -> ()
      %add3A_344 = arith.constant 5 : i32
      %add3A_345 = arith.addi %add3A_325, %add3A_344 : i32
      %dma_start3A_346 = arith.constant 3 : i32
      %dma_start3A_347 = arith.constant 0 : i32
      %dma_start3A_348 = tpu.memref_slice %arg4[%add3A, %add3A_345, %dma_start3A_347] : memref<32x250x40xi32, #tpu.memory_space<hbm>> -> memref<1x1x40xi32, #tpu.memory_space<hbm>>
      %dma_start3A_349 = tpu.memref_squeeze %dma_start3A_348 : memref<1x1x40xi32, #tpu.memory_space<hbm>> -> memref<40xi32, #tpu.memory_space<hbm>>
      %dma_start3A_350 = tpu.memref_slice %arg20[%dma_start3A_346] : memref<5x!tpu.dma_semaphore, #tpu.memory_space<semaphore_mem>> -> memref<1x!tpu.dma_semaphore, #tpu.memory_space<semaphore_mem>>
      %dma_start3A_351 = tpu.memref_squeeze %dma_start3A_350 : memref<1x!tpu.dma_semaphore, #tpu.memory_space<semaphore_mem>> -> memref<!tpu.dma_semaphore, #tpu.memory_space<semaphore_mem>>
      %dma_start3A_352 = arith.constant 0 : i32
      %dma_start3A_353 = tpu.memref_slice %arg4[%add3A, %add3A_345, %dma_start3A_352] : memref<32x250x40xi32, #tpu.memory_space<hbm>> -> memref<1x1x40xi32, #tpu.memory_space<hbm>>
      %dma_start3A_354 = tpu.memref_squeeze %dma_start3A_353 : memref<1x1x40xi32, #tpu.memory_space<hbm>> -> memref<40xi32, #tpu.memory_space<hbm>>
      tpu.enqueue_dma source(%dma_start3A_354 : memref<40xi32, #tpu.memory_space<hbm>>) target(%arg11 : memref<40xi32, #tpu.memory_space<vmem>>) target_semaphore(%dma_start3A_351 : memref<!tpu.dma_semaphore, #tpu.memory_space<semaphore_mem>>)
      %mul3A_355 = arith.constant 40 : i32
      %mul3A_356 = arith.muli %add3A_345, %mul3A_355 : i32
      %dma_start3A_357 = arith.constant 3 : i32
      %dma_start3A_358 = tpu.memref_slice %arg7[%mul3A_356] : memref<10000xi32, #tpu.memory_space<vmem>> -> memref<40xi32, #tpu.memory_space<vmem>>
      %dma_start3A_359 = arith.constant 0 : i32
      %dma_start3A_360 = arith.constant 0 : i32
      %dma_start3A_361 = tpu.memref_slice %arg2[%dma_start3A_359, %dma_start3A_360] : memref<10000x128xf32, #tpu.memory_space<hbm>> -> memref<10000x128xf32, #tpu.memory_space<hbm>>
      %dma_start3A_362 = tpu.memref_slice %arg19[%dma_start3A_357] : memref<5x!tpu.dma_semaphore, #tpu.memory_space<semaphore_mem>> -> memref<1x!tpu.dma_semaphore, #tpu.memory_space<semaphore_mem>>
      %dma_start3A_363 = tpu.memref_squeeze %dma_start3A_362 : memref<1x!tpu.dma_semaphore, #tpu.memory_space<semaphore_mem>> -> memref<!tpu.dma_semaphore, #tpu.memory_space<semaphore_mem>>
      tpu.enqueue_indirect_dma source(%dma_start3A_361 : memref<10000x128xf32, #tpu.memory_space<hbm>>) target(%arg16 : memref<40x128xf32, #tpu.memory_space<vmem>>) offsets(%dma_start3A_358 : memref<40xi32, #tpu.memory_space<vmem>>) semaphore(%dma_start3A_363 : memref<!tpu.dma_semaphore, #tpu.memory_space<semaphore_mem>>)
      %mul3A_364 = arith.constant 5 : i32
      %mul3A_365 = arith.muli %scan3A_195, %mul3A_364 : i32
      %add3A_366 = arith.constant 4 : i32
      %add3A_367 = arith.addi %mul3A_365, %add3A_366 : i32
      %dma_wait3A_368 = arith.constant 4 : i32
      %dma_wait3A_369 = arith.constant 0 : i32
      %dma_wait3A_370 = tpu.memref_slice %arg4[%add3A, %add3A_367, %dma_wait3A_369] : memref<32x250x40xi32, #tpu.memory_space<hbm>> -> memref<1x1x40xi32, #tpu.memory_space<hbm>>
      %dma_wait3A_371 = tpu.memref_squeeze %dma_wait3A_370 : memref<1x1x40xi32, #tpu.memory_space<hbm>> -> memref<40xi32, #tpu.memory_space<hbm>>
      %dma_wait3A_372 = tpu.memref_slice %arg20[%dma_wait3A_368] : memref<5x!tpu.dma_semaphore, #tpu.memory_space<semaphore_mem>> -> memref<1x!tpu.dma_semaphore, #tpu.memory_space<semaphore_mem>>
      %dma_wait3A_373 = tpu.memref_squeeze %dma_wait3A_372 : memref<1x!tpu.dma_semaphore, #tpu.memory_space<semaphore_mem>> -> memref<!tpu.dma_semaphore, #tpu.memory_space<semaphore_mem>>
      %dma_wait3A_374 = arith.constant 0 : i32
      %dma_wait3A_375 = tpu.memref_slice %arg4[%add3A, %add3A_367, %dma_wait3A_374] : memref<32x250x40xi32, #tpu.memory_space<hbm>> -> memref<1x1x40xi32, #tpu.memory_space<hbm>>
      %dma_wait3A_376 = tpu.memref_squeeze %dma_wait3A_375 : memref<1x1x40xi32, #tpu.memory_space<hbm>> -> memref<40xi32, #tpu.memory_space<hbm>>
      tpu.wait_dma2 semaphore(%dma_wait3A_373 : memref<!tpu.dma_semaphore, #tpu.memory_space<semaphore_mem>>) src(%dma_wait3A_376 : memref<40xi32, #tpu.memory_space<hbm>>) dst(%arg12 : memref<40xi32, #tpu.memory_space<vmem>>)
      %mul3A_377 = arith.constant 40 : i32
      %mul3A_378 = arith.muli %add3A_367, %mul3A_377 : i32
      %dma_wait3A_379 = arith.constant 4 : i32
      %dma_wait3A_380 = tpu.memref_slice %arg7[%mul3A_378] : memref<10000xi32, #tpu.memory_space<vmem>> -> memref<40xi32, #tpu.memory_space<vmem>>
      %dma_wait3A_381 = arith.constant 0 : i32
      %dma_wait3A_382 = arith.constant 0 : i32
      %dma_wait3A_383 = tpu.memref_slice %arg2[%dma_wait3A_381, %dma_wait3A_382] : memref<10000x128xf32, #tpu.memory_space<hbm>> -> memref<10000x128xf32, #tpu.memory_space<hbm>>
      %dma_wait3A_384 = tpu.memref_slice %arg19[%dma_wait3A_379] : memref<5x!tpu.dma_semaphore, #tpu.memory_space<semaphore_mem>> -> memref<1x!tpu.dma_semaphore, #tpu.memory_space<semaphore_mem>>
      %dma_wait3A_385 = tpu.memref_squeeze %dma_wait3A_384 : memref<1x!tpu.dma_semaphore, #tpu.memory_space<semaphore_mem>> -> memref<!tpu.dma_semaphore, #tpu.memory_space<semaphore_mem>>
      tpu.wait_indirect_dma semaphore(%dma_wait3A_385 : memref<!tpu.dma_semaphore, #tpu.memory_space<semaphore_mem>>) src(%dma_wait3A_383 : memref<10000x128xf32, #tpu.memory_space<hbm>>) dst(%arg17 : memref<40x128xf32, #tpu.memory_space<vmem>>)
      "tpu.region"() ({
        %run_scoped3A = tpu.sem_alloc : memref<!tpu.dma_semaphore, #tpu.memory_space<semaphore_mem>>
        %dma_start3A_406 = arith.constant 0 : i32
        %dma_start3A_407 = arith.constant 0 : i32
        %dma_start3A_408 = tpu.memref_slice %arg18[%dma_start3A_406, %dma_start3A_407] : memref<10240x128xf32, #tpu.memory_space<vmem_shared>> -> memref<10240x128xf32, #tpu.memory_space<vmem_shared>>
        tpu.enqueue_indirect_dma source(%arg17 : memref<40x128xf32, #tpu.memory_space<vmem>>) target(%dma_start3A_408 : memref<10240x128xf32, #tpu.memory_space<vmem_shared>>) offsets(%arg12 : memref<40xi32, #tpu.memory_space<vmem>>) semaphore(%run_scoped3A : memref<!tpu.dma_semaphore, #tpu.memory_space<semaphore_mem>>) {add = true}
        %dma_wait3A_409 = arith.constant 0 : i32
        %dma_wait3A_410 = arith.constant 0 : i32
        %dma_wait3A_411 = tpu.memref_slice %arg18[%dma_wait3A_409, %dma_wait3A_410] : memref<10240x128xf32, #tpu.memory_space<vmem_shared>> -> memref<10240x128xf32, #tpu.memory_space<vmem_shared>>
        tpu.wait_indirect_dma semaphore(%run_scoped3A : memref<!tpu.dma_semaphore, #tpu.memory_space<semaphore_mem>>) src(%arg17 : memref<40x128xf32, #tpu.memory_space<vmem>>) dst(%dma_wait3A_411 : memref<10240x128xf32, #tpu.memory_space<vmem_shared>>)
        tpu.yield
      }) : () -> ()
      %add3A_386 = arith.constant 5 : i32
      %add3A_387 = arith.addi %add3A_367, %add3A_386 : i32
      %dma_start3A_388 = arith.constant 4 : i32
      %dma_start3A_389 = arith.constant 0 : i32
      %dma_start3A_390 = tpu.memref_slice %arg4[%add3A, %add3A_387, %dma_start3A_389] : memref<32x250x40xi32, #tpu.memory_space<hbm>> -> memref<1x1x40xi32, #tpu.memory_space<hbm>>
      %dma_start3A_391 = tpu.memref_squeeze %dma_start3A_390 : memref<1x1x40xi32, #tpu.memory_space<hbm>> -> memref<40xi32, #tpu.memory_space<hbm>>
      %dma_start3A_392 = tpu.memref_slice %arg20[%dma_start3A_388] : memref<5x!tpu.dma_semaphore, #tpu.memory_space<semaphore_mem>> -> memref<1x!tpu.dma_semaphore, #tpu.memory_space<semaphore_mem>>
      %dma_start3A_393 = tpu.memref_squeeze %dma_start3A_392 : memref<1x!tpu.dma_semaphore, #tpu.memory_space<semaphore_mem>> -> memref<!tpu.dma_semaphore, #tpu.memory_space<semaphore_mem>>
      %dma_start3A_394 = arith.constant 0 : i32
      %dma_start3A_395 = tpu.memref_slice %arg4[%add3A, %add3A_387, %dma_start3A_394] : memref<32x250x40xi32, #tpu.memory_space<hbm>> -> memref<1x1x40xi32, #tpu.memory_space<hbm>>
      %dma_start3A_396 = tpu.memref_squeeze %dma_start3A_395 : memref<1x1x40xi32, #tpu.memory_space<hbm>> -> memref<40xi32, #tpu.memory_space<hbm>>
      tpu.enqueue_dma source(%dma_start3A_396 : memref<40xi32, #tpu.memory_space<hbm>>) target(%arg12 : memref<40xi32, #tpu.memory_space<vmem>>) target_semaphore(%dma_start3A_393 : memref<!tpu.dma_semaphore, #tpu.memory_space<semaphore_mem>>)
      %mul3A_397 = arith.constant 40 : i32
      %mul3A_398 = arith.muli %add3A_387, %mul3A_397 : i32
      %dma_start3A_399 = arith.constant 4 : i32
      %dma_start3A_400 = tpu.memref_slice %arg7[%mul3A_398] : memref<10000xi32, #tpu.memory_space<vmem>> -> memref<40xi32, #tpu.memory_space<vmem>>
      %dma_start3A_401 = arith.constant 0 : i32
      %dma_start3A_402 = arith.constant 0 : i32
      %dma_start3A_403 = tpu.memref_slice %arg2[%dma_start3A_401, %dma_start3A_402] : memref<10000x128xf32, #tpu.memory_space<hbm>> -> memref<10000x128xf32, #tpu.memory_space<hbm>>
      %dma_start3A_404 = tpu.memref_slice %arg19[%dma_start3A_399] : memref<5x!tpu.dma_semaphore, #tpu.memory_space<semaphore_mem>> -> memref<1x!tpu.dma_semaphore, #tpu.memory_space<semaphore_mem>>
      %dma_start3A_405 = tpu.memref_squeeze %dma_start3A_404 : memref<1x!tpu.dma_semaphore, #tpu.memory_space<semaphore_mem>> -> memref<!tpu.dma_semaphore, #tpu.memory_space<semaphore_mem>>
      tpu.enqueue_indirect_dma source(%dma_start3A_403 : memref<10000x128xf32, #tpu.memory_space<hbm>>) target(%arg17 : memref<40x128xf32, #tpu.memory_space<vmem>>) offsets(%dma_start3A_400 : memref<40xi32, #tpu.memory_space<vmem>>) semaphore(%dma_start3A_405 : memref<!tpu.dma_semaphore, #tpu.memory_space<semaphore_mem>>)
    }
    %scan3A_100 = arith.constant 49 : i32
    %dma_wait3A = arith.constant 245 : i32
    %dma_wait3A_101 = arith.constant 0 : i32
    %dma_wait3A_102 = arith.constant 0 : i32
    %dma_wait3A_103 = tpu.memref_slice %arg4[%add3A, %dma_wait3A, %dma_wait3A_102] : memref<32x250x40xi32, #tpu.memory_space<hbm>> -> memref<1x1x40xi32, #tpu.memory_space<hbm>>
    %dma_wait3A_104 = tpu.memref_squeeze %dma_wait3A_103 : memref<1x1x40xi32, #tpu.memory_space<hbm>> -> memref<40xi32, #tpu.memory_space<hbm>>
    %dma_wait3A_105 = tpu.memref_slice %arg20[%dma_wait3A_101] : memref<5x!tpu.dma_semaphore, #tpu.memory_space<semaphore_mem>> -> memref<1x!tpu.dma_semaphore, #tpu.memory_space<semaphore_mem>>
    %dma_wait3A_106 = tpu.memref_squeeze %dma_wait3A_105 : memref<1x!tpu.dma_semaphore, #tpu.memory_space<semaphore_mem>> -> memref<!tpu.dma_semaphore, #tpu.memory_space<semaphore_mem>>
    %dma_wait3A_107 = arith.constant 0 : i32
    %dma_wait3A_108 = tpu.memref_slice %arg4[%add3A, %dma_wait3A, %dma_wait3A_107] : memref<32x250x40xi32, #tpu.memory_space<hbm>> -> memref<1x1x40xi32, #tpu.memory_space<hbm>>
    %dma_wait3A_109 = tpu.memref_squeeze %dma_wait3A_108 : memref<1x1x40xi32, #tpu.memory_space<hbm>> -> memref<40xi32, #tpu.memory_space<hbm>>
    tpu.wait_dma2 semaphore(%dma_wait3A_106 : memref<!tpu.dma_semaphore, #tpu.memory_space<semaphore_mem>>) src(%dma_wait3A_109 : memref<40xi32, #tpu.memory_space<hbm>>) dst(%arg8 : memref<40xi32, #tpu.memory_space<vmem>>)
    %dma_wait3A_110 = arith.constant 0 : i32
    %dma_wait3A_111 = arith.constant 9800 : i32
    %dma_wait3A_112 = tpu.memref_slice %arg7[%dma_wait3A_111] : memref<10000xi32, #tpu.memory_space<vmem>> -> memref<40xi32, #tpu.memory_space<vmem>>
    %dma_wait3A_113 = arith.constant 0 : i32
    %dma_wait3A_114 = arith.constant 0 : i32
    %dma_wait3A_115 = tpu.memref_slice %arg2[%dma_wait3A_113, %dma_wait3A_114] : memref<10000x128xf32, #tpu.memory_space<hbm>> -> memref<10000x128xf32, #tpu.memory_space<hbm>>
    %dma_wait3A_116 = tpu.memref_slice %arg19[%dma_wait3A_110] : memref<5x!tpu.dma_semaphore, #tpu.memory_space<semaphore_mem>> -> memref<1x!tpu.dma_semaphore, #tpu.memory_space<semaphore_mem>>
    %dma_wait3A_117 = tpu.memref_squeeze %dma_wait3A_116 : memref<1x!tpu.dma_semaphore, #tpu.memory_space<semaphore_mem>> -> memref<!tpu.dma_semaphore, #tpu.memory_space<semaphore_mem>>
    tpu.wait_indirect_dma semaphore(%dma_wait3A_117 : memref<!tpu.dma_semaphore, #tpu.memory_space<semaphore_mem>>) src(%dma_wait3A_115 : memref<10000x128xf32, #tpu.memory_space<hbm>>) dst(%arg13 : memref<40x128xf32, #tpu.memory_space<vmem>>)
    "tpu.region"() ({
      %run_scoped3A = tpu.sem_alloc : memref<!tpu.dma_semaphore, #tpu.memory_space<semaphore_mem>>
      %dma_start3A_195 = arith.constant 0 : i32
      %dma_start3A_196 = arith.constant 0 : i32
      %dma_start3A_197 = tpu.memref_slice %arg18[%dma_start3A_195, %dma_start3A_196] : memref<10240x128xf32, #tpu.memory_space<vmem_shared>> -> memref<10240x128xf32, #tpu.memory_space<vmem_shared>>
      tpu.enqueue_indirect_dma source(%arg13 : memref<40x128xf32, #tpu.memory_space<vmem>>) target(%dma_start3A_197 : memref<10240x128xf32, #tpu.memory_space<vmem_shared>>) offsets(%arg8 : memref<40xi32, #tpu.memory_space<vmem>>) semaphore(%run_scoped3A : memref<!tpu.dma_semaphore, #tpu.memory_space<semaphore_mem>>) {add = true}
      %dma_wait3A_198 = arith.constant 0 : i32
      %dma_wait3A_199 = arith.constant 0 : i32
      %dma_wait3A_200 = tpu.memref_slice %arg18[%dma_wait3A_198, %dma_wait3A_199] : memref<10240x128xf32, #tpu.memory_space<vmem_shared>> -> memref<10240x128xf32, #tpu.memory_space<vmem_shared>>
      tpu.wait_indirect_dma semaphore(%run_scoped3A : memref<!tpu.dma_semaphore, #tpu.memory_space<semaphore_mem>>) src(%arg13 : memref<40x128xf32, #tpu.memory_space<vmem>>) dst(%dma_wait3A_200 : memref<10240x128xf32, #tpu.memory_space<vmem_shared>>)
      tpu.yield
    }) : () -> ()
    %dma_wait3A_118 = arith.constant 246 : i32
    %dma_wait3A_119 = arith.constant 1 : i32
    %dma_wait3A_120 = arith.constant 0 : i32
    %dma_wait3A_121 = tpu.memref_slice %arg4[%add3A, %dma_wait3A_118, %dma_wait3A_120] : memref<32x250x40xi32, #tpu.memory_space<hbm>> -> memref<1x1x40xi32, #tpu.memory_space<hbm>>
    %dma_wait3A_122 = tpu.memref_squeeze %dma_wait3A_121 : memref<1x1x40xi32, #tpu.memory_space<hbm>> -> memref<40xi32, #tpu.memory_space<hbm>>
    %dma_wait3A_123 = tpu.memref_slice %arg20[%dma_wait3A_119] : memref<5x!tpu.dma_semaphore, #tpu.memory_space<semaphore_mem>> -> memref<1x!tpu.dma_semaphore, #tpu.memory_space<semaphore_mem>>
    %dma_wait3A_124 = tpu.memref_squeeze %dma_wait3A_123 : memref<1x!tpu.dma_semaphore, #tpu.memory_space<semaphore_mem>> -> memref<!tpu.dma_semaphore, #tpu.memory_space<semaphore_mem>>
    %dma_wait3A_125 = arith.constant 0 : i32
    %dma_wait3A_126 = tpu.memref_slice %arg4[%add3A, %dma_wait3A_118, %dma_wait3A_125] : memref<32x250x40xi32, #tpu.memory_space<hbm>> -> memref<1x1x40xi32, #tpu.memory_space<hbm>>
    %dma_wait3A_127 = tpu.memref_squeeze %dma_wait3A_126 : memref<1x1x40xi32, #tpu.memory_space<hbm>> -> memref<40xi32, #tpu.memory_space<hbm>>
    tpu.wait_dma2 semaphore(%dma_wait3A_124 : memref<!tpu.dma_semaphore, #tpu.memory_space<semaphore_mem>>) src(%dma_wait3A_127 : memref<40xi32, #tpu.memory_space<hbm>>) dst(%arg9 : memref<40xi32, #tpu.memory_space<vmem>>)
    %dma_wait3A_128 = arith.constant 1 : i32
    %dma_wait3A_129 = arith.constant 9840 : i32
    %dma_wait3A_130 = tpu.memref_slice %arg7[%dma_wait3A_129] : memref<10000xi32, #tpu.memory_space<vmem>> -> memref<40xi32, #tpu.memory_space<vmem>>
    %dma_wait3A_131 = arith.constant 0 : i32
    %dma_wait3A_132 = arith.constant 0 : i32
    %dma_wait3A_133 = tpu.memref_slice %arg2[%dma_wait3A_131, %dma_wait3A_132] : memref<10000x128xf32, #tpu.memory_space<hbm>> -> memref<10000x128xf32, #tpu.memory_space<hbm>>
    %dma_wait3A_134 = tpu.memref_slice %arg19[%dma_wait3A_128] : memref<5x!tpu.dma_semaphore, #tpu.memory_space<semaphore_mem>> -> memref<1x!tpu.dma_semaphore, #tpu.memory_space<semaphore_mem>>
    %dma_wait3A_135 = tpu.memref_squeeze %dma_wait3A_134 : memref<1x!tpu.dma_semaphore, #tpu.memory_space<semaphore_mem>> -> memref<!tpu.dma_semaphore, #tpu.memory_space<semaphore_mem>>
    tpu.wait_indirect_dma semaphore(%dma_wait3A_135 : memref<!tpu.dma_semaphore, #tpu.memory_space<semaphore_mem>>) src(%dma_wait3A_133 : memref<10000x128xf32, #tpu.memory_space<hbm>>) dst(%arg14 : memref<40x128xf32, #tpu.memory_space<vmem>>)
    "tpu.region"() ({
      %run_scoped3A = tpu.sem_alloc : memref<!tpu.dma_semaphore, #tpu.memory_space<semaphore_mem>>
      %dma_start3A_195 = arith.constant 0 : i32
      %dma_start3A_196 = arith.constant 0 : i32
      %dma_start3A_197 = tpu.memref_slice %arg18[%dma_start3A_195, %dma_start3A_196] : memref<10240x128xf32, #tpu.memory_space<vmem_shared>> -> memref<10240x128xf32, #tpu.memory_space<vmem_shared>>
      tpu.enqueue_indirect_dma source(%arg14 : memref<40x128xf32, #tpu.memory_space<vmem>>) target(%dma_start3A_197 : memref<10240x128xf32, #tpu.memory_space<vmem_shared>>) offsets(%arg9 : memref<40xi32, #tpu.memory_space<vmem>>) semaphore(%run_scoped3A : memref<!tpu.dma_semaphore, #tpu.memory_space<semaphore_mem>>) {add = true}
      %dma_wait3A_198 = arith.constant 0 : i32
      %dma_wait3A_199 = arith.constant 0 : i32
      %dma_wait3A_200 = tpu.memref_slice %arg18[%dma_wait3A_198, %dma_wait3A_199] : memref<10240x128xf32, #tpu.memory_space<vmem_shared>> -> memref<10240x128xf32, #tpu.memory_space<vmem_shared>>
      tpu.wait_indirect_dma semaphore(%run_scoped3A : memref<!tpu.dma_semaphore, #tpu.memory_space<semaphore_mem>>) src(%arg14 : memref<40x128xf32, #tpu.memory_space<vmem>>) dst(%dma_wait3A_200 : memref<10240x128xf32, #tpu.memory_space<vmem_shared>>)
      tpu.yield
    }) : () -> ()
    %dma_wait3A_136 = arith.constant 247 : i32
    %dma_wait3A_137 = arith.constant 2 : i32
    %dma_wait3A_138 = arith.constant 0 : i32
    %dma_wait3A_139 = tpu.memref_slice %arg4[%add3A, %dma_wait3A_136, %dma_wait3A_138] : memref<32x250x40xi32, #tpu.memory_space<hbm>> -> memref<1x1x40xi32, #tpu.memory_space<hbm>>
    %dma_wait3A_140 = tpu.memref_squeeze %dma_wait3A_139 : memref<1x1x40xi32, #tpu.memory_space<hbm>> -> memref<40xi32, #tpu.memory_space<hbm>>
    %dma_wait3A_141 = tpu.memref_slice %arg20[%dma_wait3A_137] : memref<5x!tpu.dma_semaphore, #tpu.memory_space<semaphore_mem>> -> memref<1x!tpu.dma_semaphore, #tpu.memory_space<semaphore_mem>>
    %dma_wait3A_142 = tpu.memref_squeeze %dma_wait3A_141 : memref<1x!tpu.dma_semaphore, #tpu.memory_space<semaphore_mem>> -> memref<!tpu.dma_semaphore, #tpu.memory_space<semaphore_mem>>
    %dma_wait3A_143 = arith.constant 0 : i32
    %dma_wait3A_144 = tpu.memref_slice %arg4[%add3A, %dma_wait3A_136, %dma_wait3A_143] : memref<32x250x40xi32, #tpu.memory_space<hbm>> -> memref<1x1x40xi32, #tpu.memory_space<hbm>>
    %dma_wait3A_145 = tpu.memref_squeeze %dma_wait3A_144 : memref<1x1x40xi32, #tpu.memory_space<hbm>> -> memref<40xi32, #tpu.memory_space<hbm>>
    tpu.wait_dma2 semaphore(%dma_wait3A_142 : memref<!tpu.dma_semaphore, #tpu.memory_space<semaphore_mem>>) src(%dma_wait3A_145 : memref<40xi32, #tpu.memory_space<hbm>>) dst(%arg10 : memref<40xi32, #tpu.memory_space<vmem>>)
    %dma_wait3A_146 = arith.constant 2 : i32
    %dma_wait3A_147 = arith.constant 9880 : i32
    %dma_wait3A_148 = tpu.memref_slice %arg7[%dma_wait3A_147] : memref<10000xi32, #tpu.memory_space<vmem>> -> memref<40xi32, #tpu.memory_space<vmem>>
    %dma_wait3A_149 = arith.constant 0 : i32
    %dma_wait3A_150 = arith.constant 0 : i32
    %dma_wait3A_151 = tpu.memref_slice %arg2[%dma_wait3A_149, %dma_wait3A_150] : memref<10000x128xf32, #tpu.memory_space<hbm>> -> memref<10000x128xf32, #tpu.memory_space<hbm>>
    %dma_wait3A_152 = tpu.memref_slice %arg19[%dma_wait3A_146] : memref<5x!tpu.dma_semaphore, #tpu.memory_space<semaphore_mem>> -> memref<1x!tpu.dma_semaphore, #tpu.memory_space<semaphore_mem>>
    %dma_wait3A_153 = tpu.memref_squeeze %dma_wait3A_152 : memref<1x!tpu.dma_semaphore, #tpu.memory_space<semaphore_mem>> -> memref<!tpu.dma_semaphore, #tpu.memory_space<semaphore_mem>>
    tpu.wait_indirect_dma semaphore(%dma_wait3A_153 : memref<!tpu.dma_semaphore, #tpu.memory_space<semaphore_mem>>) src(%dma_wait3A_151 : memref<10000x128xf32, #tpu.memory_space<hbm>>) dst(%arg15 : memref<40x128xf32, #tpu.memory_space<vmem>>)
    "tpu.region"() ({
      %run_scoped3A = tpu.sem_alloc : memref<!tpu.dma_semaphore, #tpu.memory_space<semaphore_mem>>
      %dma_start3A_195 = arith.constant 0 : i32
      %dma_start3A_196 = arith.constant 0 : i32
      %dma_start3A_197 = tpu.memref_slice %arg18[%dma_start3A_195, %dma_start3A_196] : memref<10240x128xf32, #tpu.memory_space<vmem_shared>> -> memref<10240x128xf32, #tpu.memory_space<vmem_shared>>
      tpu.enqueue_indirect_dma source(%arg15 : memref<40x128xf32, #tpu.memory_space<vmem>>) target(%dma_start3A_197 : memref<10240x128xf32, #tpu.memory_space<vmem_shared>>) offsets(%arg10 : memref<40xi32, #tpu.memory_space<vmem>>) semaphore(%run_scoped3A : memref<!tpu.dma_semaphore, #tpu.memory_space<semaphore_mem>>) {add = true}
      %dma_wait3A_198 = arith.constant 0 : i32
      %dma_wait3A_199 = arith.constant 0 : i32
      %dma_wait3A_200 = tpu.memref_slice %arg18[%dma_wait3A_198, %dma_wait3A_199] : memref<10240x128xf32, #tpu.memory_space<vmem_shared>> -> memref<10240x128xf32, #tpu.memory_space<vmem_shared>>
      tpu.wait_indirect_dma semaphore(%run_scoped3A : memref<!tpu.dma_semaphore, #tpu.memory_space<semaphore_mem>>) src(%arg15 : memref<40x128xf32, #tpu.memory_space<vmem>>) dst(%dma_wait3A_200 : memref<10240x128xf32, #tpu.memory_space<vmem_shared>>)
      tpu.yield
    }) : () -> ()
    %dma_wait3A_154 = arith.constant 248 : i32
    %dma_wait3A_155 = arith.constant 3 : i32
    %dma_wait3A_156 = arith.constant 0 : i32
    %dma_wait3A_157 = tpu.memref_slice %arg4[%add3A, %dma_wait3A_154, %dma_wait3A_156] : memref<32x250x40xi32, #tpu.memory_space<hbm>> -> memref<1x1x40xi32, #tpu.memory_space<hbm>>
    %dma_wait3A_158 = tpu.memref_squeeze %dma_wait3A_157 : memref<1x1x40xi32, #tpu.memory_space<hbm>> -> memref<40xi32, #tpu.memory_space<hbm>>
    %dma_wait3A_159 = tpu.memref_slice %arg20[%dma_wait3A_155] : memref<5x!tpu.dma_semaphore, #tpu.memory_space<semaphore_mem>> -> memref<1x!tpu.dma_semaphore, #tpu.memory_space<semaphore_mem>>
    %dma_wait3A_160 = tpu.memref_squeeze %dma_wait3A_159 : memref<1x!tpu.dma_semaphore, #tpu.memory_space<semaphore_mem>> -> memref<!tpu.dma_semaphore, #tpu.memory_space<semaphore_mem>>
    %dma_wait3A_161 = arith.constant 0 : i32
    %dma_wait3A_162 = tpu.memref_slice %arg4[%add3A, %dma_wait3A_154, %dma_wait3A_161] : memref<32x250x40xi32, #tpu.memory_space<hbm>> -> memref<1x1x40xi32, #tpu.memory_space<hbm>>
    %dma_wait3A_163 = tpu.memref_squeeze %dma_wait3A_162 : memref<1x1x40xi32, #tpu.memory_space<hbm>> -> memref<40xi32, #tpu.memory_space<hbm>>
    tpu.wait_dma2 semaphore(%dma_wait3A_160 : memref<!tpu.dma_semaphore, #tpu.memory_space<semaphore_mem>>) src(%dma_wait3A_163 : memref<40xi32, #tpu.memory_space<hbm>>) dst(%arg11 : memref<40xi32, #tpu.memory_space<vmem>>)
    %dma_wait3A_164 = arith.constant 3 : i32
    %dma_wait3A_165 = arith.constant 9920 : i32
    %dma_wait3A_166 = tpu.memref_slice %arg7[%dma_wait3A_165] : memref<10000xi32, #tpu.memory_space<vmem>> -> memref<40xi32, #tpu.memory_space<vmem>>
    %dma_wait3A_167 = arith.constant 0 : i32
    %dma_wait3A_168 = arith.constant 0 : i32
    %dma_wait3A_169 = tpu.memref_slice %arg2[%dma_wait3A_167, %dma_wait3A_168] : memref<10000x128xf32, #tpu.memory_space<hbm>> -> memref<10000x128xf32, #tpu.memory_space<hbm>>
    %dma_wait3A_170 = tpu.memref_slice %arg19[%dma_wait3A_164] : memref<5x!tpu.dma_semaphore, #tpu.memory_space<semaphore_mem>> -> memref<1x!tpu.dma_semaphore, #tpu.memory_space<semaphore_mem>>
    %dma_wait3A_171 = tpu.memref_squeeze %dma_wait3A_170 : memref<1x!tpu.dma_semaphore, #tpu.memory_space<semaphore_mem>> -> memref<!tpu.dma_semaphore, #tpu.memory_space<semaphore_mem>>
    tpu.wait_indirect_dma semaphore(%dma_wait3A_171 : memref<!tpu.dma_semaphore, #tpu.memory_space<semaphore_mem>>) src(%dma_wait3A_169 : memref<10000x128xf32, #tpu.memory_space<hbm>>) dst(%arg16 : memref<40x128xf32, #tpu.memory_space<vmem>>)
    "tpu.region"() ({
      %run_scoped3A = tpu.sem_alloc : memref<!tpu.dma_semaphore, #tpu.memory_space<semaphore_mem>>
      %dma_start3A_195 = arith.constant 0 : i32
      %dma_start3A_196 = arith.constant 0 : i32
      %dma_start3A_197 = tpu.memref_slice %arg18[%dma_start3A_195, %dma_start3A_196] : memref<10240x128xf32, #tpu.memory_space<vmem_shared>> -> memref<10240x128xf32, #tpu.memory_space<vmem_shared>>
      tpu.enqueue_indirect_dma source(%arg16 : memref<40x128xf32, #tpu.memory_space<vmem>>) target(%dma_start3A_197 : memref<10240x128xf32, #tpu.memory_space<vmem_shared>>) offsets(%arg11 : memref<40xi32, #tpu.memory_space<vmem>>) semaphore(%run_scoped3A : memref<!tpu.dma_semaphore, #tpu.memory_space<semaphore_mem>>) {add = true}
      %dma_wait3A_198 = arith.constant 0 : i32
      %dma_wait3A_199 = arith.constant 0 : i32
      %dma_wait3A_200 = tpu.memref_slice %arg18[%dma_wait3A_198, %dma_wait3A_199] : memref<10240x128xf32, #tpu.memory_space<vmem_shared>> -> memref<10240x128xf32, #tpu.memory_space<vmem_shared>>
      tpu.wait_indirect_dma semaphore(%run_scoped3A : memref<!tpu.dma_semaphore, #tpu.memory_space<semaphore_mem>>) src(%arg16 : memref<40x128xf32, #tpu.memory_space<vmem>>) dst(%dma_wait3A_200 : memref<10240x128xf32, #tpu.memory_space<vmem_shared>>)
      tpu.yield
    }) : () -> ()
    %dma_wait3A_172 = arith.constant 249 : i32
    %dma_wait3A_173 = arith.constant 4 : i32
    %dma_wait3A_174 = arith.constant 0 : i32
    %dma_wait3A_175 = tpu.memref_slice %arg4[%add3A, %dma_wait3A_172, %dma_wait3A_174] : memref<32x250x40xi32, #tpu.memory_space<hbm>> -> memref<1x1x40xi32, #tpu.memory_space<hbm>>
    %dma_wait3A_176 = tpu.memref_squeeze %dma_wait3A_175 : memref<1x1x40xi32, #tpu.memory_space<hbm>> -> memref<40xi32, #tpu.memory_space<hbm>>
    %dma_wait3A_177 = tpu.memref_slice %arg20[%dma_wait3A_173] : memref<5x!tpu.dma_semaphore, #tpu.memory_space<semaphore_mem>> -> memref<1x!tpu.dma_semaphore, #tpu.memory_space<semaphore_mem>>
    %dma_wait3A_178 = tpu.memref_squeeze %dma_wait3A_177 : memref<1x!tpu.dma_semaphore, #tpu.memory_space<semaphore_mem>> -> memref<!tpu.dma_semaphore, #tpu.memory_space<semaphore_mem>>
    %dma_wait3A_179 = arith.constant 0 : i32
    %dma_wait3A_180 = tpu.memref_slice %arg4[%add3A, %dma_wait3A_172, %dma_wait3A_179] : memref<32x250x40xi32, #tpu.memory_space<hbm>> -> memref<1x1x40xi32, #tpu.memory_space<hbm>>
    %dma_wait3A_181 = tpu.memref_squeeze %dma_wait3A_180 : memref<1x1x40xi32, #tpu.memory_space<hbm>> -> memref<40xi32, #tpu.memory_space<hbm>>
    tpu.wait_dma2 semaphore(%dma_wait3A_178 : memref<!tpu.dma_semaphore, #tpu.memory_space<semaphore_mem>>) src(%dma_wait3A_181 : memref<40xi32, #tpu.memory_space<hbm>>) dst(%arg12 : memref<40xi32, #tpu.memory_space<vmem>>)
    %dma_wait3A_182 = arith.constant 4 : i32
    %dma_wait3A_183 = arith.constant 9960 : i32
    %dma_wait3A_184 = tpu.memref_slice %arg7[%dma_wait3A_183] : memref<10000xi32, #tpu.memory_space<vmem>> -> memref<40xi32, #tpu.memory_space<vmem>>
    %dma_wait3A_185 = arith.constant 0 : i32
    %dma_wait3A_186 = arith.constant 0 : i32
    %dma_wait3A_187 = tpu.memref_slice %arg2[%dma_wait3A_185, %dma_wait3A_186] : memref<10000x128xf32, #tpu.memory_space<hbm>> -> memref<10000x128xf32, #tpu.memory_space<hbm>>
    %dma_wait3A_188 = tpu.memref_slice %arg19[%dma_wait3A_182] : memref<5x!tpu.dma_semaphore, #tpu.memory_space<semaphore_mem>> -> memref<1x!tpu.dma_semaphore, #tpu.memory_space<semaphore_mem>>
    %dma_wait3A_189 = tpu.memref_squeeze %dma_wait3A_188 : memref<1x!tpu.dma_semaphore, #tpu.memory_space<semaphore_mem>> -> memref<!tpu.dma_semaphore, #tpu.memory_space<semaphore_mem>>
    tpu.wait_indirect_dma semaphore(%dma_wait3A_189 : memref<!tpu.dma_semaphore, #tpu.memory_space<semaphore_mem>>) src(%dma_wait3A_187 : memref<10000x128xf32, #tpu.memory_space<hbm>>) dst(%arg17 : memref<40x128xf32, #tpu.memory_space<vmem>>)
    "tpu.region"() ({
      %run_scoped3A = tpu.sem_alloc : memref<!tpu.dma_semaphore, #tpu.memory_space<semaphore_mem>>
      %dma_start3A_195 = arith.constant 0 : i32
      %dma_start3A_196 = arith.constant 0 : i32
      %dma_start3A_197 = tpu.memref_slice %arg18[%dma_start3A_195, %dma_start3A_196] : memref<10240x128xf32, #tpu.memory_space<vmem_shared>> -> memref<10240x128xf32, #tpu.memory_space<vmem_shared>>
      tpu.enqueue_indirect_dma source(%arg17 : memref<40x128xf32, #tpu.memory_space<vmem>>) target(%dma_start3A_197 : memref<10240x128xf32, #tpu.memory_space<vmem_shared>>) offsets(%arg12 : memref<40xi32, #tpu.memory_space<vmem>>) semaphore(%run_scoped3A : memref<!tpu.dma_semaphore, #tpu.memory_space<semaphore_mem>>) {add = true}
      %dma_wait3A_198 = arith.constant 0 : i32
      %dma_wait3A_199 = arith.constant 0 : i32
      %dma_wait3A_200 = tpu.memref_slice %arg18[%dma_wait3A_198, %dma_wait3A_199] : memref<10240x128xf32, #tpu.memory_space<vmem_shared>> -> memref<10240x128xf32, #tpu.memory_space<vmem_shared>>
      tpu.wait_indirect_dma semaphore(%run_scoped3A : memref<!tpu.dma_semaphore, #tpu.memory_space<semaphore_mem>>) src(%arg17 : memref<40x128xf32, #tpu.memory_space<vmem>>) dst(%dma_wait3A_200 : memref<10240x128xf32, #tpu.memory_space<vmem_shared>>)
      tpu.yield
    }) : () -> ()
    %barrier3A_190 = arith.constant 0 : index
    tpu.barrier barrier_id(%barrier3A_190)
    %mul3A_191 = arith.constant 640 : i32
    %mul3A_192 = arith.muli %arg1, %mul3A_191 : i32
    %mul3A_193 = arith.constant 640 : i32
    %mul3A_194 = arith.muli %arg1, %mul3A_193 : i32
    "tpu.region"() ({
      %run_scoped3A = tpu.sem_alloc : memref<!tpu.dma_semaphore, #tpu.memory_space<semaphore_mem>>
      %dma_start3A_195 = arith.constant 0 : i32
      %dma_start3A_196 = tpu.memref_slice %arg6[%arg0, %mul3A_194, %dma_start3A_195] : memref<2x10240x128xf32, #tpu.memory_space<hbm>> -> memref<1x640x128xf32, #tpu.memory_space<hbm>>
      %dma_start3A_197 = tpu.memref_squeeze %dma_start3A_196 : memref<1x640x128xf32, #tpu.memory_space<hbm>> -> memref<640x128xf32, #tpu.memory_space<hbm>>
      %dma_start3A_198 = arith.constant 0 : i32
      %dma_start3A_199 = tpu.memref_slice %arg18[%mul3A_192, %dma_start3A_198] : memref<10240x128xf32, #tpu.memory_space<vmem_shared>> -> memref<640x128xf32, #tpu.memory_space<vmem_shared>>
      tpu.enqueue_dma source(%dma_start3A_199 : memref<640x128xf32, #tpu.memory_space<vmem_shared>>) target(%dma_start3A_197 : memref<640x128xf32, #tpu.memory_space<hbm>>) target_semaphore(%run_scoped3A : memref<!tpu.dma_semaphore, #tpu.memory_space<semaphore_mem>>)
      %dma_wait3A_200 = arith.constant 0 : i32
      %dma_wait3A_201 = tpu.memref_slice %arg6[%arg0, %mul3A_194, %dma_wait3A_200] : memref<2x10240x128xf32, #tpu.memory_space<hbm>> -> memref<1x640x128xf32, #tpu.memory_space<hbm>>
      %dma_wait3A_202 = tpu.memref_squeeze %dma_wait3A_201 : memref<1x640x128xf32, #tpu.memory_space<hbm>> -> memref<640x128xf32, #tpu.memory_space<hbm>>
      %dma_wait3A_203 = arith.constant 0 : i32
      %dma_wait3A_204 = tpu.memref_slice %arg18[%mul3A_192, %dma_wait3A_203] : memref<10240x128xf32, #tpu.memory_space<vmem_shared>> -> memref<640x128xf32, #tpu.memory_space<vmem_shared>>
      tpu.wait_dma2 semaphore(%run_scoped3A : memref<!tpu.dma_semaphore, #tpu.memory_space<semaphore_mem>>) src(%dma_wait3A_204 : memref<640x128xf32, #tpu.memory_space<vmem_shared>>) dst(%dma_wait3A_202 : memref<640x128xf32, #tpu.memory_space<hbm>>)
      tpu.yield
    }) : () -> ()
    return
  }
}

#map = affine_map<(d0, d1) -> (0)>
#map1 = affine_map<(d0, d1) -> (0, 0)>
#map2 = affine_map<(d0, d1) -> (0, 0, 0)>
module attributes {stable_mosaic.version = 14 : i64} {
  func.func @_deg_body(%arg0: i32, %arg1: i32, %arg2: memref<320000xi32, #tpu.memory_space<hbm>>, %arg3: memref<80x128xf32, #tpu.memory_space<hbm>>, %arg4: memref<2x80x128xf32, #tpu.memory_space<hbm>>, %arg5: memref<10000xi32, #tpu.memory_space<vmem>>, %arg6: memref<80x128xf32, #tpu.memory_space<vmem>>, %arg7: memref<80xi32, #tpu.memory_space<vmem>>, %arg8: memref<80x128xf32, #tpu.memory_space<vmem_shared>>, %arg9: memref<!tpu.dma_semaphore, #tpu.memory_space<semaphore_mem>>) attributes {dimension_semantics = [#tpu.dimension_semantics<core_parallel>, #tpu.dimension_semantics<subcore_parallel>], iteration_bounds = array<i64: 2, 16>, scalar_prefetch = 0 : i64, scratch_operands = 5 : i64, tpu.core_type = #tpu.core_type<sc_vector_subcore>, window_params = [{transform_indices = #map}, {transform_indices = #map1}, {transform_indices = #map2}]} {
    %mul3A = arith.constant 2 : i32
    %mul3A_0 = arith.muli %arg1, %mul3A : i32
    %add3A = arith.addi %mul3A_0, %arg0 : i32
    %eq3A = arith.constant 0 : i32
    %eq3A_1 = arith.cmpi eq, %arg1, %eq3A : i32
    %convert_element_type3A = arith.extui %eq3A_1 : i1 to i32
    %cond3A = arith.constant 0 : i32
    %cond3A_2 = arith.cmpi ne, %convert_element_type3A, %cond3A : i32
    scf.if %cond3A_2 {
      "tpu.region"() ({
        %run_scoped3A = tpu.sem_alloc : memref<!tpu.dma_semaphore, #tpu.memory_space<semaphore_mem>>
        tpu.enqueue_dma source(%arg3 : memref<80x128xf32, #tpu.memory_space<hbm>>) target(%arg8 : memref<80x128xf32, #tpu.memory_space<vmem_shared>>) target_semaphore(%run_scoped3A : memref<!tpu.dma_semaphore, #tpu.memory_space<semaphore_mem>>)
        tpu.wait_dma2 semaphore(%run_scoped3A : memref<!tpu.dma_semaphore, #tpu.memory_space<semaphore_mem>>) src(%arg3 : memref<80x128xf32, #tpu.memory_space<hbm>>) dst(%arg8 : memref<80x128xf32, #tpu.memory_space<vmem_shared>>)
        tpu.yield
      }) : () -> ()
    } else {
    }
    %scan3A = arith.constant 0 : i32
    %scan3A_3 = arith.constant 0 : i32
    %scan3A_4 = arith.constant 80 : i32
    %scan3A_5 = arith.addi %scan3A_3, %scan3A_4 : i32
    %scan3A_6 = arith.constant 1 : i32
    scf.for %scan3A_51 = %scan3A_3 to %scan3A_5 step %scan3A_6  : i32 {
      %scan3A_52 = arith.constant 0 : i32
      %scan3A_53 = arith.constant 8 : i32
      %scan3A_54 = arith.addi %scan3A_52, %scan3A_53 : i32
      %scan3A_55 = arith.constant 1 : i32
      scf.for %scan3A_57 = %scan3A_52 to %scan3A_54 step %scan3A_55  : i32 {
        %broadcast_in_dim3A_58 = arith.constant 0.000000e+00 : f32
        %broadcast_in_dim3A_59 = vector.broadcast %broadcast_in_dim3A_58 : f32 to vector<16xf32>
        %mul3A_60 = arith.constant 16 : i32
        %mul3A_61 = arith.muli %scan3A_57, %mul3A_60 : i32
        %swap3A_62 = arith.index_cast %scan3A_51 : i32 to index
        %swap3A_63 = arith.index_cast %mul3A_61 : i32 to index
        %swap3A_64 = tpu.vector_load %arg6[%swap3A_62, %swap3A_63] {strides = array<i32>} : memref<80x128xf32, #tpu.memory_space<vmem>>, vector<16xf32>,
        tpu.vector_store %arg6[%swap3A_62, %swap3A_63], %broadcast_in_dim3A_59 {strides = array<i32>} : memref<80x128xf32, #tpu.memory_space<vmem>>, vector<16xf32>,
      }
      %scan3A_56 = arith.constant 8 : i32
    }
    %scan3A_7 = arith.constant 80 : i32
    %mul3A_8 = arith.constant 10000 : i32
    %mul3A_9 = arith.muli %add3A, %mul3A_8 : i32
    "tpu.region"() ({
      %run_scoped3A = tpu.sem_alloc : memref<!tpu.dma_semaphore, #tpu.memory_space<semaphore_mem>>
      %dma_start3A = tpu.memref_slice %arg2[%mul3A_9] : memref<320000xi32, #tpu.memory_space<hbm>> -> memref<10000xi32, #tpu.memory_space<hbm>>
      %dma_start3A_51 = tpu.memref_slice %arg2[%mul3A_9] : memref<320000xi32, #tpu.memory_space<hbm>> -> memref<10000xi32, #tpu.memory_space<hbm>>
      tpu.enqueue_dma source(%dma_start3A_51 : memref<10000xi32, #tpu.memory_space<hbm>>) target(%arg5 : memref<10000xi32, #tpu.memory_space<vmem>>) target_semaphore(%run_scoped3A : memref<!tpu.dma_semaphore, #tpu.memory_space<semaphore_mem>>)
      %dma_wait3A = tpu.memref_slice %arg2[%mul3A_9] : memref<320000xi32, #tpu.memory_space<hbm>> -> memref<10000xi32, #tpu.memory_space<hbm>>
      %dma_wait3A_52 = tpu.memref_slice %arg2[%mul3A_9] : memref<320000xi32, #tpu.memory_space<hbm>> -> memref<10000xi32, #tpu.memory_space<hbm>>
      tpu.wait_dma2 semaphore(%run_scoped3A : memref<!tpu.dma_semaphore, #tpu.memory_space<semaphore_mem>>) src(%dma_wait3A_52 : memref<10000xi32, #tpu.memory_space<hbm>>) dst(%arg5 : memref<10000xi32, #tpu.memory_space<vmem>>)
      tpu.yield
    }) : () -> ()
    %iota3A = tpu.iota {dimensions = array<i32: 0>} : vector<16xi32>
    %add3A_10 = arith.constant 0 : i32
    %add3A_11 = vector.broadcast %add3A_10 : i32 to vector<16xi32>
    %add3A_12 = arith.addi %iota3A, %add3A_11 : vector<16xi32>
    %swap3A = arith.constant 0 : index
    %swap3A_13 = tpu.vector_load %arg7[%swap3A] {strides = array<i32>} : memref<80xi32, #tpu.memory_space<vmem>>, vector<16xi32>,
    tpu.vector_store %arg7[%swap3A], %add3A_12 {strides = array<i32>} : memref<80xi32, #tpu.memory_space<vmem>>, vector<16xi32>,
    %iota3A_14 = tpu.iota {dimensions = array<i32: 0>} : vector<16xi32>
    %add3A_15 = arith.constant 16 : i32
    %add3A_16 = vector.broadcast %add3A_15 : i32 to vector<16xi32>
    %add3A_17 = arith.addi %iota3A_14, %add3A_16 : vector<16xi32>
    %swap3A_18 = arith.constant 16 : index
    %swap3A_19 = tpu.vector_load %arg7[%swap3A_18] {strides = array<i32>} : memref<80xi32, #tpu.memory_space<vmem>>, vector<16xi32>,
    tpu.vector_store %arg7[%swap3A_18], %add3A_17 {strides = array<i32>} : memref<80xi32, #tpu.memory_space<vmem>>, vector<16xi32>,
    %iota3A_20 = tpu.iota {dimensions = array<i32: 0>} : vector<16xi32>
    %add3A_21 = arith.constant 32 : i32
    %add3A_22 = vector.broadcast %add3A_21 : i32 to vector<16xi32>
    %add3A_23 = arith.addi %iota3A_20, %add3A_22 : vector<16xi32>
    %swap3A_24 = arith.constant 32 : index
    %swap3A_25 = tpu.vector_load %arg7[%swap3A_24] {strides = array<i32>} : memref<80xi32, #tpu.memory_space<vmem>>, vector<16xi32>,
    tpu.vector_store %arg7[%swap3A_24], %add3A_23 {strides = array<i32>} : memref<80xi32, #tpu.memory_space<vmem>>, vector<16xi32>,
    %iota3A_26 = tpu.iota {dimensions = array<i32: 0>} : vector<16xi32>
    %add3A_27 = arith.constant 48 : i32
    %add3A_28 = vector.broadcast %add3A_27 : i32 to vector<16xi32>
    %add3A_29 = arith.addi %iota3A_26, %add3A_28 : vector<16xi32>
    %swap3A_30 = arith.constant 48 : index
    %swap3A_31 = tpu.vector_load %arg7[%swap3A_30] {strides = array<i32>} : memref<80xi32, #tpu.memory_space<vmem>>, vector<16xi32>,
    tpu.vector_store %arg7[%swap3A_30], %add3A_29 {strides = array<i32>} : memref<80xi32, #tpu.memory_space<vmem>>, vector<16xi32>,
    %iota3A_32 = tpu.iota {dimensions = array<i32: 0>} : vector<16xi32>
    %add3A_33 = arith.constant 64 : i32
    %add3A_34 = vector.broadcast %add3A_33 : i32 to vector<16xi32>
    %add3A_35 = arith.addi %iota3A_32, %add3A_34 : vector<16xi32>
    %swap3A_36 = arith.constant 64 : index
    %swap3A_37 = tpu.vector_load %arg7[%swap3A_36] {strides = array<i32>} : memref<80xi32, #tpu.memory_space<vmem>>, vector<16xi32>,
    tpu.vector_store %arg7[%swap3A_36], %add3A_35 {strides = array<i32>} : memref<80xi32, #tpu.memory_space<vmem>>, vector<16xi32>,
    %broadcast_in_dim3A = arith.constant 1.000000e+00 : f32
    %broadcast_in_dim3A_38 = vector.broadcast %broadcast_in_dim3A : f32 to vector<16xf32>
    %scan3A_39 = arith.constant 0 : i32
    %scan3A_40 = arith.constant 0 : i32
    %scan3A_41 = arith.constant 625 : i32
    %scan3A_42 = arith.addi %scan3A_40, %scan3A_41 : i32
    %scan3A_43 = arith.constant 1 : i32
    scf.for %scan3A_51 = %scan3A_40 to %scan3A_42 step %scan3A_43  : i32 {
      %mul3A_52 = arith.constant 16 : i32
      %mul3A_53 = arith.muli %scan3A_51, %mul3A_52 : i32
      %get3A = arith.index_cast %mul3A_53 : i32 to index
      %get3A_54 = tpu.vector_load %arg5[%get3A] {strides = array<i32>} : memref<10000xi32, #tpu.memory_space<vmem>>, vector<16xi32>,
      %shift_right_logical3A = arith.constant 7 : i32
      %shift_right_logical3A_55 = vector.broadcast %shift_right_logical3A : i32 to vector<16xi32>
      %shift_right_logical3A_56 = arith.shrui %get3A_54, %shift_right_logical3A_55 : vector<16xi32>
      %and3A = arith.constant 127 : i32
      %and3A_57 = vector.broadcast %and3A : i32 to vector<16xi32>
      %and3A_58 = arith.andi %get3A_54, %and3A_57 : vector<16xi32>
      tpu.vector_store_idx %arg6[%shift_right_logical3A_56, %and3A_58], %broadcast_in_dim3A_38 {add = true} : memref<80x128xf32, #tpu.memory_space<vmem>>[vector<16xi32>, vector<16xi32>], vector<16xf32>,
    }
    %scan3A_44 = arith.constant 625 : i32
    %barrier3A = arith.constant 0 : index
    tpu.barrier barrier_id(%barrier3A)
    "tpu.region"() ({
      %run_scoped3A = tpu.sem_alloc : memref<!tpu.dma_semaphore, #tpu.memory_space<semaphore_mem>>
      %dma_start3A = arith.constant 0 : i32
      %dma_start3A_51 = arith.constant 0 : i32
      %dma_start3A_52 = tpu.memref_slice %arg8[%dma_start3A, %dma_start3A_51] : memref<80x128xf32, #tpu.memory_space<vmem_shared>> -> memref<80x128xf32, #tpu.memory_space<vmem_shared>>
      tpu.enqueue_indirect_dma source(%arg6 : memref<80x128xf32, #tpu.memory_space<vmem>>) target(%dma_start3A_52 : memref<80x128xf32, #tpu.memory_space<vmem_shared>>) offsets(%arg7 : memref<80xi32, #tpu.memory_space<vmem>>) semaphore(%run_scoped3A : memref<!tpu.dma_semaphore, #tpu.memory_space<semaphore_mem>>) {add = true}
      %dma_wait3A = arith.constant 0 : i32
      %dma_wait3A_53 = arith.constant 0 : i32
      %dma_wait3A_54 = tpu.memref_slice %arg8[%dma_wait3A, %dma_wait3A_53] : memref<80x128xf32, #tpu.memory_space<vmem_shared>> -> memref<80x128xf32, #tpu.memory_space<vmem_shared>>
      tpu.wait_indirect_dma semaphore(%run_scoped3A : memref<!tpu.dma_semaphore, #tpu.memory_space<semaphore_mem>>) src(%arg6 : memref<80x128xf32, #tpu.memory_space<vmem>>) dst(%dma_wait3A_54 : memref<80x128xf32, #tpu.memory_space<vmem_shared>>)
      tpu.yield
    }) : () -> ()
    %barrier3A_45 = arith.constant 0 : index
    tpu.barrier barrier_id(%barrier3A_45)
    %eq3A_46 = arith.constant 0 : i32
    %eq3A_47 = arith.cmpi eq, %arg1, %eq3A_46 : i32
    %convert_element_type3A_48 = arith.extui %eq3A_47 : i1 to i32
    %cond3A_49 = arith.constant 0 : i32
    %cond3A_50 = arith.cmpi ne, %convert_element_type3A_48, %cond3A_49 : i32
    scf.if %cond3A_50 {
      "tpu.region"() ({
        %run_scoped3A = tpu.sem_alloc : memref<!tpu.dma_semaphore, #tpu.memory_space<semaphore_mem>>
        %dma_start3A = arith.constant 0 : i32
        %dma_start3A_51 = arith.constant 0 : i32
        %dma_start3A_52 = tpu.memref_slice %arg4[%arg0, %dma_start3A, %dma_start3A_51] : memref<2x80x128xf32, #tpu.memory_space<hbm>> -> memref<1x80x128xf32, #tpu.memory_space<hbm>>
        %dma_start3A_53 = tpu.memref_squeeze %dma_start3A_52 : memref<1x80x128xf32, #tpu.memory_space<hbm>> -> memref<80x128xf32, #tpu.memory_space<hbm>>
        tpu.enqueue_dma source(%arg8 : memref<80x128xf32, #tpu.memory_space<vmem_shared>>) target(%dma_start3A_53 : memref<80x128xf32, #tpu.memory_space<hbm>>) target_semaphore(%run_scoped3A : memref<!tpu.dma_semaphore, #tpu.memory_space<semaphore_mem>>)
        %dma_wait3A = arith.constant 0 : i32
        %dma_wait3A_54 = arith.constant 0 : i32
        %dma_wait3A_55 = tpu.memref_slice %arg4[%arg0, %dma_wait3A, %dma_wait3A_54] : memref<2x80x128xf32, #tpu.memory_space<hbm>> -> memref<1x80x128xf32, #tpu.memory_space<hbm>>
        %dma_wait3A_56 = tpu.memref_squeeze %dma_wait3A_55 : memref<1x80x128xf32, #tpu.memory_space<hbm>> -> memref<80x128xf32, #tpu.memory_space<hbm>>
        tpu.wait_dma2 semaphore(%run_scoped3A : memref<!tpu.dma_semaphore, #tpu.memory_space<semaphore_mem>>) src(%arg8 : memref<80x128xf32, #tpu.memory_space<vmem_shared>>) dst(%dma_wait3A_56 : memref<80x128xf32, #tpu.memory_space<hbm>>)
        tpu.yield
      }) : () -> ()
    } else {
    }
    return
  }
}

#map = affine_map<(d0, d1) -> (0, 0)>
#map1 = affine_map<(d0, d1) -> (0)>
#map2 = affine_map<(d0, d1) -> (0, 0, 0)>
module attributes {stable_mosaic.version = 14 : i64} {
  func.func @_edge_body(%arg0: i32, %arg1: i32, %arg2: memref<10000x128xf32, #tpu.memory_space<hbm>>, %arg3: memref<320000xi32, #tpu.memory_space<hbm>>, %arg4: memref<32x250x40xi32, #tpu.memory_space<hbm>>, %arg5: memref<10240x128xf32, #tpu.memory_space<hbm>>, %arg6: memref<2x10240x128xf32, #tpu.memory_space<hbm>>, %arg7: memref<10000xi32, #tpu.memory_space<vmem>>, %arg8: memref<40xi32, #tpu.memory_space<vmem>>, %arg9: memref<40xi32, #tpu.memory_space<vmem>>, %arg10: memref<40xi32, #tpu.memory_space<vmem>>, %arg11: memref<40xi32, #tpu.memory_space<vmem>>, %arg12: memref<40xi32, #tpu.memory_space<vmem>>, %arg13: memref<40x128xf32, #tpu.memory_space<vmem>>, %arg14: memref<40x128xf32, #tpu.memory_space<vmem>>, %arg15: memref<40x128xf32, #tpu.memory_space<vmem>>, %arg16: memref<40x128xf32, #tpu.memory_space<vmem>>, %arg17: memref<40x128xf32, #tpu.memory_space<vmem>>, %arg18: memref<10240x128xf32, #tpu.memory_space<vmem_shared>>, %arg19: memref<5x!tpu.dma_semaphore, #tpu.memory_space<semaphore_mem>>, %arg20: memref<5x!tpu.dma_semaphore, #tpu.memory_space<semaphore_mem>>) attributes {dimension_semantics = [#tpu.dimension_semantics<core_parallel>, #tpu.dimension_semantics<subcore_parallel>], iteration_bounds = array<i64: 2, 16>, scalar_prefetch = 0 : i64, scratch_operands = 14 : i64, tpu.core_type = #tpu.core_type<sc_vector_subcore>, window_params = [{transform_indices = #map}, {transform_indices = #map1}, {transform_indices = #map2}, {transform_indices = #map}, {transform_indices = #map2}]} {
    %mul3A = arith.constant 2 : i32
    %mul3A_0 = arith.muli %arg1, %mul3A : i32
    %add3A = arith.addi %mul3A_0, %arg0 : i32
    %mul3A_1 = arith.constant 640 : i32
    %mul3A_2 = arith.muli %arg1, %mul3A_1 : i32
    %mul3A_3 = arith.constant 640 : i32
    %mul3A_4 = arith.muli %arg1, %mul3A_3 : i32
    "tpu.region"() ({
      %run_scoped3A = tpu.sem_alloc : memref<!tpu.dma_semaphore, #tpu.memory_space<semaphore_mem>>
      %dma_start3A_195 = arith.constant 0 : i32
      %dma_start3A_196 = tpu.memref_slice %arg18[%mul3A_4, %dma_start3A_195] : memref<10240x128xf32, #tpu.memory_space<vmem_shared>> -> memref<640x128xf32, #tpu.memory_space<vmem_shared>>
      %dma_start3A_197 = arith.constant 0 : i32
      %dma_start3A_198 = tpu.memref_slice %arg5[%mul3A_2, %dma_start3A_197] : memref<10240x128xf32, #tpu.memory_space<hbm>> -> memref<640x128xf32, #tpu.memory_space<hbm>>
      tpu.enqueue_dma source(%dma_start3A_198 : memref<640x128xf32, #tpu.memory_space<hbm>>) target(%dma_start3A_196 : memref<640x128xf32, #tpu.memory_space<vmem_shared>>) target_semaphore(%run_scoped3A : memref<!tpu.dma_semaphore, #tpu.memory_space<semaphore_mem>>)
      %dma_wait3A_199 = arith.constant 0 : i32
      %dma_wait3A_200 = tpu.memref_slice %arg18[%mul3A_4, %dma_wait3A_199] : memref<10240x128xf32, #tpu.memory_space<vmem_shared>> -> memref<640x128xf32, #tpu.memory_space<vmem_shared>>
      %dma_wait3A_201 = arith.constant 0 : i32
      %dma_wait3A_202 = tpu.memref_slice %arg5[%mul3A_2, %dma_wait3A_201] : memref<10240x128xf32, #tpu.memory_space<hbm>> -> memref<640x128xf32, #tpu.memory_space<hbm>>
      tpu.wait_dma2 semaphore(%run_scoped3A : memref<!tpu.dma_semaphore, #tpu.memory_space<semaphore_mem>>) src(%dma_wait3A_202 : memref<640x128xf32, #tpu.memory_space<hbm>>) dst(%dma_wait3A_200 : memref<640x128xf32, #tpu.memory_space<vmem_shared>>)
      tpu.yield
    }) : () -> ()
    %mul3A_5 = arith.constant 10000 : i32
    %mul3A_6 = arith.muli %add3A, %mul3A_5 : i32
    "tpu.region"() ({
      %run_scoped3A = tpu.sem_alloc : memref<!tpu.dma_semaphore, #tpu.memory_space<semaphore_mem>>
      %dma_start3A_195 = tpu.memref_slice %arg3[%mul3A_6] : memref<320000xi32, #tpu.memory_space<hbm>> -> memref<10000xi32, #tpu.memory_space<hbm>>
      %dma_start3A_196 = tpu.memref_slice %arg3[%mul3A_6] : memref<320000xi32, #tpu.memory_space<hbm>> -> memref<10000xi32, #tpu.memory_space<hbm>>
      tpu.enqueue_dma source(%dma_start3A_196 : memref<10000xi32, #tpu.memory_space<hbm>>) target(%arg7 : memref<10000xi32, #tpu.memory_space<vmem>>) target_semaphore(%run_scoped3A : memref<!tpu.dma_semaphore, #tpu.memory_space<semaphore_mem>>)
      %dma_wait3A_197 = tpu.memref_slice %arg3[%mul3A_6] : memref<320000xi32, #tpu.memory_space<hbm>> -> memref<10000xi32, #tpu.memory_space<hbm>>
      %dma_wait3A_198 = tpu.memref_slice %arg3[%mul3A_6] : memref<320000xi32, #tpu.memory_space<hbm>> -> memref<10000xi32, #tpu.memory_space<hbm>>
      tpu.wait_dma2 semaphore(%run_scoped3A : memref<!tpu.dma_semaphore, #tpu.memory_space<semaphore_mem>>) src(%dma_wait3A_198 : memref<10000xi32, #tpu.memory_space<hbm>>) dst(%arg7 : memref<10000xi32, #tpu.memory_space<vmem>>)
      tpu.yield
    }) : () -> ()
    %barrier3A = arith.constant 0 : index
    tpu.barrier barrier_id(%barrier3A)
    %dma_start3A = arith.constant 0 : i32
    %dma_start3A_7 = arith.constant 0 : i32
    %dma_start3A_8 = arith.constant 0 : i32
    %dma_start3A_9 = tpu.memref_slice %arg4[%add3A, %dma_start3A, %dma_start3A_8] : memref<32x250x40xi32, #tpu.memory_space<hbm>> -> memref<1x1x40xi32, #tpu.memory_space<hbm>>
    %dma_start3A_10 = tpu.memref_squeeze %dma_start3A_9 : memref<1x1x40xi32, #tpu.memory_space<hbm>> -> memref<40xi32, #tpu.memory_space<hbm>>
    %dma_start3A_11 = tpu.memref_slice %arg20[%dma_start3A_7] : memref<5x!tpu.dma_semaphore, #tpu.memory_space<semaphore_mem>> -> memref<1x!tpu.dma_semaphore, #tpu.memory_space<semaphore_mem>>
    %dma_start3A_12 = tpu.memref_squeeze %dma_start3A_11 : memref<1x!tpu.dma_semaphore, #tpu.memory_space<semaphore_mem>> -> memref<!tpu.dma_semaphore, #tpu.memory_space<semaphore_mem>>
    %dma_start3A_13 = arith.constant 0 : i32
    %dma_start3A_14 = tpu.memref_slice %arg4[%add3A, %dma_start3A, %dma_start3A_13] : memref<32x250x40xi32, #tpu.memory_space<hbm>> -> memref<1x1x40xi32, #tpu.memory_space<hbm>>
    %dma_start3A_15 = tpu.memref_squeeze %dma_start3A_14 : memref<1x1x40xi32, #tpu.memory_space<hbm>> -> memref<40xi32, #tpu.memory_space<hbm>>
    tpu.enqueue_dma source(%dma_start3A_15 : memref<40xi32, #tpu.memory_space<hbm>>) target(%arg8 : memref<40xi32, #tpu.memory_space<vmem>>) target_semaphore(%dma_start3A_12 : memref<!tpu.dma_semaphore, #tpu.memory_space<semaphore_mem>>)
    %dma_start3A_16 = arith.constant 0 : i32
    %dma_start3A_17 = arith.constant 0 : i32
    %dma_start3A_18 = tpu.memref_slice %arg7[%dma_start3A_17] : memref<10000xi32, #tpu.memory_space<vmem>> -> memref<40xi32, #tpu.memory_space<vmem>>
    %dma_start3A_19 = arith.constant 0 : i32
    %dma_start3A_20 = arith.constant 0 : i32
    %dma_start3A_21 = tpu.memref_slice %arg2[%dma_start3A_19, %dma_start3A_20] : memref<10000x128xf32, #tpu.memory_space<hbm>> -> memref<10000x128xf32, #tpu.memory_space<hbm>>
    %dma_start3A_22 = tpu.memref_slice %arg19[%dma_start3A_16] : memref<5x!tpu.dma_semaphore, #tpu.memory_space<semaphore_mem>> -> memref<1x!tpu.dma_semaphore, #tpu.memory_space<semaphore_mem>>
    %dma_start3A_23 = tpu.memref_squeeze %dma_start3A_22 : memref<1x!tpu.dma_semaphore, #tpu.memory_space<semaphore_mem>> -> memref<!tpu.dma_semaphore, #tpu.memory_space<semaphore_mem>>
    tpu.enqueue_indirect_dma source(%dma_start3A_21 : memref<10000x128xf32, #tpu.memory_space<hbm>>) target(%arg13 : memref<40x128xf32, #tpu.memory_space<vmem>>) offsets(%dma_start3A_18 : memref<40xi32, #tpu.memory_space<vmem>>) semaphore(%dma_start3A_23 : memref<!tpu.dma_semaphore, #tpu.memory_space<semaphore_mem>>)
    %dma_start3A_24 = arith.constant 1 : i32
    %dma_start3A_25 = arith.constant 1 : i32
    %dma_start3A_26 = arith.constant 0 : i32
    %dma_start3A_27 = tpu.memref_slice %arg4[%add3A, %dma_start3A_24, %dma_start3A_26] : memref<32x250x40xi32, #tpu.memory_space<hbm>> -> memref<1x1x40xi32, #tpu.memory_space<hbm>>
    %dma_start3A_28 = tpu.memref_squeeze %dma_start3A_27 : memref<1x1x40xi32, #tpu.memory_space<hbm>> -> memref<40xi32, #tpu.memory_space<hbm>>
    %dma_start3A_29 = tpu.memref_slice %arg20[%dma_start3A_25] : memref<5x!tpu.dma_semaphore, #tpu.memory_space<semaphore_mem>> -> memref<1x!tpu.dma_semaphore, #tpu.memory_space<semaphore_mem>>
    %dma_start3A_30 = tpu.memref_squeeze %dma_start3A_29 : memref<1x!tpu.dma_semaphore, #tpu.memory_space<semaphore_mem>> -> memref<!tpu.dma_semaphore, #tpu.memory_space<semaphore_mem>>
    %dma_start3A_31 = arith.constant 0 : i32
    %dma_start3A_32 = tpu.memref_slice %arg4[%add3A, %dma_start3A_24, %dma_start3A_31] : memref<32x250x40xi32, #tpu.memory_space<hbm>> -> memref<1x1x40xi32, #tpu.memory_space<hbm>>
    %dma_start3A_33 = tpu.memref_squeeze %dma_start3A_32 : memref<1x1x40xi32, #tpu.memory_space<hbm>> -> memref<40xi32, #tpu.memory_space<hbm>>
    tpu.enqueue_dma source(%dma_start3A_33 : memref<40xi32, #tpu.memory_space<hbm>>) target(%arg9 : memref<40xi32, #tpu.memory_space<vmem>>) target_semaphore(%dma_start3A_30 : memref<!tpu.dma_semaphore, #tpu.memory_space<semaphore_mem>>)
    %dma_start3A_34 = arith.constant 1 : i32
    %dma_start3A_35 = arith.constant 40 : i32
    %dma_start3A_36 = tpu.memref_slice %arg7[%dma_start3A_35] : memref<10000xi32, #tpu.memory_space<vmem>> -> memref<40xi32, #tpu.memory_space<vmem>>
    %dma_start3A_37 = arith.constant 0 : i32
    %dma_start3A_38 = arith.constant 0 : i32
    %dma_start3A_39 = tpu.memref_slice %arg2[%dma_start3A_37, %dma_start3A_38] : memref<10000x128xf32, #tpu.memory_space<hbm>> -> memref<10000x128xf32, #tpu.memory_space<hbm>>
    %dma_start3A_40 = tpu.memref_slice %arg19[%dma_start3A_34] : memref<5x!tpu.dma_semaphore, #tpu.memory_space<semaphore_mem>> -> memref<1x!tpu.dma_semaphore, #tpu.memory_space<semaphore_mem>>
    %dma_start3A_41 = tpu.memref_squeeze %dma_start3A_40 : memref<1x!tpu.dma_semaphore, #tpu.memory_space<semaphore_mem>> -> memref<!tpu.dma_semaphore, #tpu.memory_space<semaphore_mem>>
    tpu.enqueue_indirect_dma source(%dma_start3A_39 : memref<10000x128xf32, #tpu.memory_space<hbm>>) target(%arg14 : memref<40x128xf32, #tpu.memory_space<vmem>>) offsets(%dma_start3A_36 : memref<40xi32, #tpu.memory_space<vmem>>) semaphore(%dma_start3A_41 : memref<!tpu.dma_semaphore, #tpu.memory_space<semaphore_mem>>)
    %dma_start3A_42 = arith.constant 2 : i32
    %dma_start3A_43 = arith.constant 2 : i32
    %dma_start3A_44 = arith.constant 0 : i32
    %dma_start3A_45 = tpu.memref_slice %arg4[%add3A, %dma_start3A_42, %dma_start3A_44] : memref<32x250x40xi32, #tpu.memory_space<hbm>> -> memref<1x1x40xi32, #tpu.memory_space<hbm>>
    %dma_start3A_46 = tpu.memref_squeeze %dma_start3A_45 : memref<1x1x40xi32, #tpu.memory_space<hbm>> -> memref<40xi32, #tpu.memory_space<hbm>>
    %dma_start3A_47 = tpu.memref_slice %arg20[%dma_start3A_43] : memref<5x!tpu.dma_semaphore, #tpu.memory_space<semaphore_mem>> -> memref<1x!tpu.dma_semaphore, #tpu.memory_space<semaphore_mem>>
    %dma_start3A_48 = tpu.memref_squeeze %dma_start3A_47 : memref<1x!tpu.dma_semaphore, #tpu.memory_space<semaphore_mem>> -> memref<!tpu.dma_semaphore, #tpu.memory_space<semaphore_mem>>
    %dma_start3A_49 = arith.constant 0 : i32
    %dma_start3A_50 = tpu.memref_slice %arg4[%add3A, %dma_start3A_42, %dma_start3A_49] : memref<32x250x40xi32, #tpu.memory_space<hbm>> -> memref<1x1x40xi32, #tpu.memory_space<hbm>>
    %dma_start3A_51 = tpu.memref_squeeze %dma_start3A_50 : memref<1x1x40xi32, #tpu.memory_space<hbm>> -> memref<40xi32, #tpu.memory_space<hbm>>
    tpu.enqueue_dma source(%dma_start3A_51 : memref<40xi32, #tpu.memory_space<hbm>>) target(%arg10 : memref<40xi32, #tpu.memory_space<vmem>>) target_semaphore(%dma_start3A_48 : memref<!tpu.dma_semaphore, #tpu.memory_space<semaphore_mem>>)
    %dma_start3A_52 = arith.constant 2 : i32
    %dma_start3A_53 = arith.constant 80 : i32
    %dma_start3A_54 = tpu.memref_slice %arg7[%dma_start3A_53] : memref<10000xi32, #tpu.memory_space<vmem>> -> memref<40xi32, #tpu.memory_space<vmem>>
    %dma_start3A_55 = arith.constant 0 : i32
    %dma_start3A_56 = arith.constant 0 : i32
    %dma_start3A_57 = tpu.memref_slice %arg2[%dma_start3A_55, %dma_start3A_56] : memref<10000x128xf32, #tpu.memory_space<hbm>> -> memref<10000x128xf32, #tpu.memory_space<hbm>>
    %dma_start3A_58 = tpu.memref_slice %arg19[%dma_start3A_52] : memref<5x!tpu.dma_semaphore, #tpu.memory_space<semaphore_mem>> -> memref<1x!tpu.dma_semaphore, #tpu.memory_space<semaphore_mem>>
    %dma_start3A_59 = tpu.memref_squeeze %dma_start3A_58 : memref<1x!tpu.dma_semaphore, #tpu.memory_space<semaphore_mem>> -> memref<!tpu.dma_semaphore, #tpu.memory_space<semaphore_mem>>
    tpu.enqueue_indirect_dma source(%dma_start3A_57 : memref<10000x128xf32, #tpu.memory_space<hbm>>) target(%arg15 : memref<40x128xf32, #tpu.memory_space<vmem>>) offsets(%dma_start3A_54 : memref<40xi32, #tpu.memory_space<vmem>>) semaphore(%dma_start3A_59 : memref<!tpu.dma_semaphore, #tpu.memory_space<semaphore_mem>>)
    %dma_start3A_60 = arith.constant 3 : i32
    %dma_start3A_61 = arith.constant 3 : i32
    %dma_start3A_62 = arith.constant 0 : i32
    %dma_start3A_63 = tpu.memref_slice %arg4[%add3A, %dma_start3A_60, %dma_start3A_62] : memref<32x250x40xi32, #tpu.memory_space<hbm>> -> memref<1x1x40xi32, #tpu.memory_space<hbm>>
    %dma_start3A_64 = tpu.memref_squeeze %dma_start3A_63 : memref<1x1x40xi32, #tpu.memory_space<hbm>> -> memref<40xi32, #tpu.memory_space<hbm>>
    %dma_start3A_65 = tpu.memref_slice %arg20[%dma_start3A_61] : memref<5x!tpu.dma_semaphore, #tpu.memory_space<semaphore_mem>> -> memref<1x!tpu.dma_semaphore, #tpu.memory_space<semaphore_mem>>
    %dma_start3A_66 = tpu.memref_squeeze %dma_start3A_65 : memref<1x!tpu.dma_semaphore, #tpu.memory_space<semaphore_mem>> -> memref<!tpu.dma_semaphore, #tpu.memory_space<semaphore_mem>>
    %dma_start3A_67 = arith.constant 0 : i32
    %dma_start3A_68 = tpu.memref_slice %arg4[%add3A, %dma_start3A_60, %dma_start3A_67] : memref<32x250x40xi32, #tpu.memory_space<hbm>> -> memref<1x1x40xi32, #tpu.memory_space<hbm>>
    %dma_start3A_69 = tpu.memref_squeeze %dma_start3A_68 : memref<1x1x40xi32, #tpu.memory_space<hbm>> -> memref<40xi32, #tpu.memory_space<hbm>>
    tpu.enqueue_dma source(%dma_start3A_69 : memref<40xi32, #tpu.memory_space<hbm>>) target(%arg11 : memref<40xi32, #tpu.memory_space<vmem>>) target_semaphore(%dma_start3A_66 : memref<!tpu.dma_semaphore, #tpu.memory_space<semaphore_mem>>)
    %dma_start3A_70 = arith.constant 3 : i32
    %dma_start3A_71 = arith.constant 120 : i32
    %dma_start3A_72 = tpu.memref_slice %arg7[%dma_start3A_71] : memref<10000xi32, #tpu.memory_space<vmem>> -> memref<40xi32, #tpu.memory_space<vmem>>
    %dma_start3A_73 = arith.constant 0 : i32
    %dma_start3A_74 = arith.constant 0 : i32
    %dma_start3A_75 = tpu.memref_slice %arg2[%dma_start3A_73, %dma_start3A_74] : memref<10000x128xf32, #tpu.memory_space<hbm>> -> memref<10000x128xf32, #tpu.memory_space<hbm>>
    %dma_start3A_76 = tpu.memref_slice %arg19[%dma_start3A_70] : memref<5x!tpu.dma_semaphore, #tpu.memory_space<semaphore_mem>> -> memref<1x!tpu.dma_semaphore, #tpu.memory_space<semaphore_mem>>
    %dma_start3A_77 = tpu.memref_squeeze %dma_start3A_76 : memref<1x!tpu.dma_semaphore, #tpu.memory_space<semaphore_mem>> -> memref<!tpu.dma_semaphore, #tpu.memory_space<semaphore_mem>>
    tpu.enqueue_indirect_dma source(%dma_start3A_75 : memref<10000x128xf32, #tpu.memory_space<hbm>>) target(%arg16 : memref<40x128xf32, #tpu.memory_space<vmem>>) offsets(%dma_start3A_72 : memref<40xi32, #tpu.memory_space<vmem>>) semaphore(%dma_start3A_77 : memref<!tpu.dma_semaphore, #tpu.memory_space<semaphore_mem>>)
    %dma_start3A_78 = arith.constant 4 : i32
    %dma_start3A_79 = arith.constant 4 : i32
    %dma_start3A_80 = arith.constant 0 : i32
    %dma_start3A_81 = tpu.memref_slice %arg4[%add3A, %dma_start3A_78, %dma_start3A_80] : memref<32x250x40xi32, #tpu.memory_space<hbm>> -> memref<1x1x40xi32, #tpu.memory_space<hbm>>
    %dma_start3A_82 = tpu.memref_squeeze %dma_start3A_81 : memref<1x1x40xi32, #tpu.memory_space<hbm>> -> memref<40xi32, #tpu.memory_space<hbm>>
    %dma_start3A_83 = tpu.memref_slice %arg20[%dma_start3A_79] : memref<5x!tpu.dma_semaphore, #tpu.memory_space<semaphore_mem>> -> memref<1x!tpu.dma_semaphore, #tpu.memory_space<semaphore_mem>>
    %dma_start3A_84 = tpu.memref_squeeze %dma_start3A_83 : memref<1x!tpu.dma_semaphore, #tpu.memory_space<semaphore_mem>> -> memref<!tpu.dma_semaphore, #tpu.memory_space<semaphore_mem>>
    %dma_start3A_85 = arith.constant 0 : i32
    %dma_start3A_86 = tpu.memref_slice %arg4[%add3A, %dma_start3A_78, %dma_start3A_85] : memref<32x250x40xi32, #tpu.memory_space<hbm>> -> memref<1x1x40xi32, #tpu.memory_space<hbm>>
    %dma_start3A_87 = tpu.memref_squeeze %dma_start3A_86 : memref<1x1x40xi32, #tpu.memory_space<hbm>> -> memref<40xi32, #tpu.memory_space<hbm>>
    tpu.enqueue_dma source(%dma_start3A_87 : memref<40xi32, #tpu.memory_space<hbm>>) target(%arg12 : memref<40xi32, #tpu.memory_space<vmem>>) target_semaphore(%dma_start3A_84 : memref<!tpu.dma_semaphore, #tpu.memory_space<semaphore_mem>>)
    %dma_start3A_88 = arith.constant 4 : i32
    %dma_start3A_89 = arith.constant 160 : i32
    %dma_start3A_90 = tpu.memref_slice %arg7[%dma_start3A_89] : memref<10000xi32, #tpu.memory_space<vmem>> -> memref<40xi32, #tpu.memory_space<vmem>>
    %dma_start3A_91 = arith.constant 0 : i32
    %dma_start3A_92 = arith.constant 0 : i32
    %dma_start3A_93 = tpu.memref_slice %arg2[%dma_start3A_91, %dma_start3A_92] : memref<10000x128xf32, #tpu.memory_space<hbm>> -> memref<10000x128xf32, #tpu.memory_space<hbm>>
    %dma_start3A_94 = tpu.memref_slice %arg19[%dma_start3A_88] : memref<5x!tpu.dma_semaphore, #tpu.memory_space<semaphore_mem>> -> memref<1x!tpu.dma_semaphore, #tpu.memory_space<semaphore_mem>>
    %dma_start3A_95 = tpu.memref_squeeze %dma_start3A_94 : memref<1x!tpu.dma_semaphore, #tpu.memory_space<semaphore_mem>> -> memref<!tpu.dma_semaphore, #tpu.memory_space<semaphore_mem>>
    tpu.enqueue_indirect_dma source(%dma_start3A_93 : memref<10000x128xf32, #tpu.memory_space<hbm>>) target(%arg17 : memref<40x128xf32, #tpu.memory_space<vmem>>) offsets(%dma_start3A_90 : memref<40xi32, #tpu.memory_space<vmem>>) semaphore(%dma_start3A_95 : memref<!tpu.dma_semaphore, #tpu.memory_space<semaphore_mem>>)
    %scan3A = arith.constant 0 : i32
    %scan3A_96 = arith.constant 0 : i32
    %scan3A_97 = arith.constant 49 : i32
    %scan3A_98 = arith.addi %scan3A_96, %scan3A_97 : i32
    %scan3A_99 = arith.constant 1 : i32
    scf.for %scan3A_195 = %scan3A_96 to %scan3A_98 step %scan3A_99  : i32 {
      %mul3A_196 = arith.constant 5 : i32
      %mul3A_197 = arith.muli %scan3A_195, %mul3A_196 : i32
      %add3A_198 = arith.constant 0 : i32
      %add3A_199 = arith.addi %mul3A_197, %add3A_198 : i32
      %dma_wait3A_200 = arith.constant 0 : i32
      %dma_wait3A_201 = arith.constant 0 : i32
      %dma_wait3A_202 = tpu.memref_slice %arg4[%add3A, %add3A_199, %dma_wait3A_201] : memref<32x250x40xi32, #tpu.memory_space<hbm>> -> memref<1x1x40xi32, #tpu.memory_space<hbm>>
      %dma_wait3A_203 = tpu.memref_squeeze %dma_wait3A_202 : memref<1x1x40xi32, #tpu.memory_space<hbm>> -> memref<40xi32, #tpu.memory_space<hbm>>
      %dma_wait3A_204 = tpu.memref_slice %arg20[%dma_wait3A_200] : memref<5x!tpu.dma_semaphore, #tpu.memory_space<semaphore_mem>> -> memref<1x!tpu.dma_semaphore, #tpu.memory_space<semaphore_mem>>
      %dma_wait3A_205 = tpu.memref_squeeze %dma_wait3A_204 : memref<1x!tpu.dma_semaphore, #tpu.memory_space<semaphore_mem>> -> memref<!tpu.dma_semaphore, #tpu.memory_space<semaphore_mem>>
      %dma_wait3A_206 = arith.constant 0 : i32
      %dma_wait3A_207 = tpu.memref_slice %arg4[%add3A, %add3A_199, %dma_wait3A_206] : memref<32x250x40xi32, #tpu.memory_space<hbm>> -> memref<1x1x40xi32, #tpu.memory_space<hbm>>
      %dma_wait3A_208 = tpu.memref_squeeze %dma_wait3A_207 : memref<1x1x40xi32, #tpu.memory_space<hbm>> -> memref<40xi32, #tpu.memory_space<hbm>>
      tpu.wait_dma2 semaphore(%dma_wait3A_205 : memref<!tpu.dma_semaphore, #tpu.memory_space<semaphore_mem>>) src(%dma_wait3A_208 : memref<40xi32, #tpu.memory_space<hbm>>) dst(%arg8 : memref<40xi32, #tpu.memory_space<vmem>>)
      %mul3A_209 = arith.constant 40 : i32
      %mul3A_210 = arith.muli %add3A_199, %mul3A_209 : i32
      %dma_wait3A_211 = arith.constant 0 : i32
      %dma_wait3A_212 = tpu.memref_slice %arg7[%mul3A_210] : memref<10000xi32, #tpu.memory_space<vmem>> -> memref<40xi32, #tpu.memory_space<vmem>>
      %dma_wait3A_213 = arith.constant 0 : i32
      %dma_wait3A_214 = arith.constant 0 : i32
      %dma_wait3A_215 = tpu.memref_slice %arg2[%dma_wait3A_213, %dma_wait3A_214] : memref<10000x128xf32, #tpu.memory_space<hbm>> -> memref<10000x128xf32, #tpu.memory_space<hbm>>
      %dma_wait3A_216 = tpu.memref_slice %arg19[%dma_wait3A_211] : memref<5x!tpu.dma_semaphore, #tpu.memory_space<semaphore_mem>> -> memref<1x!tpu.dma_semaphore, #tpu.memory_space<semaphore_mem>>
      %dma_wait3A_217 = tpu.memref_squeeze %dma_wait3A_216 : memref<1x!tpu.dma_semaphore, #tpu.memory_space<semaphore_mem>> -> memref<!tpu.dma_semaphore, #tpu.memory_space<semaphore_mem>>
      tpu.wait_indirect_dma semaphore(%dma_wait3A_217 : memref<!tpu.dma_semaphore, #tpu.memory_space<semaphore_mem>>) src(%dma_wait3A_215 : memref<10000x128xf32, #tpu.memory_space<hbm>>) dst(%arg13 : memref<40x128xf32, #tpu.memory_space<vmem>>)
      "tpu.region"() ({
        %run_scoped3A = tpu.sem_alloc : memref<!tpu.dma_semaphore, #tpu.memory_space<semaphore_mem>>
        %dma_start3A_406 = arith.constant 0 : i32
        %dma_start3A_407 = arith.constant 0 : i32
        %dma_start3A_408 = tpu.memref_slice %arg18[%dma_start3A_406, %dma_start3A_407] : memref<10240x128xf32, #tpu.memory_space<vmem_shared>> -> memref<10240x128xf32, #tpu.memory_space<vmem_shared>>
        tpu.enqueue_indirect_dma source(%arg13 : memref<40x128xf32, #tpu.memory_space<vmem>>) target(%dma_start3A_408 : memref<10240x128xf32, #tpu.memory_space<vmem_shared>>) offsets(%arg8 : memref<40xi32, #tpu.memory_space<vmem>>) semaphore(%run_scoped3A : memref<!tpu.dma_semaphore, #tpu.memory_space<semaphore_mem>>) {add = true}
        %dma_wait3A_409 = arith.constant 0 : i32
        %dma_wait3A_410 = arith.constant 0 : i32
        %dma_wait3A_411 = tpu.memref_slice %arg18[%dma_wait3A_409, %dma_wait3A_410] : memref<10240x128xf32, #tpu.memory_space<vmem_shared>> -> memref<10240x128xf32, #tpu.memory_space<vmem_shared>>
        tpu.wait_indirect_dma semaphore(%run_scoped3A : memref<!tpu.dma_semaphore, #tpu.memory_space<semaphore_mem>>) src(%arg13 : memref<40x128xf32, #tpu.memory_space<vmem>>) dst(%dma_wait3A_411 : memref<10240x128xf32, #tpu.memory_space<vmem_shared>>)
        tpu.yield
      }) : () -> ()
      %add3A_218 = arith.constant 5 : i32
      %add3A_219 = arith.addi %add3A_199, %add3A_218 : i32
      %dma_start3A_220 = arith.constant 0 : i32
      %dma_start3A_221 = arith.constant 0 : i32
      %dma_start3A_222 = tpu.memref_slice %arg4[%add3A, %add3A_219, %dma_start3A_221] : memref<32x250x40xi32, #tpu.memory_space<hbm>> -> memref<1x1x40xi32, #tpu.memory_space<hbm>>
      %dma_start3A_223 = tpu.memref_squeeze %dma_start3A_222 : memref<1x1x40xi32, #tpu.memory_space<hbm>> -> memref<40xi32, #tpu.memory_space<hbm>>
      %dma_start3A_224 = tpu.memref_slice %arg20[%dma_start3A_220] : memref<5x!tpu.dma_semaphore, #tpu.memory_space<semaphore_mem>> -> memref<1x!tpu.dma_semaphore, #tpu.memory_space<semaphore_mem>>
      %dma_start3A_225 = tpu.memref_squeeze %dma_start3A_224 : memref<1x!tpu.dma_semaphore, #tpu.memory_space<semaphore_mem>> -> memref<!tpu.dma_semaphore, #tpu.memory_space<semaphore_mem>>
      %dma_start3A_226 = arith.constant 0 : i32
      %dma_start3A_227 = tpu.memref_slice %arg4[%add3A, %add3A_219, %dma_start3A_226] : memref<32x250x40xi32, #tpu.memory_space<hbm>> -> memref<1x1x40xi32, #tpu.memory_space<hbm>>
      %dma_start3A_228 = tpu.memref_squeeze %dma_start3A_227 : memref<1x1x40xi32, #tpu.memory_space<hbm>> -> memref<40xi32, #tpu.memory_space<hbm>>
      tpu.enqueue_dma source(%dma_start3A_228 : memref<40xi32, #tpu.memory_space<hbm>>) target(%arg8 : memref<40xi32, #tpu.memory_space<vmem>>) target_semaphore(%dma_start3A_225 : memref<!tpu.dma_semaphore, #tpu.memory_space<semaphore_mem>>)
      %mul3A_229 = arith.constant 40 : i32
      %mul3A_230 = arith.muli %add3A_219, %mul3A_229 : i32
      %dma_start3A_231 = arith.constant 0 : i32
      %dma_start3A_232 = tpu.memref_slice %arg7[%mul3A_230] : memref<10000xi32, #tpu.memory_space<vmem>> -> memref<40xi32, #tpu.memory_space<vmem>>
      %dma_start3A_233 = arith.constant 0 : i32
      %dma_start3A_234 = arith.constant 0 : i32
      %dma_start3A_235 = tpu.memref_slice %arg2[%dma_start3A_233, %dma_start3A_234] : memref<10000x128xf32, #tpu.memory_space<hbm>> -> memref<10000x128xf32, #tpu.memory_space<hbm>>
      %dma_start3A_236 = tpu.memref_slice %arg19[%dma_start3A_231] : memref<5x!tpu.dma_semaphore, #tpu.memory_space<semaphore_mem>> -> memref<1x!tpu.dma_semaphore, #tpu.memory_space<semaphore_mem>>
      %dma_start3A_237 = tpu.memref_squeeze %dma_start3A_236 : memref<1x!tpu.dma_semaphore, #tpu.memory_space<semaphore_mem>> -> memref<!tpu.dma_semaphore, #tpu.memory_space<semaphore_mem>>
      tpu.enqueue_indirect_dma source(%dma_start3A_235 : memref<10000x128xf32, #tpu.memory_space<hbm>>) target(%arg13 : memref<40x128xf32, #tpu.memory_space<vmem>>) offsets(%dma_start3A_232 : memref<40xi32, #tpu.memory_space<vmem>>) semaphore(%dma_start3A_237 : memref<!tpu.dma_semaphore, #tpu.memory_space<semaphore_mem>>)
      %mul3A_238 = arith.constant 5 : i32
      %mul3A_239 = arith.muli %scan3A_195, %mul3A_238 : i32
      %add3A_240 = arith.constant 1 : i32
      %add3A_241 = arith.addi %mul3A_239, %add3A_240 : i32
      %dma_wait3A_242 = arith.constant 1 : i32
      %dma_wait3A_243 = arith.constant 0 : i32
      %dma_wait3A_244 = tpu.memref_slice %arg4[%add3A, %add3A_241, %dma_wait3A_243] : memref<32x250x40xi32, #tpu.memory_space<hbm>> -> memref<1x1x40xi32, #tpu.memory_space<hbm>>
      %dma_wait3A_245 = tpu.memref_squeeze %dma_wait3A_244 : memref<1x1x40xi32, #tpu.memory_space<hbm>> -> memref<40xi32, #tpu.memory_space<hbm>>
      %dma_wait3A_246 = tpu.memref_slice %arg20[%dma_wait3A_242] : memref<5x!tpu.dma_semaphore, #tpu.memory_space<semaphore_mem>> -> memref<1x!tpu.dma_semaphore, #tpu.memory_space<semaphore_mem>>
      %dma_wait3A_247 = tpu.memref_squeeze %dma_wait3A_246 : memref<1x!tpu.dma_semaphore, #tpu.memory_space<semaphore_mem>> -> memref<!tpu.dma_semaphore, #tpu.memory_space<semaphore_mem>>
      %dma_wait3A_248 = arith.constant 0 : i32
      %dma_wait3A_249 = tpu.memref_slice %arg4[%add3A, %add3A_241, %dma_wait3A_248] : memref<32x250x40xi32, #tpu.memory_space<hbm>> -> memref<1x1x40xi32, #tpu.memory_space<hbm>>
      %dma_wait3A_250 = tpu.memref_squeeze %dma_wait3A_249 : memref<1x1x40xi32, #tpu.memory_space<hbm>> -> memref<40xi32, #tpu.memory_space<hbm>>
      tpu.wait_dma2 semaphore(%dma_wait3A_247 : memref<!tpu.dma_semaphore, #tpu.memory_space<semaphore_mem>>) src(%dma_wait3A_250 : memref<40xi32, #tpu.memory_space<hbm>>) dst(%arg9 : memref<40xi32, #tpu.memory_space<vmem>>)
      %mul3A_251 = arith.constant 40 : i32
      %mul3A_252 = arith.muli %add3A_241, %mul3A_251 : i32
      %dma_wait3A_253 = arith.constant 1 : i32
      %dma_wait3A_254 = tpu.memref_slice %arg7[%mul3A_252] : memref<10000xi32, #tpu.memory_space<vmem>> -> memref<40xi32, #tpu.memory_space<vmem>>
      %dma_wait3A_255 = arith.constant 0 : i32
      %dma_wait3A_256 = arith.constant 0 : i32
      %dma_wait3A_257 = tpu.memref_slice %arg2[%dma_wait3A_255, %dma_wait3A_256] : memref<10000x128xf32, #tpu.memory_space<hbm>> -> memref<10000x128xf32, #tpu.memory_space<hbm>>
      %dma_wait3A_258 = tpu.memref_slice %arg19[%dma_wait3A_253] : memref<5x!tpu.dma_semaphore, #tpu.memory_space<semaphore_mem>> -> memref<1x!tpu.dma_semaphore, #tpu.memory_space<semaphore_mem>>
      %dma_wait3A_259 = tpu.memref_squeeze %dma_wait3A_258 : memref<1x!tpu.dma_semaphore, #tpu.memory_space<semaphore_mem>> -> memref<!tpu.dma_semaphore, #tpu.memory_space<semaphore_mem>>
      tpu.wait_indirect_dma semaphore(%dma_wait3A_259 : memref<!tpu.dma_semaphore, #tpu.memory_space<semaphore_mem>>) src(%dma_wait3A_257 : memref<10000x128xf32, #tpu.memory_space<hbm>>) dst(%arg14 : memref<40x128xf32, #tpu.memory_space<vmem>>)
      "tpu.region"() ({
        %run_scoped3A = tpu.sem_alloc : memref<!tpu.dma_semaphore, #tpu.memory_space<semaphore_mem>>
        %dma_start3A_406 = arith.constant 0 : i32
        %dma_start3A_407 = arith.constant 0 : i32
        %dma_start3A_408 = tpu.memref_slice %arg18[%dma_start3A_406, %dma_start3A_407] : memref<10240x128xf32, #tpu.memory_space<vmem_shared>> -> memref<10240x128xf32, #tpu.memory_space<vmem_shared>>
        tpu.enqueue_indirect_dma source(%arg14 : memref<40x128xf32, #tpu.memory_space<vmem>>) target(%dma_start3A_408 : memref<10240x128xf32, #tpu.memory_space<vmem_shared>>) offsets(%arg9 : memref<40xi32, #tpu.memory_space<vmem>>) semaphore(%run_scoped3A : memref<!tpu.dma_semaphore, #tpu.memory_space<semaphore_mem>>) {add = true}
        %dma_wait3A_409 = arith.constant 0 : i32
        %dma_wait3A_410 = arith.constant 0 : i32
        %dma_wait3A_411 = tpu.memref_slice %arg18[%dma_wait3A_409, %dma_wait3A_410] : memref<10240x128xf32, #tpu.memory_space<vmem_shared>> -> memref<10240x128xf32, #tpu.memory_space<vmem_shared>>
        tpu.wait_indirect_dma semaphore(%run_scoped3A : memref<!tpu.dma_semaphore, #tpu.memory_space<semaphore_mem>>) src(%arg14 : memref<40x128xf32, #tpu.memory_space<vmem>>) dst(%dma_wait3A_411 : memref<10240x128xf32, #tpu.memory_space<vmem_shared>>)
        tpu.yield
      }) : () -> ()
      %add3A_260 = arith.constant 5 : i32
      %add3A_261 = arith.addi %add3A_241, %add3A_260 : i32
      %dma_start3A_262 = arith.constant 1 : i32
      %dma_start3A_263 = arith.constant 0 : i32
      %dma_start3A_264 = tpu.memref_slice %arg4[%add3A, %add3A_261, %dma_start3A_263] : memref<32x250x40xi32, #tpu.memory_space<hbm>> -> memref<1x1x40xi32, #tpu.memory_space<hbm>>
      %dma_start3A_265 = tpu.memref_squeeze %dma_start3A_264 : memref<1x1x40xi32, #tpu.memory_space<hbm>> -> memref<40xi32, #tpu.memory_space<hbm>>
      %dma_start3A_266 = tpu.memref_slice %arg20[%dma_start3A_262] : memref<5x!tpu.dma_semaphore, #tpu.memory_space<semaphore_mem>> -> memref<1x!tpu.dma_semaphore, #tpu.memory_space<semaphore_mem>>
      %dma_start3A_267 = tpu.memref_squeeze %dma_start3A_266 : memref<1x!tpu.dma_semaphore, #tpu.memory_space<semaphore_mem>> -> memref<!tpu.dma_semaphore, #tpu.memory_space<semaphore_mem>>
      %dma_start3A_268 = arith.constant 0 : i32
      %dma_start3A_269 = tpu.memref_slice %arg4[%add3A, %add3A_261, %dma_start3A_268] : memref<32x250x40xi32, #tpu.memory_space<hbm>> -> memref<1x1x40xi32, #tpu.memory_space<hbm>>
      %dma_start3A_270 = tpu.memref_squeeze %dma_start3A_269 : memref<1x1x40xi32, #tpu.memory_space<hbm>> -> memref<40xi32, #tpu.memory_space<hbm>>
      tpu.enqueue_dma source(%dma_start3A_270 : memref<40xi32, #tpu.memory_space<hbm>>) target(%arg9 : memref<40xi32, #tpu.memory_space<vmem>>) target_semaphore(%dma_start3A_267 : memref<!tpu.dma_semaphore, #tpu.memory_space<semaphore_mem>>)
      %mul3A_271 = arith.constant 40 : i32
      %mul3A_272 = arith.muli %add3A_261, %mul3A_271 : i32
      %dma_start3A_273 = arith.constant 1 : i32
      %dma_start3A_274 = tpu.memref_slice %arg7[%mul3A_272] : memref<10000xi32, #tpu.memory_space<vmem>> -> memref<40xi32, #tpu.memory_space<vmem>>
      %dma_start3A_275 = arith.constant 0 : i32
      %dma_start3A_276 = arith.constant 0 : i32
      %dma_start3A_277 = tpu.memref_slice %arg2[%dma_start3A_275, %dma_start3A_276] : memref<10000x128xf32, #tpu.memory_space<hbm>> -> memref<10000x128xf32, #tpu.memory_space<hbm>>
      %dma_start3A_278 = tpu.memref_slice %arg19[%dma_start3A_273] : memref<5x!tpu.dma_semaphore, #tpu.memory_space<semaphore_mem>> -> memref<1x!tpu.dma_semaphore, #tpu.memory_space<semaphore_mem>>
      %dma_start3A_279 = tpu.memref_squeeze %dma_start3A_278 : memref<1x!tpu.dma_semaphore, #tpu.memory_space<semaphore_mem>> -> memref<!tpu.dma_semaphore, #tpu.memory_space<semaphore_mem>>
      tpu.enqueue_indirect_dma source(%dma_start3A_277 : memref<10000x128xf32, #tpu.memory_space<hbm>>) target(%arg14 : memref<40x128xf32, #tpu.memory_space<vmem>>) offsets(%dma_start3A_274 : memref<40xi32, #tpu.memory_space<vmem>>) semaphore(%dma_start3A_279 : memref<!tpu.dma_semaphore, #tpu.memory_space<semaphore_mem>>)
      %mul3A_280 = arith.constant 5 : i32
      %mul3A_281 = arith.muli %scan3A_195, %mul3A_280 : i32
      %add3A_282 = arith.constant 2 : i32
      %add3A_283 = arith.addi %mul3A_281, %add3A_282 : i32
      %dma_wait3A_284 = arith.constant 2 : i32
      %dma_wait3A_285 = arith.constant 0 : i32
      %dma_wait3A_286 = tpu.memref_slice %arg4[%add3A, %add3A_283, %dma_wait3A_285] : memref<32x250x40xi32, #tpu.memory_space<hbm>> -> memref<1x1x40xi32, #tpu.memory_space<hbm>>
      %dma_wait3A_287 = tpu.memref_squeeze %dma_wait3A_286 : memref<1x1x40xi32, #tpu.memory_space<hbm>> -> memref<40xi32, #tpu.memory_space<hbm>>
      %dma_wait3A_288 = tpu.memref_slice %arg20[%dma_wait3A_284] : memref<5x!tpu.dma_semaphore, #tpu.memory_space<semaphore_mem>> -> memref<1x!tpu.dma_semaphore, #tpu.memory_space<semaphore_mem>>
      %dma_wait3A_289 = tpu.memref_squeeze %dma_wait3A_288 : memref<1x!tpu.dma_semaphore, #tpu.memory_space<semaphore_mem>> -> memref<!tpu.dma_semaphore, #tpu.memory_space<semaphore_mem>>
      %dma_wait3A_290 = arith.constant 0 : i32
      %dma_wait3A_291 = tpu.memref_slice %arg4[%add3A, %add3A_283, %dma_wait3A_290] : memref<32x250x40xi32, #tpu.memory_space<hbm>> -> memref<1x1x40xi32, #tpu.memory_space<hbm>>
      %dma_wait3A_292 = tpu.memref_squeeze %dma_wait3A_291 : memref<1x1x40xi32, #tpu.memory_space<hbm>> -> memref<40xi32, #tpu.memory_space<hbm>>
      tpu.wait_dma2 semaphore(%dma_wait3A_289 : memref<!tpu.dma_semaphore, #tpu.memory_space<semaphore_mem>>) src(%dma_wait3A_292 : memref<40xi32, #tpu.memory_space<hbm>>) dst(%arg10 : memref<40xi32, #tpu.memory_space<vmem>>)
      %mul3A_293 = arith.constant 40 : i32
      %mul3A_294 = arith.muli %add3A_283, %mul3A_293 : i32
      %dma_wait3A_295 = arith.constant 2 : i32
      %dma_wait3A_296 = tpu.memref_slice %arg7[%mul3A_294] : memref<10000xi32, #tpu.memory_space<vmem>> -> memref<40xi32, #tpu.memory_space<vmem>>
      %dma_wait3A_297 = arith.constant 0 : i32
      %dma_wait3A_298 = arith.constant 0 : i32
      %dma_wait3A_299 = tpu.memref_slice %arg2[%dma_wait3A_297, %dma_wait3A_298] : memref<10000x128xf32, #tpu.memory_space<hbm>> -> memref<10000x128xf32, #tpu.memory_space<hbm>>
      %dma_wait3A_300 = tpu.memref_slice %arg19[%dma_wait3A_295] : memref<5x!tpu.dma_semaphore, #tpu.memory_space<semaphore_mem>> -> memref<1x!tpu.dma_semaphore, #tpu.memory_space<semaphore_mem>>
      %dma_wait3A_301 = tpu.memref_squeeze %dma_wait3A_300 : memref<1x!tpu.dma_semaphore, #tpu.memory_space<semaphore_mem>> -> memref<!tpu.dma_semaphore, #tpu.memory_space<semaphore_mem>>
      tpu.wait_indirect_dma semaphore(%dma_wait3A_301 : memref<!tpu.dma_semaphore, #tpu.memory_space<semaphore_mem>>) src(%dma_wait3A_299 : memref<10000x128xf32, #tpu.memory_space<hbm>>) dst(%arg15 : memref<40x128xf32, #tpu.memory_space<vmem>>)
      "tpu.region"() ({
        %run_scoped3A = tpu.sem_alloc : memref<!tpu.dma_semaphore, #tpu.memory_space<semaphore_mem>>
        %dma_start3A_406 = arith.constant 0 : i32
        %dma_start3A_407 = arith.constant 0 : i32
        %dma_start3A_408 = tpu.memref_slice %arg18[%dma_start3A_406, %dma_start3A_407] : memref<10240x128xf32, #tpu.memory_space<vmem_shared>> -> memref<10240x128xf32, #tpu.memory_space<vmem_shared>>
        tpu.enqueue_indirect_dma source(%arg15 : memref<40x128xf32, #tpu.memory_space<vmem>>) target(%dma_start3A_408 : memref<10240x128xf32, #tpu.memory_space<vmem_shared>>) offsets(%arg10 : memref<40xi32, #tpu.memory_space<vmem>>) semaphore(%run_scoped3A : memref<!tpu.dma_semaphore, #tpu.memory_space<semaphore_mem>>) {add = true}
        %dma_wait3A_409 = arith.constant 0 : i32
        %dma_wait3A_410 = arith.constant 0 : i32
        %dma_wait3A_411 = tpu.memref_slice %arg18[%dma_wait3A_409, %dma_wait3A_410] : memref<10240x128xf32, #tpu.memory_space<vmem_shared>> -> memref<10240x128xf32, #tpu.memory_space<vmem_shared>>
        tpu.wait_indirect_dma semaphore(%run_scoped3A : memref<!tpu.dma_semaphore, #tpu.memory_space<semaphore_mem>>) src(%arg15 : memref<40x128xf32, #tpu.memory_space<vmem>>) dst(%dma_wait3A_411 : memref<10240x128xf32, #tpu.memory_space<vmem_shared>>)
        tpu.yield
      }) : () -> ()
      %add3A_302 = arith.constant 5 : i32
      %add3A_303 = arith.addi %add3A_283, %add3A_302 : i32
      %dma_start3A_304 = arith.constant 2 : i32
      %dma_start3A_305 = arith.constant 0 : i32
      %dma_start3A_306 = tpu.memref_slice %arg4[%add3A, %add3A_303, %dma_start3A_305] : memref<32x250x40xi32, #tpu.memory_space<hbm>> -> memref<1x1x40xi32, #tpu.memory_space<hbm>>
      %dma_start3A_307 = tpu.memref_squeeze %dma_start3A_306 : memref<1x1x40xi32, #tpu.memory_space<hbm>> -> memref<40xi32, #tpu.memory_space<hbm>>
      %dma_start3A_308 = tpu.memref_slice %arg20[%dma_start3A_304] : memref<5x!tpu.dma_semaphore, #tpu.memory_space<semaphore_mem>> -> memref<1x!tpu.dma_semaphore, #tpu.memory_space<semaphore_mem>>
      %dma_start3A_309 = tpu.memref_squeeze %dma_start3A_308 : memref<1x!tpu.dma_semaphore, #tpu.memory_space<semaphore_mem>> -> memref<!tpu.dma_semaphore, #tpu.memory_space<semaphore_mem>>
      %dma_start3A_310 = arith.constant 0 : i32
      %dma_start3A_311 = tpu.memref_slice %arg4[%add3A, %add3A_303, %dma_start3A_310] : memref<32x250x40xi32, #tpu.memory_space<hbm>> -> memref<1x1x40xi32, #tpu.memory_space<hbm>>
      %dma_start3A_312 = tpu.memref_squeeze %dma_start3A_311 : memref<1x1x40xi32, #tpu.memory_space<hbm>> -> memref<40xi32, #tpu.memory_space<hbm>>
      tpu.enqueue_dma source(%dma_start3A_312 : memref<40xi32, #tpu.memory_space<hbm>>) target(%arg10 : memref<40xi32, #tpu.memory_space<vmem>>) target_semaphore(%dma_start3A_309 : memref<!tpu.dma_semaphore, #tpu.memory_space<semaphore_mem>>)
      %mul3A_313 = arith.constant 40 : i32
      %mul3A_314 = arith.muli %add3A_303, %mul3A_313 : i32
      %dma_start3A_315 = arith.constant 2 : i32
      %dma_start3A_316 = tpu.memref_slice %arg7[%mul3A_314] : memref<10000xi32, #tpu.memory_space<vmem>> -> memref<40xi32, #tpu.memory_space<vmem>>
      %dma_start3A_317 = arith.constant 0 : i32
      %dma_start3A_318 = arith.constant 0 : i32
      %dma_start3A_319 = tpu.memref_slice %arg2[%dma_start3A_317, %dma_start3A_318] : memref<10000x128xf32, #tpu.memory_space<hbm>> -> memref<10000x128xf32, #tpu.memory_space<hbm>>
      %dma_start3A_320 = tpu.memref_slice %arg19[%dma_start3A_315] : memref<5x!tpu.dma_semaphore, #tpu.memory_space<semaphore_mem>> -> memref<1x!tpu.dma_semaphore, #tpu.memory_space<semaphore_mem>>
      %dma_start3A_321 = tpu.memref_squeeze %dma_start3A_320 : memref<1x!tpu.dma_semaphore, #tpu.memory_space<semaphore_mem>> -> memref<!tpu.dma_semaphore, #tpu.memory_space<semaphore_mem>>
      tpu.enqueue_indirect_dma source(%dma_start3A_319 : memref<10000x128xf32, #tpu.memory_space<hbm>>) target(%arg15 : memref<40x128xf32, #tpu.memory_space<vmem>>) offsets(%dma_start3A_316 : memref<40xi32, #tpu.memory_space<vmem>>) semaphore(%dma_start3A_321 : memref<!tpu.dma_semaphore, #tpu.memory_space<semaphore_mem>>)
      %mul3A_322 = arith.constant 5 : i32
      %mul3A_323 = arith.muli %scan3A_195, %mul3A_322 : i32
      %add3A_324 = arith.constant 3 : i32
      %add3A_325 = arith.addi %mul3A_323, %add3A_324 : i32
      %dma_wait3A_326 = arith.constant 3 : i32
      %dma_wait3A_327 = arith.constant 0 : i32
      %dma_wait3A_328 = tpu.memref_slice %arg4[%add3A, %add3A_325, %dma_wait3A_327] : memref<32x250x40xi32, #tpu.memory_space<hbm>> -> memref<1x1x40xi32, #tpu.memory_space<hbm>>
      %dma_wait3A_329 = tpu.memref_squeeze %dma_wait3A_328 : memref<1x1x40xi32, #tpu.memory_space<hbm>> -> memref<40xi32, #tpu.memory_space<hbm>>
      %dma_wait3A_330 = tpu.memref_slice %arg20[%dma_wait3A_326] : memref<5x!tpu.dma_semaphore, #tpu.memory_space<semaphore_mem>> -> memref<1x!tpu.dma_semaphore, #tpu.memory_space<semaphore_mem>>
      %dma_wait3A_331 = tpu.memref_squeeze %dma_wait3A_330 : memref<1x!tpu.dma_semaphore, #tpu.memory_space<semaphore_mem>> -> memref<!tpu.dma_semaphore, #tpu.memory_space<semaphore_mem>>
      %dma_wait3A_332 = arith.constant 0 : i32
      %dma_wait3A_333 = tpu.memref_slice %arg4[%add3A, %add3A_325, %dma_wait3A_332] : memref<32x250x40xi32, #tpu.memory_space<hbm>> -> memref<1x1x40xi32, #tpu.memory_space<hbm>>
      %dma_wait3A_334 = tpu.memref_squeeze %dma_wait3A_333 : memref<1x1x40xi32, #tpu.memory_space<hbm>> -> memref<40xi32, #tpu.memory_space<hbm>>
      tpu.wait_dma2 semaphore(%dma_wait3A_331 : memref<!tpu.dma_semaphore, #tpu.memory_space<semaphore_mem>>) src(%dma_wait3A_334 : memref<40xi32, #tpu.memory_space<hbm>>) dst(%arg11 : memref<40xi32, #tpu.memory_space<vmem>>)
      %mul3A_335 = arith.constant 40 : i32
      %mul3A_336 = arith.muli %add3A_325, %mul3A_335 : i32
      %dma_wait3A_337 = arith.constant 3 : i32
      %dma_wait3A_338 = tpu.memref_slice %arg7[%mul3A_336] : memref<10000xi32, #tpu.memory_space<vmem>> -> memref<40xi32, #tpu.memory_space<vmem>>
      %dma_wait3A_339 = arith.constant 0 : i32
      %dma_wait3A_340 = arith.constant 0 : i32
      %dma_wait3A_341 = tpu.memref_slice %arg2[%dma_wait3A_339, %dma_wait3A_340] : memref<10000x128xf32, #tpu.memory_space<hbm>> -> memref<10000x128xf32, #tpu.memory_space<hbm>>
      %dma_wait3A_342 = tpu.memref_slice %arg19[%dma_wait3A_337] : memref<5x!tpu.dma_semaphore, #tpu.memory_space<semaphore_mem>> -> memref<1x!tpu.dma_semaphore, #tpu.memory_space<semaphore_mem>>
      %dma_wait3A_343 = tpu.memref_squeeze %dma_wait3A_342 : memref<1x!tpu.dma_semaphore, #tpu.memory_space<semaphore_mem>> -> memref<!tpu.dma_semaphore, #tpu.memory_space<semaphore_mem>>
      tpu.wait_indirect_dma semaphore(%dma_wait3A_343 : memref<!tpu.dma_semaphore, #tpu.memory_space<semaphore_mem>>) src(%dma_wait3A_341 : memref<10000x128xf32, #tpu.memory_space<hbm>>) dst(%arg16 : memref<40x128xf32, #tpu.memory_space<vmem>>)
      "tpu.region"() ({
        %run_scoped3A = tpu.sem_alloc : memref<!tpu.dma_semaphore, #tpu.memory_space<semaphore_mem>>
        %dma_start3A_406 = arith.constant 0 : i32
        %dma_start3A_407 = arith.constant 0 : i32
        %dma_start3A_408 = tpu.memref_slice %arg18[%dma_start3A_406, %dma_start3A_407] : memref<10240x128xf32, #tpu.memory_space<vmem_shared>> -> memref<10240x128xf32, #tpu.memory_space<vmem_shared>>
        tpu.enqueue_indirect_dma source(%arg16 : memref<40x128xf32, #tpu.memory_space<vmem>>) target(%dma_start3A_408 : memref<10240x128xf32, #tpu.memory_space<vmem_shared>>) offsets(%arg11 : memref<40xi32, #tpu.memory_space<vmem>>) semaphore(%run_scoped3A : memref<!tpu.dma_semaphore, #tpu.memory_space<semaphore_mem>>) {add = true}
        %dma_wait3A_409 = arith.constant 0 : i32
        %dma_wait3A_410 = arith.constant 0 : i32
        %dma_wait3A_411 = tpu.memref_slice %arg18[%dma_wait3A_409, %dma_wait3A_410] : memref<10240x128xf32, #tpu.memory_space<vmem_shared>> -> memref<10240x128xf32, #tpu.memory_space<vmem_shared>>
        tpu.wait_indirect_dma semaphore(%run_scoped3A : memref<!tpu.dma_semaphore, #tpu.memory_space<semaphore_mem>>) src(%arg16 : memref<40x128xf32, #tpu.memory_space<vmem>>) dst(%dma_wait3A_411 : memref<10240x128xf32, #tpu.memory_space<vmem_shared>>)
        tpu.yield
      }) : () -> ()
      %add3A_344 = arith.constant 5 : i32
      %add3A_345 = arith.addi %add3A_325, %add3A_344 : i32
      %dma_start3A_346 = arith.constant 3 : i32
      %dma_start3A_347 = arith.constant 0 : i32
      %dma_start3A_348 = tpu.memref_slice %arg4[%add3A, %add3A_345, %dma_start3A_347] : memref<32x250x40xi32, #tpu.memory_space<hbm>> -> memref<1x1x40xi32, #tpu.memory_space<hbm>>
      %dma_start3A_349 = tpu.memref_squeeze %dma_start3A_348 : memref<1x1x40xi32, #tpu.memory_space<hbm>> -> memref<40xi32, #tpu.memory_space<hbm>>
      %dma_start3A_350 = tpu.memref_slice %arg20[%dma_start3A_346] : memref<5x!tpu.dma_semaphore, #tpu.memory_space<semaphore_mem>> -> memref<1x!tpu.dma_semaphore, #tpu.memory_space<semaphore_mem>>
      %dma_start3A_351 = tpu.memref_squeeze %dma_start3A_350 : memref<1x!tpu.dma_semaphore, #tpu.memory_space<semaphore_mem>> -> memref<!tpu.dma_semaphore, #tpu.memory_space<semaphore_mem>>
      %dma_start3A_352 = arith.constant 0 : i32
      %dma_start3A_353 = tpu.memref_slice %arg4[%add3A, %add3A_345, %dma_start3A_352] : memref<32x250x40xi32, #tpu.memory_space<hbm>> -> memref<1x1x40xi32, #tpu.memory_space<hbm>>
      %dma_start3A_354 = tpu.memref_squeeze %dma_start3A_353 : memref<1x1x40xi32, #tpu.memory_space<hbm>> -> memref<40xi32, #tpu.memory_space<hbm>>
      tpu.enqueue_dma source(%dma_start3A_354 : memref<40xi32, #tpu.memory_space<hbm>>) target(%arg11 : memref<40xi32, #tpu.memory_space<vmem>>) target_semaphore(%dma_start3A_351 : memref<!tpu.dma_semaphore, #tpu.memory_space<semaphore_mem>>)
      %mul3A_355 = arith.constant 40 : i32
      %mul3A_356 = arith.muli %add3A_345, %mul3A_355 : i32
      %dma_start3A_357 = arith.constant 3 : i32
      %dma_start3A_358 = tpu.memref_slice %arg7[%mul3A_356] : memref<10000xi32, #tpu.memory_space<vmem>> -> memref<40xi32, #tpu.memory_space<vmem>>
      %dma_start3A_359 = arith.constant 0 : i32
      %dma_start3A_360 = arith.constant 0 : i32
      %dma_start3A_361 = tpu.memref_slice %arg2[%dma_start3A_359, %dma_start3A_360] : memref<10000x128xf32, #tpu.memory_space<hbm>> -> memref<10000x128xf32, #tpu.memory_space<hbm>>
      %dma_start3A_362 = tpu.memref_slice %arg19[%dma_start3A_357] : memref<5x!tpu.dma_semaphore, #tpu.memory_space<semaphore_mem>> -> memref<1x!tpu.dma_semaphore, #tpu.memory_space<semaphore_mem>>
      %dma_start3A_363 = tpu.memref_squeeze %dma_start3A_362 : memref<1x!tpu.dma_semaphore, #tpu.memory_space<semaphore_mem>> -> memref<!tpu.dma_semaphore, #tpu.memory_space<semaphore_mem>>
      tpu.enqueue_indirect_dma source(%dma_start3A_361 : memref<10000x128xf32, #tpu.memory_space<hbm>>) target(%arg16 : memref<40x128xf32, #tpu.memory_space<vmem>>) offsets(%dma_start3A_358 : memref<40xi32, #tpu.memory_space<vmem>>) semaphore(%dma_start3A_363 : memref<!tpu.dma_semaphore, #tpu.memory_space<semaphore_mem>>)
      %mul3A_364 = arith.constant 5 : i32
      %mul3A_365 = arith.muli %scan3A_195, %mul3A_364 : i32
      %add3A_366 = arith.constant 4 : i32
      %add3A_367 = arith.addi %mul3A_365, %add3A_366 : i32
      %dma_wait3A_368 = arith.constant 4 : i32
      %dma_wait3A_369 = arith.constant 0 : i32
      %dma_wait3A_370 = tpu.memref_slice %arg4[%add3A, %add3A_367, %dma_wait3A_369] : memref<32x250x40xi32, #tpu.memory_space<hbm>> -> memref<1x1x40xi32, #tpu.memory_space<hbm>>
      %dma_wait3A_371 = tpu.memref_squeeze %dma_wait3A_370 : memref<1x1x40xi32, #tpu.memory_space<hbm>> -> memref<40xi32, #tpu.memory_space<hbm>>
      %dma_wait3A_372 = tpu.memref_slice %arg20[%dma_wait3A_368] : memref<5x!tpu.dma_semaphore, #tpu.memory_space<semaphore_mem>> -> memref<1x!tpu.dma_semaphore, #tpu.memory_space<semaphore_mem>>
      %dma_wait3A_373 = tpu.memref_squeeze %dma_wait3A_372 : memref<1x!tpu.dma_semaphore, #tpu.memory_space<semaphore_mem>> -> memref<!tpu.dma_semaphore, #tpu.memory_space<semaphore_mem>>
      %dma_wait3A_374 = arith.constant 0 : i32
      %dma_wait3A_375 = tpu.memref_slice %arg4[%add3A, %add3A_367, %dma_wait3A_374] : memref<32x250x40xi32, #tpu.memory_space<hbm>> -> memref<1x1x40xi32, #tpu.memory_space<hbm>>
      %dma_wait3A_376 = tpu.memref_squeeze %dma_wait3A_375 : memref<1x1x40xi32, #tpu.memory_space<hbm>> -> memref<40xi32, #tpu.memory_space<hbm>>
      tpu.wait_dma2 semaphore(%dma_wait3A_373 : memref<!tpu.dma_semaphore, #tpu.memory_space<semaphore_mem>>) src(%dma_wait3A_376 : memref<40xi32, #tpu.memory_space<hbm>>) dst(%arg12 : memref<40xi32, #tpu.memory_space<vmem>>)
      %mul3A_377 = arith.constant 40 : i32
      %mul3A_378 = arith.muli %add3A_367, %mul3A_377 : i32
      %dma_wait3A_379 = arith.constant 4 : i32
      %dma_wait3A_380 = tpu.memref_slice %arg7[%mul3A_378] : memref<10000xi32, #tpu.memory_space<vmem>> -> memref<40xi32, #tpu.memory_space<vmem>>
      %dma_wait3A_381 = arith.constant 0 : i32
      %dma_wait3A_382 = arith.constant 0 : i32
      %dma_wait3A_383 = tpu.memref_slice %arg2[%dma_wait3A_381, %dma_wait3A_382] : memref<10000x128xf32, #tpu.memory_space<hbm>> -> memref<10000x128xf32, #tpu.memory_space<hbm>>
      %dma_wait3A_384 = tpu.memref_slice %arg19[%dma_wait3A_379] : memref<5x!tpu.dma_semaphore, #tpu.memory_space<semaphore_mem>> -> memref<1x!tpu.dma_semaphore, #tpu.memory_space<semaphore_mem>>
      %dma_wait3A_385 = tpu.memref_squeeze %dma_wait3A_384 : memref<1x!tpu.dma_semaphore, #tpu.memory_space<semaphore_mem>> -> memref<!tpu.dma_semaphore, #tpu.memory_space<semaphore_mem>>
      tpu.wait_indirect_dma semaphore(%dma_wait3A_385 : memref<!tpu.dma_semaphore, #tpu.memory_space<semaphore_mem>>) src(%dma_wait3A_383 : memref<10000x128xf32, #tpu.memory_space<hbm>>) dst(%arg17 : memref<40x128xf32, #tpu.memory_space<vmem>>)
      "tpu.region"() ({
        %run_scoped3A = tpu.sem_alloc : memref<!tpu.dma_semaphore, #tpu.memory_space<semaphore_mem>>
        %dma_start3A_406 = arith.constant 0 : i32
        %dma_start3A_407 = arith.constant 0 : i32
        %dma_start3A_408 = tpu.memref_slice %arg18[%dma_start3A_406, %dma_start3A_407] : memref<10240x128xf32, #tpu.memory_space<vmem_shared>> -> memref<10240x128xf32, #tpu.memory_space<vmem_shared>>
        tpu.enqueue_indirect_dma source(%arg17 : memref<40x128xf32, #tpu.memory_space<vmem>>) target(%dma_start3A_408 : memref<10240x128xf32, #tpu.memory_space<vmem_shared>>) offsets(%arg12 : memref<40xi32, #tpu.memory_space<vmem>>) semaphore(%run_scoped3A : memref<!tpu.dma_semaphore, #tpu.memory_space<semaphore_mem>>) {add = true}
        %dma_wait3A_409 = arith.constant 0 : i32
        %dma_wait3A_410 = arith.constant 0 : i32
        %dma_wait3A_411 = tpu.memref_slice %arg18[%dma_wait3A_409, %dma_wait3A_410] : memref<10240x128xf32, #tpu.memory_space<vmem_shared>> -> memref<10240x128xf32, #tpu.memory_space<vmem_shared>>
        tpu.wait_indirect_dma semaphore(%run_scoped3A : memref<!tpu.dma_semaphore, #tpu.memory_space<semaphore_mem>>) src(%arg17 : memref<40x128xf32, #tpu.memory_space<vmem>>) dst(%dma_wait3A_411 : memref<10240x128xf32, #tpu.memory_space<vmem_shared>>)
        tpu.yield
      }) : () -> ()
      %add3A_386 = arith.constant 5 : i32
      %add3A_387 = arith.addi %add3A_367, %add3A_386 : i32
      %dma_start3A_388 = arith.constant 4 : i32
      %dma_start3A_389 = arith.constant 0 : i32
      %dma_start3A_390 = tpu.memref_slice %arg4[%add3A, %add3A_387, %dma_start3A_389] : memref<32x250x40xi32, #tpu.memory_space<hbm>> -> memref<1x1x40xi32, #tpu.memory_space<hbm>>
      %dma_start3A_391 = tpu.memref_squeeze %dma_start3A_390 : memref<1x1x40xi32, #tpu.memory_space<hbm>> -> memref<40xi32, #tpu.memory_space<hbm>>
      %dma_start3A_392 = tpu.memref_slice %arg20[%dma_start3A_388] : memref<5x!tpu.dma_semaphore, #tpu.memory_space<semaphore_mem>> -> memref<1x!tpu.dma_semaphore, #tpu.memory_space<semaphore_mem>>
      %dma_start3A_393 = tpu.memref_squeeze %dma_start3A_392 : memref<1x!tpu.dma_semaphore, #tpu.memory_space<semaphore_mem>> -> memref<!tpu.dma_semaphore, #tpu.memory_space<semaphore_mem>>
      %dma_start3A_394 = arith.constant 0 : i32
      %dma_start3A_395 = tpu.memref_slice %arg4[%add3A, %add3A_387, %dma_start3A_394] : memref<32x250x40xi32, #tpu.memory_space<hbm>> -> memref<1x1x40xi32, #tpu.memory_space<hbm>>
      %dma_start3A_396 = tpu.memref_squeeze %dma_start3A_395 : memref<1x1x40xi32, #tpu.memory_space<hbm>> -> memref<40xi32, #tpu.memory_space<hbm>>
      tpu.enqueue_dma source(%dma_start3A_396 : memref<40xi32, #tpu.memory_space<hbm>>) target(%arg12 : memref<40xi32, #tpu.memory_space<vmem>>) target_semaphore(%dma_start3A_393 : memref<!tpu.dma_semaphore, #tpu.memory_space<semaphore_mem>>)
      %mul3A_397 = arith.constant 40 : i32
      %mul3A_398 = arith.muli %add3A_387, %mul3A_397 : i32
      %dma_start3A_399 = arith.constant 4 : i32
      %dma_start3A_400 = tpu.memref_slice %arg7[%mul3A_398] : memref<10000xi32, #tpu.memory_space<vmem>> -> memref<40xi32, #tpu.memory_space<vmem>>
      %dma_start3A_401 = arith.constant 0 : i32
      %dma_start3A_402 = arith.constant 0 : i32
      %dma_start3A_403 = tpu.memref_slice %arg2[%dma_start3A_401, %dma_start3A_402] : memref<10000x128xf32, #tpu.memory_space<hbm>> -> memref<10000x128xf32, #tpu.memory_space<hbm>>
      %dma_start3A_404 = tpu.memref_slice %arg19[%dma_start3A_399] : memref<5x!tpu.dma_semaphore, #tpu.memory_space<semaphore_mem>> -> memref<1x!tpu.dma_semaphore, #tpu.memory_space<semaphore_mem>>
      %dma_start3A_405 = tpu.memref_squeeze %dma_start3A_404 : memref<1x!tpu.dma_semaphore, #tpu.memory_space<semaphore_mem>> -> memref<!tpu.dma_semaphore, #tpu.memory_space<semaphore_mem>>
      tpu.enqueue_indirect_dma source(%dma_start3A_403 : memref<10000x128xf32, #tpu.memory_space<hbm>>) target(%arg17 : memref<40x128xf32, #tpu.memory_space<vmem>>) offsets(%dma_start3A_400 : memref<40xi32, #tpu.memory_space<vmem>>) semaphore(%dma_start3A_405 : memref<!tpu.dma_semaphore, #tpu.memory_space<semaphore_mem>>)
    }
    %scan3A_100 = arith.constant 49 : i32
    %dma_wait3A = arith.constant 245 : i32
    %dma_wait3A_101 = arith.constant 0 : i32
    %dma_wait3A_102 = arith.constant 0 : i32
    %dma_wait3A_103 = tpu.memref_slice %arg4[%add3A, %dma_wait3A, %dma_wait3A_102] : memref<32x250x40xi32, #tpu.memory_space<hbm>> -> memref<1x1x40xi32, #tpu.memory_space<hbm>>
    %dma_wait3A_104 = tpu.memref_squeeze %dma_wait3A_103 : memref<1x1x40xi32, #tpu.memory_space<hbm>> -> memref<40xi32, #tpu.memory_space<hbm>>
    %dma_wait3A_105 = tpu.memref_slice %arg20[%dma_wait3A_101] : memref<5x!tpu.dma_semaphore, #tpu.memory_space<semaphore_mem>> -> memref<1x!tpu.dma_semaphore, #tpu.memory_space<semaphore_mem>>
    %dma_wait3A_106 = tpu.memref_squeeze %dma_wait3A_105 : memref<1x!tpu.dma_semaphore, #tpu.memory_space<semaphore_mem>> -> memref<!tpu.dma_semaphore, #tpu.memory_space<semaphore_mem>>
    %dma_wait3A_107 = arith.constant 0 : i32
    %dma_wait3A_108 = tpu.memref_slice %arg4[%add3A, %dma_wait3A, %dma_wait3A_107] : memref<32x250x40xi32, #tpu.memory_space<hbm>> -> memref<1x1x40xi32, #tpu.memory_space<hbm>>
    %dma_wait3A_109 = tpu.memref_squeeze %dma_wait3A_108 : memref<1x1x40xi32, #tpu.memory_space<hbm>> -> memref<40xi32, #tpu.memory_space<hbm>>
    tpu.wait_dma2 semaphore(%dma_wait3A_106 : memref<!tpu.dma_semaphore, #tpu.memory_space<semaphore_mem>>) src(%dma_wait3A_109 : memref<40xi32, #tpu.memory_space<hbm>>) dst(%arg8 : memref<40xi32, #tpu.memory_space<vmem>>)
    %dma_wait3A_110 = arith.constant 0 : i32
    %dma_wait3A_111 = arith.constant 9800 : i32
    %dma_wait3A_112 = tpu.memref_slice %arg7[%dma_wait3A_111] : memref<10000xi32, #tpu.memory_space<vmem>> -> memref<40xi32, #tpu.memory_space<vmem>>
    %dma_wait3A_113 = arith.constant 0 : i32
    %dma_wait3A_114 = arith.constant 0 : i32
    %dma_wait3A_115 = tpu.memref_slice %arg2[%dma_wait3A_113, %dma_wait3A_114] : memref<10000x128xf32, #tpu.memory_space<hbm>> -> memref<10000x128xf32, #tpu.memory_space<hbm>>
    %dma_wait3A_116 = tpu.memref_slice %arg19[%dma_wait3A_110] : memref<5x!tpu.dma_semaphore, #tpu.memory_space<semaphore_mem>> -> memref<1x!tpu.dma_semaphore, #tpu.memory_space<semaphore_mem>>
    %dma_wait3A_117 = tpu.memref_squeeze %dma_wait3A_116 : memref<1x!tpu.dma_semaphore, #tpu.memory_space<semaphore_mem>> -> memref<!tpu.dma_semaphore, #tpu.memory_space<semaphore_mem>>
    tpu.wait_indirect_dma semaphore(%dma_wait3A_117 : memref<!tpu.dma_semaphore, #tpu.memory_space<semaphore_mem>>) src(%dma_wait3A_115 : memref<10000x128xf32, #tpu.memory_space<hbm>>) dst(%arg13 : memref<40x128xf32, #tpu.memory_space<vmem>>)
    "tpu.region"() ({
      %run_scoped3A = tpu.sem_alloc : memref<!tpu.dma_semaphore, #tpu.memory_space<semaphore_mem>>
      %dma_start3A_195 = arith.constant 0 : i32
      %dma_start3A_196 = arith.constant 0 : i32
      %dma_start3A_197 = tpu.memref_slice %arg18[%dma_start3A_195, %dma_start3A_196] : memref<10240x128xf32, #tpu.memory_space<vmem_shared>> -> memref<10240x128xf32, #tpu.memory_space<vmem_shared>>
      tpu.enqueue_indirect_dma source(%arg13 : memref<40x128xf32, #tpu.memory_space<vmem>>) target(%dma_start3A_197 : memref<10240x128xf32, #tpu.memory_space<vmem_shared>>) offsets(%arg8 : memref<40xi32, #tpu.memory_space<vmem>>) semaphore(%run_scoped3A : memref<!tpu.dma_semaphore, #tpu.memory_space<semaphore_mem>>) {add = true}
      %dma_wait3A_198 = arith.constant 0 : i32
      %dma_wait3A_199 = arith.constant 0 : i32
      %dma_wait3A_200 = tpu.memref_slice %arg18[%dma_wait3A_198, %dma_wait3A_199] : memref<10240x128xf32, #tpu.memory_space<vmem_shared>> -> memref<10240x128xf32, #tpu.memory_space<vmem_shared>>
      tpu.wait_indirect_dma semaphore(%run_scoped3A : memref<!tpu.dma_semaphore, #tpu.memory_space<semaphore_mem>>) src(%arg13 : memref<40x128xf32, #tpu.memory_space<vmem>>) dst(%dma_wait3A_200 : memref<10240x128xf32, #tpu.memory_space<vmem_shared>>)
      tpu.yield
    }) : () -> ()
    %dma_wait3A_118 = arith.constant 246 : i32
    %dma_wait3A_119 = arith.constant 1 : i32
    %dma_wait3A_120 = arith.constant 0 : i32
    %dma_wait3A_121 = tpu.memref_slice %arg4[%add3A, %dma_wait3A_118, %dma_wait3A_120] : memref<32x250x40xi32, #tpu.memory_space<hbm>> -> memref<1x1x40xi32, #tpu.memory_space<hbm>>
    %dma_wait3A_122 = tpu.memref_squeeze %dma_wait3A_121 : memref<1x1x40xi32, #tpu.memory_space<hbm>> -> memref<40xi32, #tpu.memory_space<hbm>>
    %dma_wait3A_123 = tpu.memref_slice %arg20[%dma_wait3A_119] : memref<5x!tpu.dma_semaphore, #tpu.memory_space<semaphore_mem>> -> memref<1x!tpu.dma_semaphore, #tpu.memory_space<semaphore_mem>>
    %dma_wait3A_124 = tpu.memref_squeeze %dma_wait3A_123 : memref<1x!tpu.dma_semaphore, #tpu.memory_space<semaphore_mem>> -> memref<!tpu.dma_semaphore, #tpu.memory_space<semaphore_mem>>
    %dma_wait3A_125 = arith.constant 0 : i32
    %dma_wait3A_126 = tpu.memref_slice %arg4[%add3A, %dma_wait3A_118, %dma_wait3A_125] : memref<32x250x40xi32, #tpu.memory_space<hbm>> -> memref<1x1x40xi32, #tpu.memory_space<hbm>>
    %dma_wait3A_127 = tpu.memref_squeeze %dma_wait3A_126 : memref<1x1x40xi32, #tpu.memory_space<hbm>> -> memref<40xi32, #tpu.memory_space<hbm>>
    tpu.wait_dma2 semaphore(%dma_wait3A_124 : memref<!tpu.dma_semaphore, #tpu.memory_space<semaphore_mem>>) src(%dma_wait3A_127 : memref<40xi32, #tpu.memory_space<hbm>>) dst(%arg9 : memref<40xi32, #tpu.memory_space<vmem>>)
    %dma_wait3A_128 = arith.constant 1 : i32
    %dma_wait3A_129 = arith.constant 9840 : i32
    %dma_wait3A_130 = tpu.memref_slice %arg7[%dma_wait3A_129] : memref<10000xi32, #tpu.memory_space<vmem>> -> memref<40xi32, #tpu.memory_space<vmem>>
    %dma_wait3A_131 = arith.constant 0 : i32
    %dma_wait3A_132 = arith.constant 0 : i32
    %dma_wait3A_133 = tpu.memref_slice %arg2[%dma_wait3A_131, %dma_wait3A_132] : memref<10000x128xf32, #tpu.memory_space<hbm>> -> memref<10000x128xf32, #tpu.memory_space<hbm>>
    %dma_wait3A_134 = tpu.memref_slice %arg19[%dma_wait3A_128] : memref<5x!tpu.dma_semaphore, #tpu.memory_space<semaphore_mem>> -> memref<1x!tpu.dma_semaphore, #tpu.memory_space<semaphore_mem>>
    %dma_wait3A_135 = tpu.memref_squeeze %dma_wait3A_134 : memref<1x!tpu.dma_semaphore, #tpu.memory_space<semaphore_mem>> -> memref<!tpu.dma_semaphore, #tpu.memory_space<semaphore_mem>>
    tpu.wait_indirect_dma semaphore(%dma_wait3A_135 : memref<!tpu.dma_semaphore, #tpu.memory_space<semaphore_mem>>) src(%dma_wait3A_133 : memref<10000x128xf32, #tpu.memory_space<hbm>>) dst(%arg14 : memref<40x128xf32, #tpu.memory_space<vmem>>)
    "tpu.region"() ({
      %run_scoped3A = tpu.sem_alloc : memref<!tpu.dma_semaphore, #tpu.memory_space<semaphore_mem>>
      %dma_start3A_195 = arith.constant 0 : i32
      %dma_start3A_196 = arith.constant 0 : i32
      %dma_start3A_197 = tpu.memref_slice %arg18[%dma_start3A_195, %dma_start3A_196] : memref<10240x128xf32, #tpu.memory_space<vmem_shared>> -> memref<10240x128xf32, #tpu.memory_space<vmem_shared>>
      tpu.enqueue_indirect_dma source(%arg14 : memref<40x128xf32, #tpu.memory_space<vmem>>) target(%dma_start3A_197 : memref<10240x128xf32, #tpu.memory_space<vmem_shared>>) offsets(%arg9 : memref<40xi32, #tpu.memory_space<vmem>>) semaphore(%run_scoped3A : memref<!tpu.dma_semaphore, #tpu.memory_space<semaphore_mem>>) {add = true}
      %dma_wait3A_198 = arith.constant 0 : i32
      %dma_wait3A_199 = arith.constant 0 : i32
      %dma_wait3A_200 = tpu.memref_slice %arg18[%dma_wait3A_198, %dma_wait3A_199] : memref<10240x128xf32, #tpu.memory_space<vmem_shared>> -> memref<10240x128xf32, #tpu.memory_space<vmem_shared>>
      tpu.wait_indirect_dma semaphore(%run_scoped3A : memref<!tpu.dma_semaphore, #tpu.memory_space<semaphore_mem>>) src(%arg14 : memref<40x128xf32, #tpu.memory_space<vmem>>) dst(%dma_wait3A_200 : memref<10240x128xf32, #tpu.memory_space<vmem_shared>>)
      tpu.yield
    }) : () -> ()
    %dma_wait3A_136 = arith.constant 247 : i32
    %dma_wait3A_137 = arith.constant 2 : i32
    %dma_wait3A_138 = arith.constant 0 : i32
    %dma_wait3A_139 = tpu.memref_slice %arg4[%add3A, %dma_wait3A_136, %dma_wait3A_138] : memref<32x250x40xi32, #tpu.memory_space<hbm>> -> memref<1x1x40xi32, #tpu.memory_space<hbm>>
    %dma_wait3A_140 = tpu.memref_squeeze %dma_wait3A_139 : memref<1x1x40xi32, #tpu.memory_space<hbm>> -> memref<40xi32, #tpu.memory_space<hbm>>
    %dma_wait3A_141 = tpu.memref_slice %arg20[%dma_wait3A_137] : memref<5x!tpu.dma_semaphore, #tpu.memory_space<semaphore_mem>> -> memref<1x!tpu.dma_semaphore, #tpu.memory_space<semaphore_mem>>
    %dma_wait3A_142 = tpu.memref_squeeze %dma_wait3A_141 : memref<1x!tpu.dma_semaphore, #tpu.memory_space<semaphore_mem>> -> memref<!tpu.dma_semaphore, #tpu.memory_space<semaphore_mem>>
    %dma_wait3A_143 = arith.constant 0 : i32
    %dma_wait3A_144 = tpu.memref_slice %arg4[%add3A, %dma_wait3A_136, %dma_wait3A_143] : memref<32x250x40xi32, #tpu.memory_space<hbm>> -> memref<1x1x40xi32, #tpu.memory_space<hbm>>
    %dma_wait3A_145 = tpu.memref_squeeze %dma_wait3A_144 : memref<1x1x40xi32, #tpu.memory_space<hbm>> -> memref<40xi32, #tpu.memory_space<hbm>>
    tpu.wait_dma2 semaphore(%dma_wait3A_142 : memref<!tpu.dma_semaphore, #tpu.memory_space<semaphore_mem>>) src(%dma_wait3A_145 : memref<40xi32, #tpu.memory_space<hbm>>) dst(%arg10 : memref<40xi32, #tpu.memory_space<vmem>>)
    %dma_wait3A_146 = arith.constant 2 : i32
    %dma_wait3A_147 = arith.constant 9880 : i32
    %dma_wait3A_148 = tpu.memref_slice %arg7[%dma_wait3A_147] : memref<10000xi32, #tpu.memory_space<vmem>> -> memref<40xi32, #tpu.memory_space<vmem>>
    %dma_wait3A_149 = arith.constant 0 : i32
    %dma_wait3A_150 = arith.constant 0 : i32
    %dma_wait3A_151 = tpu.memref_slice %arg2[%dma_wait3A_149, %dma_wait3A_150] : memref<10000x128xf32, #tpu.memory_space<hbm>> -> memref<10000x128xf32, #tpu.memory_space<hbm>>
    %dma_wait3A_152 = tpu.memref_slice %arg19[%dma_wait3A_146] : memref<5x!tpu.dma_semaphore, #tpu.memory_space<semaphore_mem>> -> memref<1x!tpu.dma_semaphore, #tpu.memory_space<semaphore_mem>>
    %dma_wait3A_153 = tpu.memref_squeeze %dma_wait3A_152 : memref<1x!tpu.dma_semaphore, #tpu.memory_space<semaphore_mem>> -> memref<!tpu.dma_semaphore, #tpu.memory_space<semaphore_mem>>
    tpu.wait_indirect_dma semaphore(%dma_wait3A_153 : memref<!tpu.dma_semaphore, #tpu.memory_space<semaphore_mem>>) src(%dma_wait3A_151 : memref<10000x128xf32, #tpu.memory_space<hbm>>) dst(%arg15 : memref<40x128xf32, #tpu.memory_space<vmem>>)
    "tpu.region"() ({
      %run_scoped3A = tpu.sem_alloc : memref<!tpu.dma_semaphore, #tpu.memory_space<semaphore_mem>>
      %dma_start3A_195 = arith.constant 0 : i32
      %dma_start3A_196 = arith.constant 0 : i32
      %dma_start3A_197 = tpu.memref_slice %arg18[%dma_start3A_195, %dma_start3A_196] : memref<10240x128xf32, #tpu.memory_space<vmem_shared>> -> memref<10240x128xf32, #tpu.memory_space<vmem_shared>>
      tpu.enqueue_indirect_dma source(%arg15 : memref<40x128xf32, #tpu.memory_space<vmem>>) target(%dma_start3A_197 : memref<10240x128xf32, #tpu.memory_space<vmem_shared>>) offsets(%arg10 : memref<40xi32, #tpu.memory_space<vmem>>) semaphore(%run_scoped3A : memref<!tpu.dma_semaphore, #tpu.memory_space<semaphore_mem>>) {add = true}
      %dma_wait3A_198 = arith.constant 0 : i32
      %dma_wait3A_199 = arith.constant 0 : i32
      %dma_wait3A_200 = tpu.memref_slice %arg18[%dma_wait3A_198, %dma_wait3A_199] : memref<10240x128xf32, #tpu.memory_space<vmem_shared>> -> memref<10240x128xf32, #tpu.memory_space<vmem_shared>>
      tpu.wait_indirect_dma semaphore(%run_scoped3A : memref<!tpu.dma_semaphore, #tpu.memory_space<semaphore_mem>>) src(%arg15 : memref<40x128xf32, #tpu.memory_space<vmem>>) dst(%dma_wait3A_200 : memref<10240x128xf32, #tpu.memory_space<vmem_shared>>)
      tpu.yield
    }) : () -> ()
    %dma_wait3A_154 = arith.constant 248 : i32
    %dma_wait3A_155 = arith.constant 3 : i32
    %dma_wait3A_156 = arith.constant 0 : i32
    %dma_wait3A_157 = tpu.memref_slice %arg4[%add3A, %dma_wait3A_154, %dma_wait3A_156] : memref<32x250x40xi32, #tpu.memory_space<hbm>> -> memref<1x1x40xi32, #tpu.memory_space<hbm>>
    %dma_wait3A_158 = tpu.memref_squeeze %dma_wait3A_157 : memref<1x1x40xi32, #tpu.memory_space<hbm>> -> memref<40xi32, #tpu.memory_space<hbm>>
    %dma_wait3A_159 = tpu.memref_slice %arg20[%dma_wait3A_155] : memref<5x!tpu.dma_semaphore, #tpu.memory_space<semaphore_mem>> -> memref<1x!tpu.dma_semaphore, #tpu.memory_space<semaphore_mem>>
    %dma_wait3A_160 = tpu.memref_squeeze %dma_wait3A_159 : memref<1x!tpu.dma_semaphore, #tpu.memory_space<semaphore_mem>> -> memref<!tpu.dma_semaphore, #tpu.memory_space<semaphore_mem>>
    %dma_wait3A_161 = arith.constant 0 : i32
    %dma_wait3A_162 = tpu.memref_slice %arg4[%add3A, %dma_wait3A_154, %dma_wait3A_161] : memref<32x250x40xi32, #tpu.memory_space<hbm>> -> memref<1x1x40xi32, #tpu.memory_space<hbm>>
    %dma_wait3A_163 = tpu.memref_squeeze %dma_wait3A_162 : memref<1x1x40xi32, #tpu.memory_space<hbm>> -> memref<40xi32, #tpu.memory_space<hbm>>
    tpu.wait_dma2 semaphore(%dma_wait3A_160 : memref<!tpu.dma_semaphore, #tpu.memory_space<semaphore_mem>>) src(%dma_wait3A_163 : memref<40xi32, #tpu.memory_space<hbm>>) dst(%arg11 : memref<40xi32, #tpu.memory_space<vmem>>)
    %dma_wait3A_164 = arith.constant 3 : i32
    %dma_wait3A_165 = arith.constant 9920 : i32
    %dma_wait3A_166 = tpu.memref_slice %arg7[%dma_wait3A_165] : memref<10000xi32, #tpu.memory_space<vmem>> -> memref<40xi32, #tpu.memory_space<vmem>>
    %dma_wait3A_167 = arith.constant 0 : i32
    %dma_wait3A_168 = arith.constant 0 : i32
    %dma_wait3A_169 = tpu.memref_slice %arg2[%dma_wait3A_167, %dma_wait3A_168] : memref<10000x128xf32, #tpu.memory_space<hbm>> -> memref<10000x128xf32, #tpu.memory_space<hbm>>
    %dma_wait3A_170 = tpu.memref_slice %arg19[%dma_wait3A_164] : memref<5x!tpu.dma_semaphore, #tpu.memory_space<semaphore_mem>> -> memref<1x!tpu.dma_semaphore, #tpu.memory_space<semaphore_mem>>
    %dma_wait3A_171 = tpu.memref_squeeze %dma_wait3A_170 : memref<1x!tpu.dma_semaphore, #tpu.memory_space<semaphore_mem>> -> memref<!tpu.dma_semaphore, #tpu.memory_space<semaphore_mem>>
    tpu.wait_indirect_dma semaphore(%dma_wait3A_171 : memref<!tpu.dma_semaphore, #tpu.memory_space<semaphore_mem>>) src(%dma_wait3A_169 : memref<10000x128xf32, #tpu.memory_space<hbm>>) dst(%arg16 : memref<40x128xf32, #tpu.memory_space<vmem>>)
    "tpu.region"() ({
      %run_scoped3A = tpu.sem_alloc : memref<!tpu.dma_semaphore, #tpu.memory_space<semaphore_mem>>
      %dma_start3A_195 = arith.constant 0 : i32
      %dma_start3A_196 = arith.constant 0 : i32
      %dma_start3A_197 = tpu.memref_slice %arg18[%dma_start3A_195, %dma_start3A_196] : memref<10240x128xf32, #tpu.memory_space<vmem_shared>> -> memref<10240x128xf32, #tpu.memory_space<vmem_shared>>
      tpu.enqueue_indirect_dma source(%arg16 : memref<40x128xf32, #tpu.memory_space<vmem>>) target(%dma_start3A_197 : memref<10240x128xf32, #tpu.memory_space<vmem_shared>>) offsets(%arg11 : memref<40xi32, #tpu.memory_space<vmem>>) semaphore(%run_scoped3A : memref<!tpu.dma_semaphore, #tpu.memory_space<semaphore_mem>>) {add = true}
      %dma_wait3A_198 = arith.constant 0 : i32
      %dma_wait3A_199 = arith.constant 0 : i32
      %dma_wait3A_200 = tpu.memref_slice %arg18[%dma_wait3A_198, %dma_wait3A_199] : memref<10240x128xf32, #tpu.memory_space<vmem_shared>> -> memref<10240x128xf32, #tpu.memory_space<vmem_shared>>
      tpu.wait_indirect_dma semaphore(%run_scoped3A : memref<!tpu.dma_semaphore, #tpu.memory_space<semaphore_mem>>) src(%arg16 : memref<40x128xf32, #tpu.memory_space<vmem>>) dst(%dma_wait3A_200 : memref<10240x128xf32, #tpu.memory_space<vmem_shared>>)
      tpu.yield
    }) : () -> ()
    %dma_wait3A_172 = arith.constant 249 : i32
    %dma_wait3A_173 = arith.constant 4 : i32
    %dma_wait3A_174 = arith.constant 0 : i32
    %dma_wait3A_175 = tpu.memref_slice %arg4[%add3A, %dma_wait3A_172, %dma_wait3A_174] : memref<32x250x40xi32, #tpu.memory_space<hbm>> -> memref<1x1x40xi32, #tpu.memory_space<hbm>>
    %dma_wait3A_176 = tpu.memref_squeeze %dma_wait3A_175 : memref<1x1x40xi32, #tpu.memory_space<hbm>> -> memref<40xi32, #tpu.memory_space<hbm>>
    %dma_wait3A_177 = tpu.memref_slice %arg20[%dma_wait3A_173] : memref<5x!tpu.dma_semaphore, #tpu.memory_space<semaphore_mem>> -> memref<1x!tpu.dma_semaphore, #tpu.memory_space<semaphore_mem>>
    %dma_wait3A_178 = tpu.memref_squeeze %dma_wait3A_177 : memref<1x!tpu.dma_semaphore, #tpu.memory_space<semaphore_mem>> -> memref<!tpu.dma_semaphore, #tpu.memory_space<semaphore_mem>>
    %dma_wait3A_179 = arith.constant 0 : i32
    %dma_wait3A_180 = tpu.memref_slice %arg4[%add3A, %dma_wait3A_172, %dma_wait3A_179] : memref<32x250x40xi32, #tpu.memory_space<hbm>> -> memref<1x1x40xi32, #tpu.memory_space<hbm>>
    %dma_wait3A_181 = tpu.memref_squeeze %dma_wait3A_180 : memref<1x1x40xi32, #tpu.memory_space<hbm>> -> memref<40xi32, #tpu.memory_space<hbm>>
    tpu.wait_dma2 semaphore(%dma_wait3A_178 : memref<!tpu.dma_semaphore, #tpu.memory_space<semaphore_mem>>) src(%dma_wait3A_181 : memref<40xi32, #tpu.memory_space<hbm>>) dst(%arg12 : memref<40xi32, #tpu.memory_space<vmem>>)
    %dma_wait3A_182 = arith.constant 4 : i32
    %dma_wait3A_183 = arith.constant 9960 : i32
    %dma_wait3A_184 = tpu.memref_slice %arg7[%dma_wait3A_183] : memref<10000xi32, #tpu.memory_space<vmem>> -> memref<40xi32, #tpu.memory_space<vmem>>
    %dma_wait3A_185 = arith.constant 0 : i32
    %dma_wait3A_186 = arith.constant 0 : i32
    %dma_wait3A_187 = tpu.memref_slice %arg2[%dma_wait3A_185, %dma_wait3A_186] : memref<10000x128xf32, #tpu.memory_space<hbm>> -> memref<10000x128xf32, #tpu.memory_space<hbm>>
    %dma_wait3A_188 = tpu.memref_slice %arg19[%dma_wait3A_182] : memref<5x!tpu.dma_semaphore, #tpu.memory_space<semaphore_mem>> -> memref<1x!tpu.dma_semaphore, #tpu.memory_space<semaphore_mem>>
    %dma_wait3A_189 = tpu.memref_squeeze %dma_wait3A_188 : memref<1x!tpu.dma_semaphore, #tpu.memory_space<semaphore_mem>> -> memref<!tpu.dma_semaphore, #tpu.memory_space<semaphore_mem>>
    tpu.wait_indirect_dma semaphore(%dma_wait3A_189 : memref<!tpu.dma_semaphore, #tpu.memory_space<semaphore_mem>>) src(%dma_wait3A_187 : memref<10000x128xf32, #tpu.memory_space<hbm>>) dst(%arg17 : memref<40x128xf32, #tpu.memory_space<vmem>>)
    "tpu.region"() ({
      %run_scoped3A = tpu.sem_alloc : memref<!tpu.dma_semaphore, #tpu.memory_space<semaphore_mem>>
      %dma_start3A_195 = arith.constant 0 : i32
      %dma_start3A_196 = arith.constant 0 : i32
      %dma_start3A_197 = tpu.memref_slice %arg18[%dma_start3A_195, %dma_start3A_196] : memref<10240x128xf32, #tpu.memory_space<vmem_shared>> -> memref<10240x128xf32, #tpu.memory_space<vmem_shared>>
      tpu.enqueue_indirect_dma source(%arg17 : memref<40x128xf32, #tpu.memory_space<vmem>>) target(%dma_start3A_197 : memref<10240x128xf32, #tpu.memory_space<vmem_shared>>) offsets(%arg12 : memref<40xi32, #tpu.memory_space<vmem>>) semaphore(%run_scoped3A : memref<!tpu.dma_semaphore, #tpu.memory_space<semaphore_mem>>) {add = true}
      %dma_wait3A_198 = arith.constant 0 : i32
      %dma_wait3A_199 = arith.constant 0 : i32
      %dma_wait3A_200 = tpu.memref_slice %arg18[%dma_wait3A_198, %dma_wait3A_199] : memref<10240x128xf32, #tpu.memory_space<vmem_shared>> -> memref<10240x128xf32, #tpu.memory_space<vmem_shared>>
      tpu.wait_indirect_dma semaphore(%run_scoped3A : memref<!tpu.dma_semaphore, #tpu.memory_space<semaphore_mem>>) src(%arg17 : memref<40x128xf32, #tpu.memory_space<vmem>>) dst(%dma_wait3A_200 : memref<10240x128xf32, #tpu.memory_space<vmem_shared>>)
      tpu.yield
    }) : () -> ()
    %barrier3A_190 = arith.constant 0 : index
    tpu.barrier barrier_id(%barrier3A_190)
    %mul3A_191 = arith.constant 640 : i32
    %mul3A_192 = arith.muli %arg1, %mul3A_191 : i32
    %mul3A_193 = arith.constant 640 : i32
    %mul3A_194 = arith.muli %arg1, %mul3A_193 : i32
    "tpu.region"() ({
      %run_scoped3A = tpu.sem_alloc : memref<!tpu.dma_semaphore, #tpu.memory_space<semaphore_mem>>
      %dma_start3A_195 = arith.constant 0 : i32
      %dma_start3A_196 = tpu.memref_slice %arg6[%arg0, %mul3A_194, %dma_start3A_195] : memref<2x10240x128xf32, #tpu.memory_space<hbm>> -> memref<1x640x128xf32, #tpu.memory_space<hbm>>
      %dma_start3A_197 = tpu.memref_squeeze %dma_start3A_196 : memref<1x640x128xf32, #tpu.memory_space<hbm>> -> memref<640x128xf32, #tpu.memory_space<hbm>>
      %dma_start3A_198 = arith.constant 0 : i32
      %dma_start3A_199 = tpu.memref_slice %arg18[%mul3A_192, %dma_start3A_198] : memref<10240x128xf32, #tpu.memory_space<vmem_shared>> -> memref<640x128xf32, #tpu.memory_space<vmem_shared>>
      tpu.enqueue_dma source(%dma_start3A_199 : memref<640x128xf32, #tpu.memory_space<vmem_shared>>) target(%dma_start3A_197 : memref<640x128xf32, #tpu.memory_space<hbm>>) target_semaphore(%run_scoped3A : memref<!tpu.dma_semaphore, #tpu.memory_space<semaphore_mem>>)
      %dma_wait3A_200 = arith.constant 0 : i32
      %dma_wait3A_201 = tpu.memref_slice %arg6[%arg0, %mul3A_194, %dma_wait3A_200] : memref<2x10240x128xf32, #tpu.memory_space<hbm>> -> memref<1x640x128xf32, #tpu.memory_space<hbm>>
      %dma_wait3A_202 = tpu.memref_squeeze %dma_wait3A_201 : memref<1x640x128xf32, #tpu.memory_space<hbm>> -> memref<640x128xf32, #tpu.memory_space<hbm>>
      %dma_wait3A_203 = arith.constant 0 : i32
      %dma_wait3A_204 = tpu.memref_slice %arg18[%mul3A_192, %dma_wait3A_203] : memref<10240x128xf32, #tpu.memory_space<vmem_shared>> -> memref<640x128xf32, #tpu.memory_space<vmem_shared>>
      tpu.wait_dma2 semaphore(%run_scoped3A : memref<!tpu.dma_semaphore, #tpu.memory_space<semaphore_mem>>) src(%dma_wait3A_204 : memref<640x128xf32, #tpu.memory_space<vmem_shared>>) dst(%dma_wait3A_202 : memref<640x128xf32, #tpu.memory_space<hbm>>)
      tpu.yield
    }) : () -> ()
    return
  }
}

module attributes {stable_mosaic.version = 14 : i64} {
  func.func @_tca_body(%arg0: memref<10000x128xf32, #tpu.memory_space<vmem>>, %arg1: memref<128x128xf32, #tpu.memory_space<vmem>>, %arg2: memref<2x80x128xf32, #tpu.memory_space<vmem>>, %arg3: memref<10000x128xf32, #tpu.memory_space<vmem>>, %arg4: memref<10000x1xf32, #tpu.memory_space<vmem>>) attributes {dimension_semantics = [], scalar_prefetch = 0 : i64, scratch_operands = 0 : i64, tpu.core_type = #tpu.core_type<tc>} {
    %get3A = arith.constant 0 : index
    %get3A_0 = arith.constant 0 : index
    %get3A_1 = arith.constant 0 : index
    %get3A_2 = vector.load %arg2[%get3A, %get3A_0, %get3A_1] : memref<2x80x128xf32, #tpu.memory_space<vmem>>, vector<1x80x128xf32>
    %get3A_3 = vector.shape_cast %get3A_2 : vector<1x80x128xf32> to vector<80x128xf32>
    %get3A_4 = arith.constant 1 : index
    %get3A_5 = arith.constant 0 : index
    %get3A_6 = arith.constant 0 : index
    %get3A_7 = vector.load %arg2[%get3A_4, %get3A_5, %get3A_6] : memref<2x80x128xf32, #tpu.memory_space<vmem>>, vector<1x80x128xf32>
    %get3A_8 = vector.shape_cast %get3A_7 : vector<1x80x128xf32> to vector<80x128xf32>
    %add3A = arith.addf %get3A_3, %get3A_8 : vector<80x128xf32>
    %reshape3A = vector.shape_cast %add3A : vector<80x128xf32> to vector<10240xf32>
    %slice3A = vector.extract_strided_slice %reshape3A {offsets = [0], sizes = [10000], strides = [1]} : vector<10240xf32> to vector<10000xf32>
    %add3A_9 = arith.constant 1.000000e+00 : f32
    %add3A_10 = vector.broadcast %add3A_9 : f32 to vector<10000xf32>
    %add3A_11 = arith.addf %slice3A, %add3A_10 : vector<10000xf32>
    %rsqrt3A = math.rsqrt %add3A_11 : vector<10000xf32>
    %broadcast_in_dim3A = vector.shape_cast %rsqrt3A : vector<10000xf32> to vector<10000x1xf32>
    %get3A_12 = arith.constant 0 : index
    %get3A_13 = arith.constant 0 : index
    %get3A_14 = vector.load %arg0[%get3A_12, %get3A_13] : memref<10000x128xf32, #tpu.memory_space<vmem>>, vector<10000x128xf32>
    %get3A_15 = arith.constant 0 : index
    %get3A_16 = arith.constant 0 : index
    %get3A_17 = vector.load %arg1[%get3A_15, %get3A_16] : memref<128x128xf32, #tpu.memory_space<vmem>>, vector<128x128xf32>
    %dot_general3A = arith.constant dense<0.000000e+00> : vector<10000x128xf32>
    %dot_general3A_18 = tpu.matmul %get3A_14, %get3A_17, %dot_general3A {dimension_numbers = #tpu.dot_dimension_numbers<[1], [0], [0], [1], [0, 0, 1, 1], [], []>, transpose_lhs_hint = false} : vector<10000x128xf32>, vector<128x128xf32>, vector<10000x128xf32> -> vector<10000x128xf32>
    %mul3A = vector.broadcast %broadcast_in_dim3A : vector<10000x1xf32> to vector<10000x128xf32>
    %mul3A_19 = arith.mulf %dot_general3A_18, %mul3A : vector<10000x128xf32>
    %swap3A = arith.constant 0 : index
    %swap3A_20 = arith.constant 0 : index
    %swap3A_21 = vector.load %arg3[%swap3A, %swap3A_20] : memref<10000x128xf32, #tpu.memory_space<vmem>>, vector<10000x128xf32>
    tpu.vector_store %arg3[%swap3A, %swap3A_20], %mul3A_19 {strides = array<i32>} : memref<10000x128xf32, #tpu.memory_space<vmem>>, vector<10000x128xf32>,
    %swap3A_22 = arith.constant 0 : index
    %swap3A_23 = arith.constant 0 : index
    %swap3A_24 = vector.load %arg4[%swap3A_22, %swap3A_23] : memref<10000x1xf32, #tpu.memory_space<vmem>>, vector<10000x1xf32>
    tpu.vector_store %arg4[%swap3A_22, %swap3A_23], %broadcast_in_dim3A {strides = array<i32>} : memref<10000x1xf32, #tpu.memory_space<vmem>>, vector<10000x1xf32>,
    return
  }
}

module attributes {stable_mosaic.version = 14 : i64} {
  func.func @_tcb_body(%arg0: memref<2x10240x128xf32, #tpu.memory_space<vmem>>, %arg1: memref<10000x128xf32, #tpu.memory_space<vmem>>, %arg2: memref<10000x1xf32, #tpu.memory_space<vmem>>, %arg3: memref<128xf32, #tpu.memory_space<vmem>>, %arg4: memref<128xf32, #tpu.memory_space<vmem>>, %arg5: memref<128xf32, #tpu.memory_space<vmem>>, %arg6: memref<128x64xf32, #tpu.memory_space<vmem>>, %arg7: memref<10000x128xf32, #tpu.memory_space<vmem>>) attributes {dimension_semantics = [], scalar_prefetch = 0 : i64, scratch_operands = 0 : i64, tpu.core_type = #tpu.core_type<tc>} {
    %get3A = arith.constant 0 : index
    %get3A_0 = arith.constant 0 : index
    %get3A_1 = vector.load %arg2[%get3A, %get3A_0] : memref<10000x1xf32, #tpu.memory_space<vmem>>, vector<10000x1xf32>
    %get3A_2 = arith.constant 0 : index
    %get3A_3 = arith.constant 0 : index
    %get3A_4 = arith.constant 0 : index
    %get3A_5 = vector.load %arg0[%get3A_2, %get3A_3, %get3A_4] : memref<2x10240x128xf32, #tpu.memory_space<vmem>>, vector<1x10000x128xf32>
    %get3A_6 = vector.shape_cast %get3A_5 : vector<1x10000x128xf32> to vector<10000x128xf32>
    %get3A_7 = arith.constant 1 : index
    %get3A_8 = arith.constant 0 : index
    %get3A_9 = arith.constant 0 : index
    %get3A_10 = vector.load %arg0[%get3A_7, %get3A_8, %get3A_9] : memref<2x10240x128xf32, #tpu.memory_space<vmem>>, vector<1x10000x128xf32>
    %get3A_11 = vector.shape_cast %get3A_10 : vector<1x10000x128xf32> to vector<10000x128xf32>
    %add3A = arith.addf %get3A_6, %get3A_11 : vector<10000x128xf32>
    %get3A_12 = arith.constant 0 : index
    %get3A_13 = arith.constant 0 : index
    %get3A_14 = vector.load %arg1[%get3A_12, %get3A_13] : memref<10000x128xf32, #tpu.memory_space<vmem>>, vector<10000x128xf32>
    %add3A_15 = arith.addf %add3A, %get3A_14 : vector<10000x128xf32>
    %mul3A = vector.broadcast %get3A_1 : vector<10000x1xf32> to vector<10000x128xf32>
    %mul3A_16 = arith.mulf %add3A_15, %mul3A : vector<10000x128xf32>
    %get3A_17 = arith.constant 0 : index
    %get3A_18 = vector.load %arg3[%get3A_17] : memref<128xf32, #tpu.memory_space<vmem>>, vector<128xf32>
    %broadcast_in_dim3A = vector.shape_cast %get3A_18 : vector<128xf32> to vector<1x128xf32>
    %add3A_19 = vector.broadcast %broadcast_in_dim3A : vector<1x128xf32> to vector<10000x128xf32>
    %add3A_20 = arith.addf %mul3A_16, %add3A_19 : vector<10000x128xf32>
    %max3A = arith.constant 0.000000e+00 : f32
    %max3A_21 = vector.broadcast %max3A : f32 to vector<10000x128xf32>
    %max3A_22 = arith.maximumf %add3A_20, %max3A_21 : vector<10000x128xf32>
    %get3A_23 = arith.constant 0 : index
    %get3A_24 = vector.load %arg4[%get3A_23] : memref<128xf32, #tpu.memory_space<vmem>>, vector<128xf32>
    %get3A_25 = arith.constant 0 : index
    %get3A_26 = vector.load %arg5[%get3A_25] : memref<128xf32, #tpu.memory_space<vmem>>, vector<128xf32>
    %reduce_sum3A = arith.constant dense<0.000000e+00> : vector<128xf32>
    %reduce_sum3A_27 = vector.multi_reduction <add>, %max3A_22, %reduce_sum3A [0] : vector<10000x128xf32> to vector<128xf32>
    %broadcast_in_dim3A_28 = vector.shape_cast %reduce_sum3A_27 : vector<128xf32> to vector<1x128xf32>
    %div3A = arith.constant 1.000000e+04 : f32
    %div3A_29 = vector.broadcast %div3A : f32 to vector<1x128xf32>
    %div3A_30 = arith.divf %broadcast_in_dim3A_28, %div3A_29 : vector<1x128xf32>
    %jit3A = arith.constant 0 : i32
    %reduce_sum3A_31 = arith.constant dense<0.000000e+00> : vector<128xf32>
    %reduce_sum3A_32 = vector.multi_reduction <add>, %max3A_22, %reduce_sum3A_31 [0] : vector<10000x128xf32> to vector<128xf32>
    %broadcast_in_dim3A_33 = vector.shape_cast %reduce_sum3A_32 : vector<128xf32> to vector<1x128xf32>
    %div3A_34 = arith.constant 1.000000e+04 : f32
    %div3A_35 = vector.broadcast %div3A_34 : f32 to vector<1x128xf32>
    %div3A_36 = arith.divf %broadcast_in_dim3A_33, %div3A_35 : vector<1x128xf32>
    %sub3A = vector.broadcast %div3A_36 : vector<1x128xf32> to vector<10000x128xf32>
    %sub3A_37 = arith.subf %max3A_22, %sub3A : vector<10000x128xf32>
    %square3A = arith.mulf %sub3A_37, %sub3A_37 : vector<10000x128xf32>
    %convert_element_type3A = arith.sitofp %jit3A : i32 to f32
    %sub3A_38 = arith.constant 1.000000e+04 : f32
    %sub3A_39 = arith.subf %sub3A_38, %convert_element_type3A : f32
    %reduce_sum3A_40 = arith.constant dense<0.000000e+00> : vector<128xf32>
    %reduce_sum3A_41 = vector.multi_reduction <add>, %square3A, %reduce_sum3A_40 [0] : vector<10000x128xf32> to vector<128xf32>
    %broadcast_in_dim3A_42 = vector.shape_cast %reduce_sum3A_41 : vector<128xf32> to vector<1x128xf32>
    %div3A_43 = vector.broadcast %sub3A_39 : f32 to vector<1x128xf32>
    %div3A_44 = arith.divf %broadcast_in_dim3A_42, %div3A_43 : vector<1x128xf32>
    %gt3A = arith.constant 0.000000e+00 : f32
    %gt3A_45 = arith.cmpf ogt, %sub3A_39, %gt3A : f32
    %jit3A_46 = arith.constant 0x7FC00000 : f32
    %broadcast_in_dim3A_47 = vector.broadcast %jit3A_46 : f32 to vector<1x128xf32>
    %select_n3A = arith.select %gt3A_45, %div3A_44, %broadcast_in_dim3A_47 : vector<1x128xf32>
    %sub3A_48 = vector.broadcast %div3A_30 : vector<1x128xf32> to vector<10000x128xf32>
    %sub3A_49 = arith.subf %max3A_22, %sub3A_48 : vector<10000x128xf32>
    %broadcast_in_dim3A_50 = vector.shape_cast %get3A_24 : vector<128xf32> to vector<1x128xf32>
    %mul3A_51 = vector.broadcast %broadcast_in_dim3A_50 : vector<1x128xf32> to vector<10000x128xf32>
    %mul3A_52 = arith.mulf %mul3A_51, %sub3A_49 : vector<10000x128xf32>
    %add3A_53 = arith.constant 9.99999974E-6 : f32
    %add3A_54 = vector.broadcast %add3A_53 : f32 to vector<1x128xf32>
    %add3A_55 = arith.addf %select_n3A, %add3A_54 : vector<1x128xf32>
    %sqrt3A = math.sqrt %add3A_55 : vector<1x128xf32>
    %div3A_56 = vector.broadcast %sqrt3A : vector<1x128xf32> to vector<10000x128xf32>
    %div3A_57 = arith.divf %mul3A_52, %div3A_56 : vector<10000x128xf32>
    %broadcast_in_dim3A_58 = vector.shape_cast %get3A_26 : vector<128xf32> to vector<1x128xf32>
    %add3A_59 = vector.broadcast %broadcast_in_dim3A_58 : vector<1x128xf32> to vector<10000x128xf32>
    %add3A_60 = arith.addf %div3A_57, %add3A_59 : vector<10000x128xf32>
    %get3A_61 = arith.constant 0 : index
    %get3A_62 = arith.constant 0 : index
    %get3A_63 = vector.load %arg6[%get3A_61, %get3A_62] : memref<128x64xf32, #tpu.memory_space<vmem>>, vector<128x64xf32>
    %dot_general3A = arith.constant dense<0.000000e+00> : vector<10000x64xf32>
    %dot_general3A_64 = tpu.matmul %add3A_60, %get3A_63, %dot_general3A {dimension_numbers = #tpu.dot_dimension_numbers<[1], [0], [0], [1], [0, 0, 1, 1], [], []>, transpose_lhs_hint = false} : vector<10000x128xf32>, vector<128x64xf32>, vector<10000x64xf32> -> vector<10000x64xf32>
    %mul3A_65 = vector.broadcast %get3A_1 : vector<10000x1xf32> to vector<10000x64xf32>
    %mul3A_66 = arith.mulf %dot_general3A_64, %mul3A_65 : vector<10000x64xf32>
    %swap3A = arith.constant 0 : index
    %swap3A_67 = arith.constant 0 : index
    %swap3A_68 = vector.load %arg7[%swap3A, %swap3A_67] : memref<10000x128xf32, #tpu.memory_space<vmem>>, vector<10000x64xf32>
    tpu.vector_store %arg7[%swap3A, %swap3A_67], %mul3A_66 {strides = array<i32>} : memref<10000x128xf32, #tpu.memory_space<vmem>>, vector<10000x64xf32>,
    %broadcast_in_dim3A_69 = arith.constant 0.000000e+00 : f32
    %broadcast_in_dim3A_70 = vector.broadcast %broadcast_in_dim3A_69 : f32 to vector<10000x64xf32>
    %swap3A_71 = arith.constant 0 : index
    %swap3A_72 = arith.constant 64 : index
    %swap3A_73 = vector.load %arg7[%swap3A_71, %swap3A_72] : memref<10000x128xf32, #tpu.memory_space<vmem>>, vector<10000x64xf32>
    tpu.vector_store %arg7[%swap3A_71, %swap3A_72], %broadcast_in_dim3A_70 {strides = array<i32>} : memref<10000x128xf32, #tpu.memory_space<vmem>>, vector<10000x64xf32>,
    return
  }
}

module attributes {stable_mosaic.version = 14 : i64} {
  func.func @_tcc_body(%arg0: memref<2x10240x128xf32, #tpu.memory_space<vmem>>, %arg1: memref<10000x128xf32, #tpu.memory_space<vmem>>, %arg2: memref<10000x1xf32, #tpu.memory_space<vmem>>, %arg3: memref<64xf32, #tpu.memory_space<vmem>>, %arg4: memref<64xf32, #tpu.memory_space<vmem>>, %arg5: memref<64xf32, #tpu.memory_space<vmem>>, %arg6: memref<10000xi32, #tpu.memory_space<vmem>>, %arg7: memref<64x64xf32, #tpu.memory_space<vmem>>, %arg8: memref<64xf32, #tpu.memory_space<vmem>>, %arg9: memref<64xf32, #tpu.memory_space<vmem>>, %arg10: memref<64xf32, #tpu.memory_space<vmem>>, %arg11: memref<64x64xf32, #tpu.memory_space<vmem>>, %arg12: memref<64xf32, #tpu.memory_space<vmem>>, %arg13: memref<64x3xf32, #tpu.memory_space<vmem>>, %arg14: memref<3xf32, #tpu.memory_space<vmem>>, %arg15: memref<64x3xf32, #tpu.memory_space<vmem>>) attributes {dimension_semantics = [], scalar_prefetch = 0 : i64, scratch_operands = 0 : i64, tpu.core_type = #tpu.core_type<tc>} {
    %get3A = arith.constant 0 : index
    %get3A_0 = arith.constant 0 : index
    %get3A_1 = vector.load %arg2[%get3A, %get3A_0] : memref<10000x1xf32, #tpu.memory_space<vmem>>, vector<10000x1xf32>
    %get3A_2 = arith.constant 0 : index
    %get3A_3 = arith.constant 0 : index
    %get3A_4 = arith.constant 0 : index
    %get3A_5 = vector.load %arg0[%get3A_2, %get3A_3, %get3A_4] : memref<2x10240x128xf32, #tpu.memory_space<vmem>>, vector<1x10000x64xf32>
    %get3A_6 = vector.shape_cast %get3A_5 : vector<1x10000x64xf32> to vector<10000x64xf32>
    %get3A_7 = arith.constant 1 : index
    %get3A_8 = arith.constant 0 : index
    %get3A_9 = arith.constant 0 : index
    %get3A_10 = vector.load %arg0[%get3A_7, %get3A_8, %get3A_9] : memref<2x10240x128xf32, #tpu.memory_space<vmem>>, vector<1x10000x64xf32>
    %get3A_11 = vector.shape_cast %get3A_10 : vector<1x10000x64xf32> to vector<10000x64xf32>
    %add3A = arith.addf %get3A_6, %get3A_11 : vector<10000x64xf32>
    %get3A_12 = arith.constant 0 : index
    %get3A_13 = arith.constant 0 : index
    %get3A_14 = vector.load %arg1[%get3A_12, %get3A_13] : memref<10000x128xf32, #tpu.memory_space<vmem>>, vector<10000x64xf32>
    %add3A_15 = arith.addf %add3A, %get3A_14 : vector<10000x64xf32>
    %mul3A = vector.broadcast %get3A_1 : vector<10000x1xf32> to vector<10000x64xf32>
    %mul3A_16 = arith.mulf %add3A_15, %mul3A : vector<10000x64xf32>
    %get3A_17 = arith.constant 0 : index
    %get3A_18 = vector.load %arg3[%get3A_17] : memref<64xf32, #tpu.memory_space<vmem>>, vector<64xf32>
    %broadcast_in_dim3A = vector.shape_cast %get3A_18 : vector<64xf32> to vector<1x64xf32>
    %add3A_19 = vector.broadcast %broadcast_in_dim3A : vector<1x64xf32> to vector<10000x64xf32>
    %add3A_20 = arith.addf %mul3A_16, %add3A_19 : vector<10000x64xf32>
    %max3A = arith.constant 0.000000e+00 : f32
    %max3A_21 = vector.broadcast %max3A : f32 to vector<10000x64xf32>
    %max3A_22 = arith.maximumf %add3A_20, %max3A_21 : vector<10000x64xf32>
    %get3A_23 = arith.constant 0 : index
    %get3A_24 = vector.load %arg4[%get3A_23] : memref<64xf32, #tpu.memory_space<vmem>>, vector<64xf32>
    %get3A_25 = arith.constant 0 : index
    %get3A_26 = vector.load %arg5[%get3A_25] : memref<64xf32, #tpu.memory_space<vmem>>, vector<64xf32>
    %reduce_sum3A = arith.constant dense<0.000000e+00> : vector<64xf32>
    %reduce_sum3A_27 = vector.multi_reduction <add>, %max3A_22, %reduce_sum3A [0] : vector<10000x64xf32> to vector<64xf32>
    %broadcast_in_dim3A_28 = vector.shape_cast %reduce_sum3A_27 : vector<64xf32> to vector<1x64xf32>
    %div3A = arith.constant 1.000000e+04 : f32
    %div3A_29 = vector.broadcast %div3A : f32 to vector<1x64xf32>
    %div3A_30 = arith.divf %broadcast_in_dim3A_28, %div3A_29 : vector<1x64xf32>
    %jit3A = arith.constant 0 : i32
    %reduce_sum3A_31 = arith.constant dense<0.000000e+00> : vector<64xf32>
    %reduce_sum3A_32 = vector.multi_reduction <add>, %max3A_22, %reduce_sum3A_31 [0] : vector<10000x64xf32> to vector<64xf32>
    %broadcast_in_dim3A_33 = vector.shape_cast %reduce_sum3A_32 : vector<64xf32> to vector<1x64xf32>
    %div3A_34 = arith.constant 1.000000e+04 : f32
    %div3A_35 = vector.broadcast %div3A_34 : f32 to vector<1x64xf32>
    %div3A_36 = arith.divf %broadcast_in_dim3A_33, %div3A_35 : vector<1x64xf32>
    %sub3A = vector.broadcast %div3A_36 : vector<1x64xf32> to vector<10000x64xf32>
    %sub3A_37 = arith.subf %max3A_22, %sub3A : vector<10000x64xf32>
    %square3A = arith.mulf %sub3A_37, %sub3A_37 : vector<10000x64xf32>
    %convert_element_type3A = arith.sitofp %jit3A : i32 to f32
    %sub3A_38 = arith.constant 1.000000e+04 : f32
    %sub3A_39 = arith.subf %sub3A_38, %convert_element_type3A : f32
    %reduce_sum3A_40 = arith.constant dense<0.000000e+00> : vector<64xf32>
    %reduce_sum3A_41 = vector.multi_reduction <add>, %square3A, %reduce_sum3A_40 [0] : vector<10000x64xf32> to vector<64xf32>
    %broadcast_in_dim3A_42 = vector.shape_cast %reduce_sum3A_41 : vector<64xf32> to vector<1x64xf32>
    %div3A_43 = vector.broadcast %sub3A_39 : f32 to vector<1x64xf32>
    %div3A_44 = arith.divf %broadcast_in_dim3A_42, %div3A_43 : vector<1x64xf32>
    %gt3A = arith.constant 0.000000e+00 : f32
    %gt3A_45 = arith.cmpf ogt, %sub3A_39, %gt3A : f32
    %jit3A_46 = arith.constant 0x7FC00000 : f32
    %broadcast_in_dim3A_47 = vector.broadcast %jit3A_46 : f32 to vector<1x64xf32>
    %select_n3A = arith.select %gt3A_45, %div3A_44, %broadcast_in_dim3A_47 : vector<1x64xf32>
    %sub3A_48 = vector.broadcast %div3A_30 : vector<1x64xf32> to vector<10000x64xf32>
    %sub3A_49 = arith.subf %max3A_22, %sub3A_48 : vector<10000x64xf32>
    %broadcast_in_dim3A_50 = vector.shape_cast %get3A_24 : vector<64xf32> to vector<1x64xf32>
    %mul3A_51 = vector.broadcast %broadcast_in_dim3A_50 : vector<1x64xf32> to vector<10000x64xf32>
    %mul3A_52 = arith.mulf %mul3A_51, %sub3A_49 : vector<10000x64xf32>
    %add3A_53 = arith.constant 9.99999974E-6 : f32
    %add3A_54 = vector.broadcast %add3A_53 : f32 to vector<1x64xf32>
    %add3A_55 = arith.addf %select_n3A, %add3A_54 : vector<1x64xf32>
    %sqrt3A = math.sqrt %add3A_55 : vector<1x64xf32>
    %div3A_56 = vector.broadcast %sqrt3A : vector<1x64xf32> to vector<10000x64xf32>
    %div3A_57 = arith.divf %mul3A_52, %div3A_56 : vector<10000x64xf32>
    %broadcast_in_dim3A_58 = vector.shape_cast %get3A_26 : vector<64xf32> to vector<1x64xf32>
    %add3A_59 = vector.broadcast %broadcast_in_dim3A_58 : vector<1x64xf32> to vector<10000x64xf32>
    %add3A_60 = arith.addf %div3A_57, %add3A_59 : vector<10000x64xf32>
    %iota3A = tpu.iota {dimensions = array<i32: 0>} : vector<64x10000xi32>
    %get3A_61 = arith.constant 0 : index
    %get3A_62 = vector.load %arg6[%get3A_61] : memref<10000xi32, #tpu.memory_space<vmem>>, vector<10000xi32>
    %broadcast_in_dim3A_63 = vector.shape_cast %get3A_62 : vector<10000xi32> to vector<1x10000xi32>
    %eq3A = vector.broadcast %broadcast_in_dim3A_63 : vector<1x10000xi32> to vector<64x10000xi32>
    %eq3A_64 = arith.cmpi eq, %eq3A, %iota3A : vector<64x10000xi32>
    %convert_element_type3A_65 = arith.extui %eq3A_64 : vector<64x10000xi1> to vector<64x10000xi32>
    %convert_element_type3A_66 = arith.sitofp %convert_element_type3A_65 : vector<64x10000xi32> to vector<64x10000xf32>
    %dot_general3A = arith.constant dense<0.000000e+00> : vector<64x64xf32>
    %dot_general3A_67 = tpu.matmul %convert_element_type3A_66, %add3A_60, %dot_general3A {dimension_numbers = #tpu.dot_dimension_numbers<[1], [0], [0], [1], [0, 0, 1, 1], [], []>, transpose_lhs_hint = false} : vector<64x10000xf32>, vector<10000x64xf32>, vector<64x64xf32> -> vector<64x64xf32>
    %get3A_68 = arith.constant 0 : index
    %get3A_69 = arith.constant 0 : index
    %get3A_70 = vector.load %arg7[%get3A_68, %get3A_69] : memref<64x64xf32, #tpu.memory_space<vmem>>, vector<64x64xf32>
    %dot_general3A_71 = arith.constant dense<0.000000e+00> : vector<64x64xf32>
    %dot_general3A_72 = tpu.matmul %dot_general3A_67, %get3A_70, %dot_general3A_71 {dimension_numbers = #tpu.dot_dimension_numbers<[1], [0], [0], [1], [0, 0, 1, 1], [], []>, transpose_lhs_hint = false} : vector<64x64xf32>, vector<64x64xf32>, vector<64x64xf32> -> vector<64x64xf32>
    %get3A_73 = arith.constant 0 : index
    %get3A_74 = vector.load %arg8[%get3A_73] : memref<64xf32, #tpu.memory_space<vmem>>, vector<64xf32>
    %broadcast_in_dim3A_75 = vector.shape_cast %get3A_74 : vector<64xf32> to vector<1x64xf32>
    %add3A_76 = vector.broadcast %broadcast_in_dim3A_75 : vector<1x64xf32> to vector<64x64xf32>
    %add3A_77 = arith.addf %dot_general3A_72, %add3A_76 : vector<64x64xf32>
    %max3A_78 = arith.constant 0.000000e+00 : f32
    %max3A_79 = vector.broadcast %max3A_78 : f32 to vector<64x64xf32>
    %max3A_80 = arith.maximumf %add3A_77, %max3A_79 : vector<64x64xf32>
    %get3A_81 = arith.constant 0 : index
    %get3A_82 = vector.load %arg9[%get3A_81] : memref<64xf32, #tpu.memory_space<vmem>>, vector<64xf32>
    %get3A_83 = arith.constant 0 : index
    %get3A_84 = vector.load %arg10[%get3A_83] : memref<64xf32, #tpu.memory_space<vmem>>, vector<64xf32>
    %reduce_sum3A_85 = arith.constant dense<0.000000e+00> : vector<64xf32>
    %reduce_sum3A_86 = vector.multi_reduction <add>, %max3A_80, %reduce_sum3A_85 [0] : vector<64x64xf32> to vector<64xf32>
    %broadcast_in_dim3A_87 = vector.shape_cast %reduce_sum3A_86 : vector<64xf32> to vector<1x64xf32>
    %div3A_88 = arith.constant 6.400000e+01 : f32
    %div3A_89 = vector.broadcast %div3A_88 : f32 to vector<1x64xf32>
    %div3A_90 = arith.divf %broadcast_in_dim3A_87, %div3A_89 : vector<1x64xf32>
    %jit3A_91 = arith.constant 0 : i32
    %reduce_sum3A_92 = arith.constant dense<0.000000e+00> : vector<64xf32>
    %reduce_sum3A_93 = vector.multi_reduction <add>, %max3A_80, %reduce_sum3A_92 [0] : vector<64x64xf32> to vector<64xf32>
    %broadcast_in_dim3A_94 = vector.shape_cast %reduce_sum3A_93 : vector<64xf32> to vector<1x64xf32>
    %div3A_95 = arith.constant 6.400000e+01 : f32
    %div3A_96 = vector.broadcast %div3A_95 : f32 to vector<1x64xf32>
    %div3A_97 = arith.divf %broadcast_in_dim3A_94, %div3A_96 : vector<1x64xf32>
    %sub3A_98 = vector.broadcast %div3A_97 : vector<1x64xf32> to vector<64x64xf32>
    %sub3A_99 = arith.subf %max3A_80, %sub3A_98 : vector<64x64xf32>
    %square3A_100 = arith.mulf %sub3A_99, %sub3A_99 : vector<64x64xf32>
    %convert_element_type3A_101 = arith.sitofp %jit3A_91 : i32 to f32
    %sub3A_102 = arith.constant 6.400000e+01 : f32
    %sub3A_103 = arith.subf %sub3A_102, %convert_element_type3A_101 : f32
    %reduce_sum3A_104 = arith.constant dense<0.000000e+00> : vector<64xf32>
    %reduce_sum3A_105 = vector.multi_reduction <add>, %square3A_100, %reduce_sum3A_104 [0] : vector<64x64xf32> to vector<64xf32>
    %broadcast_in_dim3A_106 = vector.shape_cast %reduce_sum3A_105 : vector<64xf32> to vector<1x64xf32>
    %div3A_107 = vector.broadcast %sub3A_103 : f32 to vector<1x64xf32>
    %div3A_108 = arith.divf %broadcast_in_dim3A_106, %div3A_107 : vector<1x64xf32>
    %gt3A_109 = arith.constant 0.000000e+00 : f32
    %gt3A_110 = arith.cmpf ogt, %sub3A_103, %gt3A_109 : f32
    %jit3A_111 = arith.constant 0x7FC00000 : f32
    %broadcast_in_dim3A_112 = vector.broadcast %jit3A_111 : f32 to vector<1x64xf32>
    %select_n3A_113 = arith.select %gt3A_110, %div3A_108, %broadcast_in_dim3A_112 : vector<1x64xf32>
    %sub3A_114 = vector.broadcast %div3A_90 : vector<1x64xf32> to vector<64x64xf32>
    %sub3A_115 = arith.subf %max3A_80, %sub3A_114 : vector<64x64xf32>
    %broadcast_in_dim3A_116 = vector.shape_cast %get3A_82 : vector<64xf32> to vector<1x64xf32>
    %mul3A_117 = vector.broadcast %broadcast_in_dim3A_116 : vector<1x64xf32> to vector<64x64xf32>
    %mul3A_118 = arith.mulf %mul3A_117, %sub3A_115 : vector<64x64xf32>
    %add3A_119 = arith.constant 9.99999974E-6 : f32
    %add3A_120 = vector.broadcast %add3A_119 : f32 to vector<1x64xf32>
    %add3A_121 = arith.addf %select_n3A_113, %add3A_120 : vector<1x64xf32>
    %sqrt3A_122 = math.sqrt %add3A_121 : vector<1x64xf32>
    %div3A_123 = vector.broadcast %sqrt3A_122 : vector<1x64xf32> to vector<64x64xf32>
    %div3A_124 = arith.divf %mul3A_118, %div3A_123 : vector<64x64xf32>
    %broadcast_in_dim3A_125 = vector.shape_cast %get3A_84 : vector<64xf32> to vector<1x64xf32>
    %add3A_126 = vector.broadcast %broadcast_in_dim3A_125 : vector<1x64xf32> to vector<64x64xf32>
    %add3A_127 = arith.addf %div3A_124, %add3A_126 : vector<64x64xf32>
    %get3A_128 = arith.constant 0 : index
    %get3A_129 = arith.constant 0 : index
    %get3A_130 = vector.load %arg11[%get3A_128, %get3A_129] : memref<64x64xf32, #tpu.memory_space<vmem>>, vector<64x64xf32>
    %dot_general3A_131 = arith.constant dense<0.000000e+00> : vector<64x64xf32>
    %dot_general3A_132 = tpu.matmul %add3A_127, %get3A_130, %dot_general3A_131 {dimension_numbers = #tpu.dot_dimension_numbers<[1], [0], [0], [1], [0, 0, 1, 1], [], []>, transpose_lhs_hint = false} : vector<64x64xf32>, vector<64x64xf32>, vector<64x64xf32> -> vector<64x64xf32>
    %get3A_133 = arith.constant 0 : index
    %get3A_134 = vector.load %arg12[%get3A_133] : memref<64xf32, #tpu.memory_space<vmem>>, vector<64xf32>
    %broadcast_in_dim3A_135 = vector.shape_cast %get3A_134 : vector<64xf32> to vector<1x64xf32>
    %add3A_136 = vector.broadcast %broadcast_in_dim3A_135 : vector<1x64xf32> to vector<64x64xf32>
    %add3A_137 = arith.addf %dot_general3A_132, %add3A_136 : vector<64x64xf32>
    %max3A_138 = arith.constant 0.000000e+00 : f32
    %max3A_139 = vector.broadcast %max3A_138 : f32 to vector<64x64xf32>
    %max3A_140 = arith.maximumf %add3A_137, %max3A_139 : vector<64x64xf32>
    %get3A_141 = arith.constant 0 : index
    %get3A_142 = arith.constant 0 : index
    %get3A_143 = vector.load %arg13[%get3A_141, %get3A_142] : memref<64x3xf32, #tpu.memory_space<vmem>>, vector<64x3xf32>
    %dot_general3A_144 = arith.constant dense<0.000000e+00> : vector<64x3xf32>
    %dot_general3A_145 = tpu.matmul %max3A_140, %get3A_143, %dot_general3A_144 {dimension_numbers = #tpu.dot_dimension_numbers<[1], [0], [0], [1], [0, 0, 1, 1], [], []>, transpose_lhs_hint = false} : vector<64x64xf32>, vector<64x3xf32>, vector<64x3xf32> -> vector<64x3xf32>
    %get3A_146 = arith.constant 0 : index
    %get3A_147 = vector.load %arg14[%get3A_146] : memref<3xf32, #tpu.memory_space<vmem>>, vector<3xf32>
    %broadcast_in_dim3A_148 = vector.shape_cast %get3A_147 : vector<3xf32> to vector<1x3xf32>
    %add3A_149 = vector.broadcast %broadcast_in_dim3A_148 : vector<1x3xf32> to vector<64x3xf32>
    %add3A_150 = arith.addf %dot_general3A_145, %add3A_149 : vector<64x3xf32>
    %reduce_max3A = arith.constant dense<0xFF800000> : vector<64xf32>
    %reduce_max3A_151 = vector.multi_reduction <maximumf>, %add3A_150, %reduce_max3A [1] : vector<64x3xf32> to vector<64xf32>
    %broadcast_in_dim3A_152 = vector.shape_cast %reduce_max3A_151 : vector<64xf32> to vector<64x1xf32>
    %sub3A_153 = vector.broadcast %broadcast_in_dim3A_152 : vector<64x1xf32> to vector<64x3xf32>
    %sub3A_154 = arith.subf %add3A_150, %sub3A_153 : vector<64x3xf32>
    %exp3A = math.exp %sub3A_154 : vector<64x3xf32>
    %reduce_sum3A_155 = arith.constant dense<0.000000e+00> : vector<64xf32>
    %reduce_sum3A_156 = vector.multi_reduction <add>, %exp3A, %reduce_sum3A_155 [1] : vector<64x3xf32> to vector<64xf32>
    %broadcast_in_dim3A_157 = vector.shape_cast %reduce_sum3A_156 : vector<64xf32> to vector<64x1xf32>
    %log3A = math.log %broadcast_in_dim3A_157 : vector<64x1xf32>
    %sub3A_158 = vector.broadcast %log3A : vector<64x1xf32> to vector<64x3xf32>
    %sub3A_159 = arith.subf %sub3A_154, %sub3A_158 : vector<64x3xf32>
    %swap3A = arith.constant 0 : index
    %swap3A_160 = arith.constant 0 : index
    %swap3A_161 = vector.load %arg15[%swap3A, %swap3A_160] : memref<64x3xf32, #tpu.memory_space<vmem>>, vector<64x3xf32>
    tpu.vector_store %arg15[%swap3A, %swap3A_160], %sub3A_159 {strides = array<i32>} : memref<64x3xf32, #tpu.memory_space<vmem>>, vector<64x3xf32>,
    return
  }
}

</mosaic_0001>

<sc_bundles>
// kernel: kernel.11.cloned.1.call-start
scs
__scs_entry_jumppad:
0x0: {  	(pc) =	sbr.rel $0x88, $3  }
0x1: {  	(tag) =	ssettag $0x0;
	lr =	simm.s32 $0x1  }
0x2: {  	[smem:$0x3F8E] =	sst lr;
	_ =	strace $0xD0000000  }
0x3: {  	_ = 	snop  }
0x4: {  	_ = 	snop  }
0x5: {  	_ = 	snop  }
0x6: {  	_ = 	snop  }
0x7: {  	_ = 	snop  }
__scs_overlays_trampoline_lowered:
0x8: {  	[smem:$0x3F9D] =	sst s0  }
0x9: {  	[smem:$0x3F9E] =	sst s1  }
0xa: {  	[smem:$0x3F9F] =	sst s2  }
0xb: {  	[smem:$0x3FA0] =	sst s3  }
0xc: {  	[smem:$0x3FA1] =	sst s4  }
0xd: {  	[smem:$0x3FA2] =	sst s5  }
0xe: {  	[smem:$0x3FA3] =	sst s6  }
0xf: {  	[smem:$0x3FA4] =	sst s7  }
0x10: {  	[smem:$0x3FA5] =	sst s8  }
0x11: {  	[smem:$0x3FA6] =	sst s9;
	s0 =	simm.s32 @!p0 $0x0  }
0x12: {  	s1 =	sld [smem:$0x3F8C];
	s0 =	simm.s32 @p0 $0x1  }
0x13: {  	[smem:$0x3FA7] =	sst s0;
	s0 =	simm.s32 @!p1 $0x0  }
0x14: {  	s2 =	sld [smem:$0x3F8B];
	s0 =	simm.s32 @p1 $0x1  }
0x15: {  	[smem:$0x3FA8] =	sst s0;
	s0 =	simm.s32 @!p2 $0x0  }
0x16: {  	s3 =	sld [smem:$0x3FDB];
	s0 =	simm.s32 @p2 $0x1  }
0x17: {  	s4 =	simm.s32 $0x1BF5;
	[smem:$0x3FAA] =	sst s0  }
0x18: {  	s0 =	sld [smem:$0x3F8D];
	_ =	swait.ge [sflag:s4], $0x0  }
0x19: {  	s7 =	sld [smem:$0x3F8E]  }
0x1a: {  	s8 =	sadd.s32 $0xFFFFE003, lr  }
0x1b: {  	s9 =	sadd.s32 $0xFFFFFEF7, lr;
	s5 =	simm.s32 $0xFFFFFFFF;
	p2 =	slt.u32 s8, $0xFFFFF086  }
0x1c: {  	p1 =	slt.u32 s9, $0xF7A;
	s5 =	simm.s32 @!p2 $0x0  }
0x1d: {  	s5 =	simm.s32 @p1 $0x1;
	p0 =	seq.s32 s7, s2  }
0x1e: {  	s7 =	smul.u32 @!p0 $0xF7A, s2;
	p2 =	seq.s32 @!p0 s5, $0x0  }
0x1f: {  	s9 =	smul.u32 $0xF7A, s1;
	s8 =	simm.s32 @!p0 $0x1BF5;
	p2 =	por !p2, p0  }
0x20: {  	[sflag:s8] =	ssyncset.s32 @!p0 $0xFFFFF086;
	s6 =	sadd.s32 @!p0 s3, s7;
	s7 =	simm.s32 @!p0 $0x108  }
0x21: {  	s3 =	sadd.s32 s3, s9;
	s6 =	sadd.s32 @!p0 $0x88, s6;
	s7 =	simm.s32 @p2 $0x1082  }
0x22: {  	[simem:s7], [sflag:s8] =	dma.local @!p0 [hbm:s6], $0xF7A  }
0x23: {  	s9 =	sor.u32 $0xD0000000, s2;
	s6 =	simm.s32 $0x108;
	_ =	swait.ge @!p0 [sflag:s8], $0x0  }
0x24: {  	s3 =	sadd.s32 $0x88, s3;
	s6 =	simm.s32 @!p1 $0x1082;
	[sflag:s4] =	ssyncset.s32 $0xFFFFF086  }
0x25: {  	[simem:s6], [sflag:s4] =	dma.local [hbm:s3], $0xF7A  }
0x26: {  	[smem:$0x3F8E] =	sst s1;
	(tag) =	ssettag s2;
	_ =	strace s9  }
0x27: {  	s1 =	sld [smem:$0x3F9E]  }
0x28: {  	s2 =	sld [smem:$0x3F9F]  }
0x29: {  	s4 =	sld [smem:$0x3FA1]  }
0x2a: {  	p0 =	seq.s32 s5, $0x0;
	s5 =	sld [smem:$0x3FA2]  }
0x2b: {  	s6 =	sld [smem:$0x3FA3]  }
0x2c: {  	s7 =	sld [smem:$0x3FA4]  }
0x2d: {  	s3 =	simm.s32 $0x108;
	s8 =	sld [smem:$0x3FA5]  }
0x2e: {  	s3 =	simm.s32 @!p0 $0x1082;
	s9 =	sld [smem:$0x3FA6]  }
0x2f: {  	lr =	sadd.s32 s0, s3;
	s0 =	sld [smem:$0x3F9D]  }
0x30: {  	s3 =	sld [smem:$0x3FA0]  }
0x31: {  	[smem:$0x3FA9] =	sst s10  }
0x32: {  	s10 =	sld [smem:$0x3FA7];
	_ =	sdelay $0x3  }
0x33: {  	p0 =	seq.s32 s10, $0x1;
	s10 =	sld [smem:$0x3FA9];
	_ =	sdelay $0x3  }
0x34: {  	[smem:$0x3FA9] =	sst s10  }
0x35: {  	s10 =	sld [smem:$0x3FA8];
	_ =	sdelay $0x3  }
0x36: {  	p1 =	seq.s32 s10, $0x1;
	s10 =	sld [smem:$0x3FA9];
	_ =	sdelay $0x3  }
0x37: {  	[smem:$0x3FA9] =	sst s10  }
0x38: {  	s10 =	sld [smem:$0x3FAA]  }
0x39: {  	_ = 	snop;
	(pc) =	sbr.ind lr, $3  }
0x3a: {  	_ = 	snop  }
0x3b: {  	_ = 	snop  }
0x3c: {  	p2 =	seq.s32 s10, $0x1;
	s10 =	sld [smem:$0x3FA9]  }
0x3d: {  	_ =	shalt  }
0x3e: {  	_ =	shalt  }
0x3f: {  	_ =	shalt  }
0x40: {  	_ =	shalt  }
0x41: {  	_ =	shalt  }
0x42: {  	_ =	shalt  }
0x43: {  	_ =	shalt  }
0x44: {  	_ =	shalt  }
0x45: {  	_ =	shalt  }
0x46: {  	_ =	shalt  }
0x47: {  	_ =	shalt  }
0x48: {  	_ =	shalt  }
0x49: {  	_ =	shalt  }
0x4a: {  	_ =	shalt  }
0x4b: {  	_ =	shalt  }
0x4c: {  	_ =	shalt  }
0x4d: {  	_ =	shalt  }
0x4e: {  	_ =	shalt  }
0x4f: {  	_ =	shalt  }
0x50: {  	_ =	shalt  }
0x51: {  	_ =	shalt  }
0x52: {  	_ =	shalt  }
0x53: {  	_ =	shalt  }
0x54: {  	_ =	shalt  }
0x55: {  	_ =	shalt  }
0x56: {  	_ =	shalt  }
0x57: {  	_ =	shalt  }
0x58: {  	_ =	shalt  }
0x59: {  	_ =	shalt  }
0x5a: {  	_ =	shalt  }
0x5b: {  	_ =	shalt  }
0x5c: {  	_ =	shalt  }
0x5d: {  	_ =	shalt  }
0x5e: {  	_ =	shalt  }
0x5f: {  	_ =	shalt  }
0x60: {  	_ =	shalt  }
0x61: {  	_ =	shalt  }
0x62: {  	_ =	shalt  }
0x63: {  	_ =	shalt  }
0x64: {  	_ =	shalt  }
0x65: {  	_ =	shalt  }
0x66: {  	_ =	shalt  }
0x67: {  	_ =	shalt  }
0x68: {  	_ =	shalt  }
0x69: {  	_ =	shalt  }
0x6a: {  	_ =	shalt  }
0x6b: {  	_ =	shalt  }
0x6c: {  	_ =	shalt  }
0x6d: {  	_ =	shalt  }
0x6e: {  	_ =	shalt  }
0x6f: {  	_ =	shalt  }
0x70: {  	_ =	shalt  }
0x71: {  	_ =	shalt  }
0x72: {  	_ =	shalt  }
0x73: {  	_ =	shalt  }
0x74: {  	_ =	shalt  }
0x75: {  	_ =	shalt  }
0x76: {  	_ =	shalt  }
0x77: {  	_ =	shalt  }
0x78: {  	_ =	shalt  }
0x79: {  	_ =	shalt  }
0x7a: {  	_ =	shalt  }
0x7b: {  	_ =	shalt  }
0x7c: {  	_ =	shalt  }
0x7d: {  	_ =	shalt  }
0x7e: {  	_ =	shalt  }
0x7f: {  	_ =	shalt  }
0x80: {  	_ =	shalt  }
0x81: {  	_ =	shalt  }
0x82: {  	_ =	shalt  }
0x83: {  	_ =	shalt  }
0x84: {  	_ =	shalt  }
0x85: {  	_ =	shalt  }
0x86: {  	_ =	shalt  }
0x87: {  	_ =	shalt  }
.Lfunc_end0:
.L_simem_size_0:
called_computation.1_lowered:
.L_overlay_start_0:
0x88: {  	s2 =	sld [smem:$0x3FD9]  }
0x89: {  	s3 =	sld [smem:$0x3FFE];
	_ =	sdelay $0x1  }
0x8a: {  	s1 =	srdreg.scid  }
0x8b: {  	s0 =	sand.u32 $0x1, s1  }
0x8c: {  	s16 =	sshll.u32 s0, $0xA;
	s2 =	sadd.s32 s3, s2  }
0x8d: {  	s2 =	sadd.s32 s2, s16  }
0x8e: {  	[smem:$0x3FB5] =	sst s2  }
0x8f: {  	_ = 	snop  }
0x90: {  	(tm) =	ssettm $0x1  }
0x91: {  	s17 =	sld [smem:$0x3FFB];
	_ =	sdelay $0x3  }
0x92: {  	_ =	strace s17  }
0x93: {  	s2 =	sld [smem:$0x3FFC];
	_ =	sdelay $0x3  }
0x94: {  	_ =	strace s2  }
0x95: {  	s2 =	sld [smem:$0x3FFD];
	_ =	sdelay $0x3  }
0x96: {  	_ =	strace s2  }
0x97: {  	_ =	strace $0x8FFFFFFF  }
0x98: {  	s18 =	sld [smem:$0x3FDB];
	_ =	sdelay $0x1  }
0x99: {  	s19 =	simm.s32 $_scs_section_size  }
0x9a: {  	s4 =	simm.s32 $_size__tile_overlayer_lowered;
	s5 =	simm.s32 $_tile_overlayer_lowered  }
0x9b: {  	s22 =	simm.s32 $0x1BFF;
	s21 =	sshll.u32 s5, $0x1;
	s2 =	sadd.s32 s19, s18  }
0x9c: {  	s6 =	simm.s32 $0x0;
	s20 =	sshll.u32 s4, $0x1;
	s4 =	sadd.s32 s21, s2  }
0x9d: {  	[timem:s6], [sflag:s22] =	dma.local [hbm:s4], s20  }
0x9e: {  	_ =	swait.ge [sflag:s22], s20  }
0x9f: {  	s3 =	ssub.s32 $0x0, s20;
	[sflag:s22] =	ssyncset.done $0x0  }
0xa0: {  	[sflag:s22] =	ssyncadd.s32 s3;
	_ =	sdelay $0x1  }
0xa1: {  	s23 =	simm.s32 $0x1B8B  }
0xa2: {  	_ =	swait.ge [sflag:s23], $0x1  }
0xa3: {  	[sflag:s23] =	ssyncset.done $0x0  }
0xa4: {  	s25 =	simm.s32 $0x1B8E;
	s24 =	sld [smem:$0x3FFE];
	[sflag:s23] =	ssyncadd.s32 $0xFFFFFFFF  }
0xa5: {  	s26 =	simm.s32 $execute0_lowered;
	[smem:$0x3FD2] =	sst s25  }
0xa6: {  	s4 =	sshll.u32 s26, $0x1;
	_ =	strace $0x80000049;
	[dreg:$0x1] =	wrdreg $0xFFFFFFFF  }
0xa7: {  	s28 =	simm.s32 $_size_execute0_lowered;
	s2 =	sadd.s32 s2, s4;
	[dreg:$0x0] =	wrdreg $0x0  }
0xa8: {  	s4 =	sshll.u32 s28, $0x1;
	[dreg:$0x2] =	wrdreg s2  }
0xa9: {  	[dreg:$0x3] =	wrdreg s4  }
0xaa: {  	[dreg:$0x4] =	wrdreg $0xC0  }
0xab: {  	_ =	task [dreg:s6], $0x5FFFF  }
0xac: {  	[dreg:$0x1] =	wrdreg $0xFFFFFFFF  }
0xad: {  	[dreg:$0x0] =	wrdreg $0x60  }
0xae: {  	[dreg:$0x2] =	wrdreg s24  }
0xaf: {  	[dreg:$0x3] =	wrdreg $0x8E000  }
0xb0: {  	[dreg:$0x4] =	wrdreg $0x9  }
0xb1: {  	_ =	task.clear_ibuf [dreg:s6], $0x5FFFF;
	_ =	strace $0x90000049  }
0xb2: {  	s29 =	simm.s32 $0x9;
	_ =	strace $0x8000004B  }
0xb3: {  	_ =	swait.ge [sflag:s29], $0x1  }
0xb4: {  	[sflag:s29] =	ssyncadd.s32 $0xFFFFFFFF  }
0xb5: {  	_ =	strace $0x9000004B  }
0xb6: {  	_ =	sfence  }
0xb7: {  	s30 =	sld [smem:$0x0];
	_ =	sdelay $0x2  }
0xb8: {  	s31 =	sshll.u32 s1, $0xD;
	s1 =	sshrl.u32 s1, $0x2  }
0xb9: {  	s3 =	sand.u32 $0x4000, s31;
	s1 =	sadd.s32 s1, s30  }
0xba: {  	s0 =	sor.u32 s3, s0;
	s1 =	sshll.u32 s1, $0x11  }
0xbb: {  	s0 =	sor.u32 s1, s0  }
0xbc: {  	s0 =	sadd.s32 $0x8F2B, s0  }
0xbd: {  	[sflag:s0] =	ssyncadd.remote.s32 $0x1  }
0xbe: {  	_ =	sfence.sel $0xFFFF  }
0xbf: {  	[dreg:$0x0] =	wrdreg $0xFFFFFFFF;
	(pc) =	sbr.abs _section_cstart, $3  }
0xc0: {  	[dreg:$0x1] =	wrdreg $0xFFFFFFFF  }
0xc1: {  	_ =	task.clear_ibuf [dreg:s6], $0x2FFFF;
	_ =	strace $0x9FFFFFFF  }
0xc2: {  	(tm) =	ssettm $0x7FFFFFFF  }
0xc3: {  	_ =	shalt  }
tec
execute0_lowered:
.L_overlay_start_1:
0x0: {  	(tag) =	ssettag $0x1  }
0x1: {  	s0 =	srdreg.scid  }
0x2: {  	s11 =	stileid.u32;
	s1 =	rddreg [dreg:$0x0]  }
0x3: {  	s2 =	rddreg [dreg:$0x1];
	s18 =	simm.s32 $0xB;
	s20 =	simm.s32 $0x28  }
0x4: {  	s12 =	simm.s32 $0x9;
	s13 =	simm.s32 $0x4;
	s7 =	smul.u32 $0x14000, s11  }
0x5: {  	s0 =	sand.u32 $0x1, s0;
	s3 =	sshll.u32 s11, $0x1;
	s23 =	smul.u32 $0x50000, s11  }
0x6: {  	s26 =	sshll.u32 s11, $0x6;
	s6 =	sor.u32 s0, s3;
	s8 =	smul.u32 $0x140000, s0  }
0x7: {  	s3 =	simm.s32 $0x0;
	s0 =	ssub.s32 $0x2, s0;
	s5 =	smul.u32 $0x4E2, s6  }
0x8: {  	[smem:$0x7FF] =	sst s3;
	s10 =	sshrl.u32 s7, $0x3;
	s24 =	sshrl.u32 s0, $0x1  }
0x9: {  	s28 =	sshll.u32 s6, $0xC;
	_ =	strace $0x8000004A;
	s10 =	sadd.s32 s10, s1  }
0xa: {  	s7 =	sadd.s32 s7, s8;
	s0 =	ssub.s32 s0, s24;
	s10 =	sadd.s32 $0x5FC00, s10  }
0xb: {  	s9 =	sadd.s32 s5, s1;
	s0 =	smax.u32 s0, $0x1;
	[dreg:$0x3] =	wrdreg s10  }
0xc: {  	s5 =	sadd.s32 $0x18A00, s1;
	s9 =	sadd.s32 $0xDC00, s9;
	[dreg:$0xc] =	wrdreg s0  }
0xd: {  	s8 =	sshrl.u32 s23, $0x2;
	s29 =	sadd.s32 s5, s28;
	[dreg:$0x5] =	wrdreg s9  }
0xe: {  	s25 =	sadd.s32 s8, s2;
	s10 =	sor.u32 $0x1C0B, s26;
	[dreg:$0x6] =	wrdreg s29  }
0xf: {  	s14 =	simm.s32 $0xA;
	s16 =	sshrl.u32 s25, $0x3;
	[dreg:$0x4] =	wrdreg s10  }
0x10: {  	s4 =	sadd.s32 $0x38A00, s1;
	s8 =	sadd.s32 $0x10, s29;
	[dreg:$0xd] =	wrdreg s16  }
0x11: {  	s7 =	sshrl.u32 s7, $0x3;
	s30 =	sadd.s32 $0x20, s29;
	[dreg:$0x7] =	wrdreg s8  }
0x12: {  	s1 =	sadd.s32 s7, s1;
	s31 =	sadd.s32 $0x30, s29;
	[dreg:$0x8] =	wrdreg s30  }
0x13: {  	s9 =	sshll.u32 s6, $0xF;
	s6 =	sadd.s32 $0x40, s29;
	[dreg:$0x9] =	wrdreg s31  }
0x14: {  	s15 =	simm.s32 $0x5;
	s1 =	sadd.s32 $0x87C00, s1;
	[dreg:$0xa] =	wrdreg s6  }
0x15: {  	s11 =	simm.s32 $0x3;
	s0 =	simm.s32 $0x0;
	[dreg:$0xb] =	wrdreg s1  }
0x16: {  	s1 =	simm.s32 $0x7;
	s6 =	simm.s32 $0x2;
	s8 =	simm.s32 $0x8  }
.LBB2_1:
0x17: {  	[dreg:$0xe] =	wrdreg s0  }
0x18: {  	s7 =	rddreg [dreg:$0x3]  }
0x19: {  	[spmem:s16], [sflag:s10] =	dma.local [hbm:s7], $0x2800  }
0x1a: {  	_ =	swait.ge [sflag:s18], $0x2800  }
0x1b: {  	[sflag:s18] =	ssyncset.done $0x0  }
0x1c: {  	s26 =	rddreg [dreg:$0x5];
	[sflag:s18] =	ssyncadd.s32 $0xFFFFD800  }
0x1d: {  	[tilespmem:s3], [sflag:$0xB] =	stream.linear.gather [hbm4b:s26+s3], $0x2710, $0x38;
	[tilespmem:$0x1CE00] =	vst v63  }
0x1e: {  	_ =	swait.ge [sflag:s18], $0x2710  }
0x1f: {  	[sflag:s18] =	ssyncset.done $0x0  }
0x20: {  	[sflag:s18] =	ssyncadd.s32 $0xFFFFD8F0  }
0x21: {  	[bflag:$0x0] =	sbarrier.arrive $0xFFFF  }
0x22: {  	s17 =	simm.s32 $0x2780;
	s28 =	rddreg [dreg:$0x6]  }
0x23: {  	[tilespmem:s17], [sflag:$0x6] =	stream.linear.gather [hbm4b:s28+s3], $0x80, $0x38;
	[tilespmem:$0x1CE00] =	vst v63  }
0x24: {  	s19 =	simm.s32 $0x2A00  }
0x25: {  	[tilespmem:s19], [sflag:$0x1] =	stream.indirect.gather [hbm4b:s4+s20], $0x80, s3, s20, $0xb8;
	[tilespmem:$0x1CE00] =	vst v63  }
0x26: {  	s21 =	simm.s32 $0x2800;
	s29 =	rddreg [dreg:$0x7]  }
0x27: {  	[tilespmem:s21], [sflag:$0x7] =	stream.linear.gather [hbm4b:s29+s3], $0x80, $0x38;
	[tilespmem:$0x1CE00] =	vst v63  }
0x28: {  	s22 =	simm.s32 $0x3E00  }
0x29: {  	[tilespmem:s22], [sflag:$0x2] =	stream.indirect.gather [hbm4b:s4+s20], $0x80, s20, s20, $0xb8;
	[tilespmem:$0x1CE00] =	vst v63  }
0x2a: {  	s23 =	simm.s32 $0x2880;
	s30 =	rddreg [dreg:$0x8]  }
0x2b: {  	[tilespmem:s23], [sflag:$0x8] =	stream.linear.gather [hbm4b:s30+s3], $0x80, $0x38;
	[tilespmem:$0x1CE00] =	vst v63  }
0x2c: {  	s31 =	simm.s32 $0x50;
	s24 =	simm.s32 $0x5200  }
0x2d: {  	[tilespmem:s24], [sflag:$0x3] =	stream.indirect.gather [hbm4b:s4+s20], $0x80, s31, s20, $0xb8;
	[tilespmem:$0x1CE00] =	vst v63  }
0x2e: {  	s26 =	simm.s32 $0x2900;
	s0 =	rddreg [dreg:$0x9]  }
0x2f: {  	[tilespmem:s26], [sflag:$0x9] =	stream.linear.gather [hbm4b:s0+s3], $0x80, $0x38;
	[tilespmem:$0x1CE00] =	vst v63  }
0x30: {  	s7 =	simm.s32 $0x78;
	s28 =	simm.s32 $0x6600  }
0x31: {  	[tilespmem:s28], [sflag:$0x4] =	stream.indirect.gather [hbm4b:s4+s20], $0x80, s7, s20, $0xb8;
	[tilespmem:$0x1CE00] =	vst v63  }
0x32: {  	s10 =	rddreg [dreg:$0xa];
	s0 =	simm.s32 $0x2980  }
0x33: {  	[tilespmem:s0], [sflag:$0xA] =	stream.linear.gather [hbm4b:s10+s3], $0x80, $0x38;
	[tilespmem:$0x1CE00] =	vst v63  }
0x34: {  	s25 =	simm.s32 $0x7A00;
	s16 =	simm.s32 $0xA0;
	s29 =	simm.s32 $0x6  }
0x35: {  	[tilespmem:s25], [sflag:$0x5] =	stream.indirect.gather [hbm4b:s4+s20], $0x80, s16, s20, $0xb8;
	[tilespmem:$0x1CE00] =	vst v63  }
0x36: {  	_ =	swait.ge [sflag:s29], $0x80  }
0x37: {  	[sflag:s29] =	ssyncset.done $0x0  }
0x38: {  	[sflag:s29] =	ssyncadd.s32 $0xFFFFFF80;
	s29 =	simm.s32 $0x1  }
0x39: {  	s10 =	simm.s32 $0x280;
	_ =	swait.ge [sflag:s29], $0x1400  }
0x3a: {  	s30 =	sand.u32 $0x1FC00, s10;
	[sflag:s29] =	ssyncset.done $0x0  }
0x3b: {  	s31 =	sand.u32 $0x380, s10;
	s7 =	sadd.s32 s9, s30;
	[sflag:s29] =	ssyncadd.s32 $0xFFFFEC00  }
0x3c: {  	[spmem:s2] =	stream.indirect.scatter.add.f32 [tilespmem:s19], [sflag:$0xB], $0x80, s17, s20, $0xb8;
	[tilespmem:$0x1CE00] =	vst v63  }
0x3d: {  	s7 =	sor.u32 s31, s7;
	_ =	swait.ge [sflag:s18], $0x1400  }
0x3e: {  	s7 =	sshrl.u32 s7, $0x3;
	[sflag:s18] =	ssyncset.done $0x0  }
0x3f: {  	s7 =	sadd.s32 s5, s7;
	[sflag:s18] =	ssyncadd.s32 $0xFFFFEC00  }
0x40: {  	[tilespmem:s17], [sflag:$0x6] =	stream.linear.gather [hbm4b:s7+s3], $0x80, $0x38;
	[tilespmem:$0x1CE00] =	vst v63  }
0x41: {  	s29 =	simm.s32 $0xC8  }
0x42: {  	[tilespmem:s19], [sflag:$0x1] =	stream.indirect.gather [hbm4b:s4+s20], $0x80, s29, s20, $0xb8;
	[tilespmem:$0x1CE00] =	vst v63  }
0x43: {  	_ =	swait.ge [sflag:s1], $0x80  }
0x44: {  	[sflag:s1] =	ssyncset.done $0x0  }
0x45: {  	[sflag:s1] =	ssyncadd.s32 $0xFFFFFF80  }
0x46: {  	s30 =	simm.s32 $0x300;
	_ =	swait.ge [sflag:s6], $0x1400  }
0x47: {  	s31 =	sand.u32 $0x1FC00, s30;
	[sflag:s6] =	ssyncset.done $0x0  }
0x48: {  	s16 =	sadd.s32 s9, s31;
	s7 =	sand.u32 $0x380, s30;
	[sflag:s6] =	ssyncadd.s32 $0xFFFFEC00  }
0x49: {  	[spmem:s2] =	stream.indirect.scatter.add.f32 [tilespmem:s22], [sflag:$0xB], $0x80, s21, s20, $0xb8;
	[tilespmem:$0x1CE00] =	vst v63  }
0x4a: {  	s7 =	sor.u32 s7, s16;
	_ =	swait.ge [sflag:s18], $0x1400  }
0x4b: {  	s7 =	sshrl.u32 s7, $0x3;
	[sflag:s18] =	ssyncset.done $0x0  }
0x4c: {  	s7 =	sadd.s32 s5, s7;
	[sflag:s18] =	ssyncadd.s32 $0xFFFFEC00  }
0x4d: {  	[tilespmem:s21], [sflag:$0x7] =	stream.linear.gather [hbm4b:s7+s3], $0x80, $0x38;
	[tilespmem:$0x1CE00] =	vst v63  }
0x4e: {  	s17 =	simm.s32 $0xF0  }
0x4f: {  	[tilespmem:s22], [sflag:$0x2] =	stream.indirect.gather [hbm4b:s4+s20], $0x80, s17, s20, $0xb8;
	[tilespmem:$0x1CE00] =	vst v63  }
0x50: {  	_ =	swait.ge [sflag:s8], $0x80  }
0x51: {  	[sflag:s8] =	ssyncset.done $0x0  }
0x52: {  	[sflag:s8] =	ssyncadd.s32 $0xFFFFFF80  }
0x53: {  	s19 =	simm.s32 $0x380;
	_ =	swait.ge [sflag:s11], $0x1400  }
0x54: {  	s21 =	sand.u32 $0x1FC00, s19;
	[sflag:s11] =	ssyncset.done $0x0  }
0x55: {  	s7 =	sand.u32 $0x380, s19;
	s16 =	sadd.s32 s9, s21;
	[sflag:s11] =	ssyncadd.s32 $0xFFFFEC00  }
0x56: {  	[spmem:s2] =	stream.indirect.scatter.add.f32 [tilespmem:s24], [sflag:$0xB], $0x80, s23, s20, $0xb8;
	[tilespmem:$0x1CE00] =	vst v63  }
0x57: {  	s7 =	sor.u32 s7, s16;
	_ =	swait.ge [sflag:s18], $0x1400  }
0x58: {  	s7 =	sshrl.u32 s7, $0x3;
	[sflag:s18] =	ssyncset.done $0x0  }
0x59: {  	s7 =	sadd.s32 s5, s7;
	[sflag:s18] =	ssyncadd.s32 $0xFFFFEC00  }
0x5a: {  	[tilespmem:s23], [sflag:$0x8] =	stream.linear.gather [hbm4b:s7+s3], $0x80, $0x38;
	[tilespmem:$0x1CE00] =	vst v63  }
0x5b: {  	s22 =	simm.s32 $0x118  }
0x5c: {  	[tilespmem:s24], [sflag:$0x3] =	stream.indirect.gather [hbm4b:s4+s20], $0x80, s22, s20, $0xb8;
	[tilespmem:$0x1CE00] =	vst v63  }
0x5d: {  	_ =	swait.ge [sflag:s12], $0x80  }
0x5e: {  	[sflag:s12] =	ssyncset.done $0x0  }
0x5f: {  	[sflag:s12] =	ssyncadd.s32 $0xFFFFFF80  }
0x60: {  	s23 =	simm.s32 $0x400;
	_ =	swait.ge [sflag:s13], $0x1400  }
0x61: {  	s7 =	sand.u32 $0x1FC00, s23;
	[sflag:s13] =	ssyncset.done $0x0  }
0x62: {  	s7 =	sadd.s32 s9, s7;
	s24 =	sand.u32 $0x380, s3;
	[sflag:s13] =	ssyncadd.s32 $0xFFFFEC00  }
0x63: {  	[spmem:s2] =	stream.indirect.scatter.add.f32 [tilespmem:s28], [sflag:$0xB], $0x80, s26, s20, $0xb8;
	[tilespmem:$0x1CE00] =	vst v63  }
0x64: {  	s7 =	sor.u32 s24, s7;
	_ =	swait.ge [sflag:s18], $0x1400  }
0x65: {  	s7 =	sshrl.u32 s7, $0x3;
	[sflag:s18] =	ssyncset.done $0x0  }
0x66: {  	s7 =	sadd.s32 s5, s7;
	[sflag:s18] =	ssyncadd.s32 $0xFFFFEC00  }
0x67: {  	[tilespmem:s26], [sflag:$0x9] =	stream.linear.gather [hbm4b:s7+s3], $0x80, $0x38;
	[tilespmem:$0x1CE00] =	vst v63  }
0x68: {  	s29 =	simm.s32 $0x140  }
0x69: {  	[tilespmem:s28], [sflag:$0x4] =	stream.indirect.gather [hbm4b:s4+s20], $0x80, s29, s20, $0xb8;
	[tilespmem:$0x1CE00] =	vst v63  }
0x6a: {  	_ =	swait.ge [sflag:s14], $0x80  }
0x6b: {  	[sflag:s14] =	ssyncset.done $0x0  }
0x6c: {  	[sflag:s14] =	ssyncadd.s32 $0xFFFFFF80  }
0x6d: {  	s30 =	simm.s32 $0x480;
	_ =	swait.ge [sflag:s15], $0x1400  }
0x6e: {  	s31 =	sand.u32 $0x1FC00, s30;
	[sflag:s15] =	ssyncset.done $0x0  }
0x6f: {  	s16 =	sadd.s32 s9, s31;
	s7 =	sand.u32 $0x380, s30;
	[sflag:s15] =	ssyncadd.s32 $0xFFFFEC00  }
0x70: {  	[spmem:s2] =	stream.indirect.scatter.add.f32 [tilespmem:s25], [sflag:$0xB], $0x80, s0, s20, $0xb8;
	[tilespmem:$0x1CE00] =	vst v63  }
0x71: {  	s7 =	sor.u32 s7, s16;
	_ =	swait.ge [sflag:s18], $0x1400  }
0x72: {  	s7 =	sshrl.u32 s7, $0x3;
	[sflag:s18] =	ssyncset.done $0x0  }
0x73: {  	s7 =	sadd.s32 s5, s7;
	[sflag:s18] =	ssyncadd.s32 $0xFFFFEC00  }
0x74: {  	[tilespmem:s0], [sflag:$0xA] =	stream.linear.gather [hbm4b:s7+s3], $0x80, $0x38;
	[tilespmem:$0x1CE00] =	vst v63  }
0x75: {  	s17 =	simm.s32 $0x168;
	s7 =	simm.s32 $0x168  }
.LBB2_2:
0x76: {  	p0 =	sne.s32 s10, $0x7800;
	s7 =	sadd.s32 $0xC8, s7;
	s16 =	smov.u32 s10  }
0x77: {  	s10 =	sadd.s32 $0x280, s10;
	s29 =	simm.s32 $0x7A00;
	s0 =	simm.s32 $0x6  }
0x78: {  	[tilespmem:s29], [sflag:$0x5] =	stream.indirect.gather [hbm4b:s4+s20], $0x80, s17, s20, $0xb8;
	[tilespmem:$0x1CE00] =	vst v63  }
0x79: {  	s17 =	sand.u32 $0x1FC00, s10;
	s19 =	sand.u32 $0x380, s10;
	_ =	swait.ge [sflag:s0], $0x80  }
0x7a: {  	s21 =	sadd.s32 s9, s17;
	s17 =	smov.u32 s7;
	[sflag:s0] =	ssyncset.done $0x0  }
0x7b: {  	s19 =	sor.u32 s19, s21;
	[sflag:s0] =	ssyncadd.s32 $0xFFFFFF80;
	s0 =	simm.s32 $0x1  }
0x7c: {  	s19 =	sshrl.u32 s19, $0x3;
	_ =	swait.ge [sflag:s0], $0x1400  }
0x7d: {  	[sflag:s0] =	ssyncset.done $0x0  }
0x7e: {  	s24 =	simm.s32 $0x2A00;
	s21 =	simm.s32 $0x2780;
	[sflag:s0] =	ssyncadd.s32 $0xFFFFEC00  }
0x7f: {  	[spmem:s2] =	stream.indirect.scatter.add.f32 [tilespmem:s24], [sflag:$0xB], $0x80, s21, s20, $0xb8;
	[tilespmem:$0x1CE00] =	vst v63  }
0x80: {  	_ =	swait.ge [sflag:s18], $0x1400  }
0x81: {  	[sflag:s18] =	ssyncset.done $0x0  }
0x82: {  	s22 =	simm.s32 $0x2780;
	s19 =	sadd.s32 s5, s19;
	[sflag:s18] =	ssyncadd.s32 $0xFFFFEC00  }
0x83: {  	[tilespmem:s21], [sflag:$0x6] =	stream.linear.gather [hbm4b:s19+s3], $0x80, $0x38;
	[tilespmem:$0x1CE00] =	vst v63  }
0x84: {  	s23 =	simm.s32 $0x2A00;
	s19 =	sadd.s32 $0xFFFFFF60, s7  }
0x85: {  	[tilespmem:s24], [sflag:$0x1] =	stream.indirect.gather [hbm4b:s4+s20], $0x80, s19, s20, $0xb8;
	[tilespmem:$0x1CE00] =	vst v63  }
0x86: {  	_ =	swait.ge [sflag:s1], $0x80  }
0x87: {  	[sflag:s1] =	ssyncset.done $0x0  }
0x88: {  	[sflag:s1] =	ssyncadd.s32 $0xFFFFFF80  }
0x89: {  	s26 =	simm.s32 $0x2800;
	_ =	swait.ge [sflag:s6], $0x1400  }
0x8a: {  	s28 =	simm.s32 $0x3E00;
	s19 =	sadd.s32 $0x300, s16;
	[sflag:s6] =	ssyncset.done $0x0  }
0x8b: {  	s21 =	sand.u32 $0x1FC00, s19;
	s19 =	sand.u32 $0x380, s19;
	[sflag:s6] =	ssyncadd.s32 $0xFFFFEC00  }
0x8c: {  	[spmem:s2] =	stream.indirect.scatter.add.f32 [tilespmem:s28], [sflag:$0xB], $0x80, s26, s20, $0xb8;
	[tilespmem:$0x1CE00] =	vst v63  }
0x8d: {  	s21 =	sadd.s32 s9, s21;
	_ =	swait.ge [sflag:s18], $0x1400  }
0x8e: {  	s19 =	sor.u32 s19, s21;
	[sflag:s18] =	ssyncset.done $0x0  }
0x8f: {  	s19 =	sshrl.u32 s19, $0x3;
	[sflag:s18] =	ssyncadd.s32 $0xFFFFEC00  }
0x90: {  	s24 =	simm.s32 $0x2800;
	s21 =	sadd.s32 $0xFFFFFF88, s7;
	s19 =	sadd.s32 s5, s19  }
0x91: {  	[tilespmem:s26], [sflag:$0x7] =	stream.linear.gather [hbm4b:s19+s3], $0x80, $0x38;
	[tilespmem:$0x1CE00] =	vst v63  }
0x92: {  	s26 =	simm.s32 $0x3E00  }
0x93: {  	[tilespmem:s28], [sflag:$0x2] =	stream.indirect.gather [hbm4b:s4+s20], $0x80, s21, s20, $0xb8;
	[tilespmem:$0x1CE00] =	vst v63  }
0x94: {  	_ =	swait.ge [sflag:s8], $0x80  }
0x95: {  	[sflag:s8] =	ssyncset.done $0x0  }
0x96: {  	[sflag:s8] =	ssyncadd.s32 $0xFFFFFF80  }
0x97: {  	s30 =	simm.s32 $0x2880;
	s19 =	sadd.s32 $0x380, s16;
	_ =	swait.ge [sflag:s11], $0x1400  }
0x98: {  	s21 =	sand.u32 $0x1FC00, s19;
	s19 =	sand.u32 $0x380, s19;
	[sflag:s11] =	ssyncset.done $0x0  }
0x99: {  	s31 =	simm.s32 $0x5200;
	s21 =	sadd.s32 s9, s21;
	[sflag:s11] =	ssyncadd.s32 $0xFFFFEC00  }
0x9a: {  	[spmem:s2] =	stream.indirect.scatter.add.f32 [tilespmem:s31], [sflag:$0xB], $0x80, s30, s20, $0xb8;
	[tilespmem:$0x1CE00] =	vst v63  }
0x9b: {  	s19 =	sor.u32 s19, s21;
	_ =	swait.ge [sflag:s18], $0x1400  }
0x9c: {  	s28 =	simm.s32 $0x2880;
	s19 =	sshrl.u32 s19, $0x3;
	[sflag:s18] =	ssyncset.done $0x0  }
0x9d: {  	s21 =	sadd.s32 $0xFFFFFFB0, s7;
	s19 =	sadd.s32 s5, s19;
	[sflag:s18] =	ssyncadd.s32 $0xFFFFEC00  }
0x9e: {  	[tilespmem:s30], [sflag:$0x8] =	stream.linear.gather [hbm4b:s19+s3], $0x80, $0x38;
	[tilespmem:$0x1CE00] =	vst v63  }
0x9f: {  	s30 =	simm.s32 $0x5200  }
0xa0: {  	[tilespmem:s31], [sflag:$0x3] =	stream.indirect.gather [hbm4b:s4+s20], $0x80, s21, s20, $0xb8;
	[tilespmem:$0x1CE00] =	vst v63  }
0xa1: {  	_ =	swait.ge [sflag:s12], $0x80  }
0xa2: {  	[sflag:s12] =	ssyncset.done $0x0  }
0xa3: {  	[sflag:s12] =	ssyncadd.s32 $0xFFFFFF80  }
0xa4: {  	s25 =	simm.s32 $0x6600;
	s19 =	sadd.s32 $0x400, s16;
	_ =	swait.ge [sflag:s13], $0x1400  }
0xa5: {  	s0 =	simm.s32 $0x2900;
	s19 =	sand.u32 $0x1FC00, s19;
	[sflag:s13] =	ssyncset.done $0x0  }
0xa6: {  	s19 =	sadd.s32 s9, s19;
	s21 =	sand.u32 $0x380, s16;
	[sflag:s13] =	ssyncadd.s32 $0xFFFFEC00  }
0xa7: {  	[spmem:s2] =	stream.indirect.scatter.add.f32 [tilespmem:s25], [sflag:$0xB], $0x80, s0, s20, $0xb8;
	[tilespmem:$0x1CE00] =	vst v63  }
0xa8: {  	s19 =	sor.u32 s21, s19;
	_ =	swait.ge [sflag:s18], $0x1400  }
0xa9: {  	s31 =	simm.s32 $0x2900;
	s19 =	sshrl.u32 s19, $0x3;
	[sflag:s18] =	ssyncset.done $0x0  }
0xaa: {  	s21 =	sadd.s32 $0xFFFFFFD8, s7;
	s19 =	sadd.s32 s5, s19;
	[sflag:s18] =	ssyncadd.s32 $0xFFFFEC00  }
0xab: {  	[tilespmem:s0], [sflag:$0x9] =	stream.linear.gather [hbm4b:s19+s3], $0x80, $0x38;
	[tilespmem:$0x1CE00] =	vst v63  }
0xac: {  	s0 =	simm.s32 $0x6600  }
0xad: {  	[tilespmem:s25], [sflag:$0x4] =	stream.indirect.gather [hbm4b:s4+s20], $0x80, s21, s20, $0xb8;
	[tilespmem:$0x1CE00] =	vst v63  }
0xae: {  	_ =	swait.ge [sflag:s14], $0x80  }
0xaf: {  	[sflag:s14] =	ssyncset.done $0x0  }
0xb0: {  	[sflag:s14] =	ssyncadd.s32 $0xFFFFFF80  }
0xb1: {  	s16 =	sadd.s32 $0x480, s16;
	_ =	swait.ge [sflag:s15], $0x1400  }
0xb2: {  	s19 =	sand.u32 $0x1FC00, s16;
	s16 =	sand.u32 $0x380, s16;
	[sflag:s15] =	ssyncset.done $0x0  }
0xb3: {  	s19 =	sadd.s32 s9, s19;
	s21 =	simm.s32 $0x2980;
	[sflag:s15] =	ssyncadd.s32 $0xFFFFEC00  }
0xb4: {  	[spmem:s2] =	stream.indirect.scatter.add.f32 [tilespmem:s29], [sflag:$0xB], $0x80, s21, s20, $0xb8;
	[tilespmem:$0x1CE00] =	vst v63  }
.Ltmp0:
0xb5: {  	_ = 	snop;
	(pc) =	sbr.rel @p0 .LBB2_2-.Ltmp0, $4  }
0xb6: {  	s16 =	sor.u32 s16, s19;
	_ =	swait.ge [sflag:s18], $0x1400  }
0xb7: {  	s16 =	sshrl.u32 s16, $0x3;
	[sflag:s18] =	ssyncset.done $0x0  }
0xb8: {  	s19 =	simm.s32 $0x2980;
	s16 =	sadd.s32 s5, s16;
	[sflag:s18] =	ssyncadd.s32 $0xFFFFEC00  }
0xb9: {  	[tilespmem:s21], [sflag:$0xA] =	stream.linear.gather [hbm4b:s16+s3], $0x80, $0x38;
	[tilespmem:$0x1CE00] =	vst v63  }
0xba: {  	s7 =	simm.s32 $0x7A00;
	s10 =	simm.s32 $0x6  }
0xbb: {  	[tilespmem:s7], [sflag:$0x5] =	stream.indirect.gather [hbm4b:s4+s20], $0x80, s17, s20, $0xb8;
	[tilespmem:$0x1CE00] =	vst v63  }
0xbc: {  	_ =	swait.ge [sflag:s10], $0x80  }
0xbd: {  	[sflag:s10] =	ssyncset.done $0x0  }
0xbe: {  	s25 =	simm.s32 $0x1;
	[sflag:s10] =	ssyncadd.s32 $0xFFFFFF80  }
0xbf: {  	_ =	swait.ge [sflag:s25], $0x1400  }
0xc0: {  	[sflag:s25] =	ssyncset.done $0x0  }
0xc1: {  	[sflag:s25] =	ssyncadd.s32 $0xFFFFEC00  }
0xc2: {  	[spmem:s2] =	stream.indirect.scatter.add.f32 [tilespmem:s23], [sflag:$0xB], $0x80, s22, s20, $0xb8;
	[tilespmem:$0x1CE00] =	vst v63  }
0xc3: {  	_ =	swait.ge [sflag:s18], $0x1400  }
0xc4: {  	[sflag:s18] =	ssyncset.done $0x0  }
0xc5: {  	[sflag:s18] =	ssyncadd.s32 $0xFFFFEC00  }
0xc6: {  	_ =	swait.ge [sflag:s1], $0x80  }
0xc7: {  	[sflag:s1] =	ssyncset.done $0x0  }
0xc8: {  	[sflag:s1] =	ssyncadd.s32 $0xFFFFFF80  }
0xc9: {  	_ =	swait.ge [sflag:s6], $0x1400  }
0xca: {  	[sflag:s6] =	ssyncset.done $0x0  }
0xcb: {  	[sflag:s6] =	ssyncadd.s32 $0xFFFFEC00  }
0xcc: {  	[spmem:s2] =	stream.indirect.scatter.add.f32 [tilespmem:s26], [sflag:$0xB], $0x80, s24, s20, $0xb8;
	[tilespmem:$0x1CE00] =	vst v63  }
0xcd: {  	_ =	swait.ge [sflag:s18], $0x1400  }
0xce: {  	[sflag:s18] =	ssyncset.done $0x0  }
0xcf: {  	[sflag:s18] =	ssyncadd.s32 $0xFFFFEC00  }
0xd0: {  	_ =	swait.ge [sflag:s8], $0x80  }
0xd1: {  	[sflag:s8] =	ssyncset.done $0x0  }
0xd2: {  	[sflag:s8] =	ssyncadd.s32 $0xFFFFFF80  }
0xd3: {  	_ =	swait.ge [sflag:s11], $0x1400  }
0xd4: {  	[sflag:s11] =	ssyncset.done $0x0  }
0xd5: {  	[sflag:s11] =	ssyncadd.s32 $0xFFFFEC00  }
0xd6: {  	[spmem:s2] =	stream.indirect.scatter.add.f32 [tilespmem:s30], [sflag:$0xB], $0x80, s28, s20, $0xb8;
	[tilespmem:$0x1CE00] =	vst v63  }
0xd7: {  	_ =	swait.ge [sflag:s18], $0x1400  }
0xd8: {  	[sflag:s18] =	ssyncset.done $0x0  }
0xd9: {  	[sflag:s18] =	ssyncadd.s32 $0xFFFFEC00  }
0xda: {  	_ =	swait.ge [sflag:s12], $0x80  }
0xdb: {  	[sflag:s12] =	ssyncset.done $0x0  }
0xdc: {  	[sflag:s12] =	ssyncadd.s32 $0xFFFFFF80  }
0xdd: {  	_ =	swait.ge [sflag:s13], $0x1400  }
0xde: {  	[sflag:s13] =	ssyncset.done $0x0  }
0xdf: {  	[sflag:s13] =	ssyncadd.s32 $0xFFFFEC00  }
0xe0: {  	[spmem:s2] =	stream.indirect.scatter.add.f32 [tilespmem:s0], [sflag:$0xB], $0x80, s31, s20, $0xb8;
	[tilespmem:$0x1CE00] =	vst v63  }
0xe1: {  	_ =	swait.ge [sflag:s18], $0x1400  }
0xe2: {  	[sflag:s18] =	ssyncset.done $0x0  }
0xe3: {  	[sflag:s18] =	ssyncadd.s32 $0xFFFFEC00  }
0xe4: {  	_ =	swait.ge [sflag:s14], $0x80  }
0xe5: {  	[sflag:s14] =	ssyncset.done $0x0  }
0xe6: {  	[sflag:s14] =	ssyncadd.s32 $0xFFFFFF80  }
0xe7: {  	_ =	swait.ge [sflag:s15], $0x1400  }
0xe8: {  	[sflag:s15] =	ssyncset.done $0x0  }
0xe9: {  	[sflag:s15] =	ssyncadd.s32 $0xFFFFEC00  }
0xea: {  	[spmem:s2] =	stream.indirect.scatter.add.f32 [tilespmem:s7], [sflag:$0xB], $0x80, s19, s20, $0xb8;
	[tilespmem:$0x1CE00] =	vst v63  }
0xeb: {  	_ =	swait.ge [sflag:s18], $0x1400  }
0xec: {  	[sflag:s18] =	ssyncset.done $0x0  }
0xed: {  	[sflag:s18] =	ssyncadd.s32 $0xFFFFEC00  }
0xee: {  	[bflag:$0x0] =	sbarrier.arrive $0xFFFF  }
0xef: {  	s10 =	rddreg [dreg:$0x4]  }
0xf0: {  	s29 =	rddreg [dreg:$0xb]  }
0xf1: {  	s16 =	rddreg [dreg:$0xd]  }
0xf2: {  	[hbm:s29], [sflag:s10] =	dma.local [spmem:s16], $0x2800  }
0xf3: {  	_ =	swait.ge [sflag:s18], $0x2800  }
0xf4: {  	s30 =	rddreg [dreg:$0xe]  }
0xf5: {  	s31 =	rddreg [dreg:$0xc];
	s0 =	sadd.s32 $0x1, s30  }
0xf6: {  	p0 =	sne.s32 s0, s31  }
.Ltmp1:
0xf7: {  	_ = 	snop;
	(pc) =	sbr.rel @p0 .LBB2_1-.Ltmp1, $3  }
0xf8: {  	_ =	sdelay $0x1  }
0xf9: {  	[sflag:s18] =	ssyncset.done $0x0  }
0xfa: {  	[sflag:s18] =	ssyncadd.s32 $0xFFFFD800  }
0xfb: {  	_ =	sfence.sel $0x180000  }
0xfc: {  	[bflag:$0x0] =	sbarrier.arrive $0xFFFF  }
0xfd: {  	_ =	strace $0x9000004A  }
0xfe: {  	s0 =	stileid.u32;
	[bflag:$0x2] =	sbarrier.arrive $0xFFFF  }
0xff: {  	p0 =	sne.s32 s0, $0x0;
	s0 =	rddreg [dreg:$0x2]  }
0x100: {  	s0 =	sadd.s32 @!p0 $0x100000, s0  }
0x101: {  	[sflag:s0] =	ssyncadd.tile.s32 @!p0 $0x1;
	_ =	shalt  }
.Lfunc_end2:
_tile_overlayer_lowered:
.L_overlay_start_2:
0x102: {  	(tag) =	ssettag $0x2  }
0x103: {  	s0 =	rddreg [dreg:$0x0];
	s2 =	stileid.u32  }
0x104: {  	s1 =	rddreg [dreg:$0x1];
	p0 =	sne.s32 s2, $0x0  }
0x105: {  	s3 =	rddreg [dreg:$0x2];
	[bflag:$0x3] =	sbarrier.arrive $0xFFFF;
	s2 =	simm.s32 @!p0 $0x1C0B  }
0x106: {  	[timem:s3], [sflag:s2] =	dma.local @!p0 [hbm:s0], s1  }
0x107: {  	s0 =	simm.s32 @!p0 $0xB  }
0x108: {  	_ =	swait.ge @!p0 [sflag:s0], s1  }
0x109: {  	s1 =	ssub.s32 @!p0 $0x0, s1;
	[sflag:s0] =	ssyncset.done @!p0 $0x0  }
0x10a: {  	[sflag:s0] =	ssyncadd.s32 @!p0 s1  }
0x10b: {  	[bflag:$0x3] =	sbarrier.arrive $0xFFFF  }
0x10c: {  	_ =	shalt  }

// kernel: kernel.14.cloned.1.call-start
scs
__scs_entry_jumppad:
0x0: {  	(pc) =	sbr.rel $0x88, $3  }
0x1: {  	(tag) =	ssettag $0x0;
	lr =	simm.s32 $0x1  }
0x2: {  	[smem:$0x3F8E] =	sst lr;
	_ =	strace $0xD0000000  }
0x3: {  	_ = 	snop  }
0x4: {  	_ = 	snop  }
0x5: {  	_ = 	snop  }
0x6: {  	_ = 	snop  }
0x7: {  	_ = 	snop  }
__scs_overlays_trampoline_lowered:
0x8: {  	[smem:$0x3F9D] =	sst s0  }
0x9: {  	[smem:$0x3F9E] =	sst s1  }
0xa: {  	[smem:$0x3F9F] =	sst s2  }
0xb: {  	[smem:$0x3FA0] =	sst s3  }
0xc: {  	[smem:$0x3FA1] =	sst s4  }
0xd: {  	[smem:$0x3FA2] =	sst s5  }
0xe: {  	[smem:$0x3FA3] =	sst s6  }
0xf: {  	[smem:$0x3FA4] =	sst s7  }
0x10: {  	[smem:$0x3FA5] =	sst s8  }
0x11: {  	[smem:$0x3FA6] =	sst s9;
	s0 =	simm.s32 @!p0 $0x0  }
0x12: {  	s1 =	sld [smem:$0x3F8C];
	s0 =	simm.s32 @p0 $0x1  }
0x13: {  	[smem:$0x3FA7] =	sst s0;
	s0 =	simm.s32 @!p1 $0x0  }
0x14: {  	s2 =	sld [smem:$0x3F8B];
	s0 =	simm.s32 @p1 $0x1  }
0x15: {  	[smem:$0x3FA8] =	sst s0;
	s0 =	simm.s32 @!p2 $0x0  }
0x16: {  	s3 =	sld [smem:$0x3FDB];
	s0 =	simm.s32 @p2 $0x1  }
0x17: {  	s4 =	simm.s32 $0x1BF5;
	[smem:$0x3FAA] =	sst s0  }
0x18: {  	s0 =	sld [smem:$0x3F8D];
	_ =	swait.ge [sflag:s4], $0x0  }
0x19: {  	s7 =	sld [smem:$0x3F8E]  }
0x1a: {  	s8 =	sadd.s32 $0xFFFFE003, lr  }
0x1b: {  	s9 =	sadd.s32 $0xFFFFFEF7, lr;
	s5 =	simm.s32 $0xFFFFFFFF;
	p2 =	slt.u32 s8, $0xFFFFF086  }
0x1c: {  	p1 =	slt.u32 s9, $0xF7A;
	s5 =	simm.s32 @!p2 $0x0  }
0x1d: {  	s5 =	simm.s32 @p1 $0x1;
	p0 =	seq.s32 s7, s2  }
0x1e: {  	s7 =	smul.u32 @!p0 $0xF7A, s2;
	p2 =	seq.s32 @!p0 s5, $0x0  }
0x1f: {  	s9 =	smul.u32 $0xF7A, s1;
	s8 =	simm.s32 @!p0 $0x1BF5;
	p2 =	por !p2, p0  }
0x20: {  	[sflag:s8] =	ssyncset.s32 @!p0 $0xFFFFF086;
	s6 =	sadd.s32 @!p0 s3, s7;
	s7 =	simm.s32 @!p0 $0x108  }
0x21: {  	s3 =	sadd.s32 s3, s9;
	s6 =	sadd.s32 @!p0 $0x88, s6;
	s7 =	simm.s32 @p2 $0x1082  }
0x22: {  	[simem:s7], [sflag:s8] =	dma.local @!p0 [hbm:s6], $0xF7A  }
0x23: {  	s9 =	sor.u32 $0xD0000000, s2;
	s6 =	simm.s32 $0x108;
	_ =	swait.ge @!p0 [sflag:s8], $0x0  }
0x24: {  	s3 =	sadd.s32 $0x88, s3;
	s6 =	simm.s32 @!p1 $0x1082;
	[sflag:s4] =	ssyncset.s32 $0xFFFFF086  }
0x25: {  	[simem:s6], [sflag:s4] =	dma.local [hbm:s3], $0xF7A  }
0x26: {  	[smem:$0x3F8E] =	sst s1;
	(tag) =	ssettag s2;
	_ =	strace s9  }
0x27: {  	s1 =	sld [smem:$0x3F9E]  }
0x28: {  	s2 =	sld [smem:$0x3F9F]  }
0x29: {  	s4 =	sld [smem:$0x3FA1]  }
0x2a: {  	p0 =	seq.s32 s5, $0x0;
	s5 =	sld [smem:$0x3FA2]  }
0x2b: {  	s6 =	sld [smem:$0x3FA3]  }
0x2c: {  	s7 =	sld [smem:$0x3FA4]  }
0x2d: {  	s3 =	simm.s32 $0x108;
	s8 =	sld [smem:$0x3FA5]  }
0x2e: {  	s3 =	simm.s32 @!p0 $0x1082;
	s9 =	sld [smem:$0x3FA6]  }
0x2f: {  	lr =	sadd.s32 s0, s3;
	s0 =	sld [smem:$0x3F9D]  }
0x30: {  	s3 =	sld [smem:$0x3FA0]  }
0x31: {  	[smem:$0x3FA9] =	sst s10  }
0x32: {  	s10 =	sld [smem:$0x3FA7];
	_ =	sdelay $0x3  }
0x33: {  	p0 =	seq.s32 s10, $0x1;
	s10 =	sld [smem:$0x3FA9];
	_ =	sdelay $0x3  }
0x34: {  	[smem:$0x3FA9] =	sst s10  }
0x35: {  	s10 =	sld [smem:$0x3FA8];
	_ =	sdelay $0x3  }
0x36: {  	p1 =	seq.s32 s10, $0x1;
	s10 =	sld [smem:$0x3FA9];
	_ =	sdelay $0x3  }
0x37: {  	[smem:$0x3FA9] =	sst s10  }
0x38: {  	s10 =	sld [smem:$0x3FAA]  }
0x39: {  	_ = 	snop;
	(pc) =	sbr.ind lr, $3  }
0x3a: {  	_ = 	snop  }
0x3b: {  	_ = 	snop  }
0x3c: {  	p2 =	seq.s32 s10, $0x1;
	s10 =	sld [smem:$0x3FA9]  }
0x3d: {  	_ =	shalt  }
0x3e: {  	_ =	shalt  }
0x3f: {  	_ =	shalt  }
0x40: {  	_ =	shalt  }
0x41: {  	_ =	shalt  }
0x42: {  	_ =	shalt  }
0x43: {  	_ =	shalt  }
0x44: {  	_ =	shalt  }
0x45: {  	_ =	shalt  }
0x46: {  	_ =	shalt  }
0x47: {  	_ =	shalt  }
0x48: {  	_ =	shalt  }
0x49: {  	_ =	shalt  }
0x4a: {  	_ =	shalt  }
0x4b: {  	_ =	shalt  }
0x4c: {  	_ =	shalt  }
0x4d: {  	_ =	shalt  }
0x4e: {  	_ =	shalt  }
0x4f: {  	_ =	shalt  }
0x50: {  	_ =	shalt  }
0x51: {  	_ =	shalt  }
0x52: {  	_ =	shalt  }
0x53: {  	_ =	shalt  }
0x54: {  	_ =	shalt  }
0x55: {  	_ =	shalt  }
0x56: {  	_ =	shalt  }
0x57: {  	_ =	shalt  }
0x58: {  	_ =	shalt  }
0x59: {  	_ =	shalt  }
0x5a: {  	_ =	shalt  }
0x5b: {  	_ =	shalt  }
0x5c: {  	_ =	shalt  }
0x5d: {  	_ =	shalt  }
0x5e: {  	_ =	shalt  }
0x5f: {  	_ =	shalt  }
0x60: {  	_ =	shalt  }
0x61: {  	_ =	shalt  }
0x62: {  	_ =	shalt  }
0x63: {  	_ =	shalt  }
0x64: {  	_ =	shalt  }
0x65: {  	_ =	shalt  }
0x66: {  	_ =	shalt  }
0x67: {  	_ =	shalt  }
0x68: {  	_ =	shalt  }
0x69: {  	_ =	shalt  }
0x6a: {  	_ =	shalt  }
0x6b: {  	_ =	shalt  }
0x6c: {  	_ =	shalt  }
0x6d: {  	_ =	shalt  }
0x6e: {  	_ =	shalt  }
0x6f: {  	_ =	shalt  }
0x70: {  	_ =	shalt  }
0x71: {  	_ =	shalt  }
0x72: {  	_ =	shalt  }
0x73: {  	_ =	shalt  }
0x74: {  	_ =	shalt  }
0x75: {  	_ =	shalt  }
0x76: {  	_ =	shalt  }
0x77: {  	_ =	shalt  }
0x78: {  	_ =	shalt  }
0x79: {  	_ =	shalt  }
0x7a: {  	_ =	shalt  }
0x7b: {  	_ =	shalt  }
0x7c: {  	_ =	shalt  }
0x7d: {  	_ =	shalt  }
0x7e: {  	_ =	shalt  }
0x7f: {  	_ =	shalt  }
0x80: {  	_ =	shalt  }
0x81: {  	_ =	shalt  }
0x82: {  	_ =	shalt  }
0x83: {  	_ =	shalt  }
0x84: {  	_ =	shalt  }
0x85: {  	_ =	shalt  }
0x86: {  	_ =	shalt  }
0x87: {  	_ =	shalt  }
.Lfunc_end0:
.L_simem_size_0:
called_computation.2_lowered:
.L_overlay_start_0:
0x88: {  	s2 =	sld [smem:$0x3FD9]  }
0x89: {  	s3 =	sld [smem:$0x3FFE];
	_ =	sdelay $0x1  }
0x8a: {  	s1 =	srdreg.scid  }
0x8b: {  	s0 =	sand.u32 $0x1, s1  }
0x8c: {  	s16 =	sshll.u32 s0, $0xA;
	s2 =	sadd.s32 s3, s2  }
0x8d: {  	s2 =	sadd.s32 s2, s16  }
0x8e: {  	[smem:$0x3FB5] =	sst s2  }
0x8f: {  	_ = 	snop  }
0x90: {  	(tm) =	ssettm $0x1  }
0x91: {  	s17 =	sld [smem:$0x3FFB];
	_ =	sdelay $0x3  }
0x92: {  	_ =	strace s17  }
0x93: {  	s2 =	sld [smem:$0x3FFC];
	_ =	sdelay $0x3  }
0x94: {  	_ =	strace s2  }
0x95: {  	s2 =	sld [smem:$0x3FFD];
	_ =	sdelay $0x3  }
0x96: {  	_ =	strace s2  }
0x97: {  	_ =	strace $0x8FFFFFFF  }
0x98: {  	s18 =	sld [smem:$0x3FDB];
	_ =	sdelay $0x1  }
0x99: {  	s19 =	simm.s32 $_scs_section_size  }
0x9a: {  	s4 =	simm.s32 $_size__tile_overlayer_lowered;
	s5 =	simm.s32 $_tile_overlayer_lowered  }
0x9b: {  	s22 =	simm.s32 $0x1BFF;
	s21 =	sshll.u32 s5, $0x1;
	s2 =	sadd.s32 s19, s18  }
0x9c: {  	s6 =	simm.s32 $0x0;
	s20 =	sshll.u32 s4, $0x1;
	s4 =	sadd.s32 s21, s2  }
0x9d: {  	[timem:s6], [sflag:s22] =	dma.local [hbm:s4], s20  }
0x9e: {  	_ =	swait.ge [sflag:s22], s20  }
0x9f: {  	s3 =	ssub.s32 $0x0, s20;
	[sflag:s22] =	ssyncset.done $0x0  }
0xa0: {  	[sflag:s22] =	ssyncadd.s32 s3;
	_ =	sdelay $0x1  }
0xa1: {  	s23 =	simm.s32 $0x1B8B  }
0xa2: {  	_ =	swait.ge [sflag:s23], $0x1  }
0xa3: {  	[sflag:s23] =	ssyncset.done $0x0  }
0xa4: {  	s25 =	simm.s32 $0x1B8E;
	s24 =	sld [smem:$0x3FFE];
	[sflag:s23] =	ssyncadd.s32 $0xFFFFFFFF  }
0xa5: {  	s26 =	simm.s32 $execute0_lowered;
	[smem:$0x3FD2] =	sst s25  }
0xa6: {  	s4 =	sshll.u32 s26, $0x1;
	_ =	strace $0x8000004C;
	[dreg:$0x1] =	wrdreg $0xFFFFFFFF  }
0xa7: {  	s28 =	simm.s32 $_size_execute0_lowered;
	s2 =	sadd.s32 s2, s4;
	[dreg:$0x0] =	wrdreg $0x0  }
0xa8: {  	s4 =	sshll.u32 s28, $0x1;
	[dreg:$0x2] =	wrdreg s2  }
0xa9: {  	[dreg:$0x3] =	wrdreg s4  }
0xaa: {  	[dreg:$0x4] =	wrdreg $0xC0  }
0xab: {  	_ =	task [dreg:s6], $0x5FFFF  }
0xac: {  	[dreg:$0x1] =	wrdreg $0xFFFFFFFF  }
0xad: {  	[dreg:$0x0] =	wrdreg $0x60  }
0xae: {  	[dreg:$0x2] =	wrdreg s24  }
0xaf: {  	[dreg:$0x3] =	wrdreg $0x8E000  }
0xb0: {  	[dreg:$0x4] =	wrdreg $0x9  }
0xb1: {  	_ =	task.clear_ibuf [dreg:s6], $0x5FFFF;
	_ =	strace $0x9000004C  }
0xb2: {  	s29 =	simm.s32 $0x9;
	_ =	strace $0x8000004E  }
0xb3: {  	_ =	swait.ge [sflag:s29], $0x1  }
0xb4: {  	[sflag:s29] =	ssyncadd.s32 $0xFFFFFFFF  }
0xb5: {  	_ =	strace $0x9000004E  }
0xb6: {  	_ =	sfence  }
0xb7: {  	s30 =	sld [smem:$0x0];
	_ =	sdelay $0x2  }
0xb8: {  	s31 =	sshll.u32 s1, $0xD;
	s1 =	sshrl.u32 s1, $0x2  }
0xb9: {  	s3 =	sand.u32 $0x4000, s31;
	s1 =	sadd.s32 s1, s30  }
0xba: {  	s0 =	sor.u32 s3, s0;
	s1 =	sshll.u32 s1, $0x11  }
0xbb: {  	s0 =	sor.u32 s1, s0  }
0xbc: {  	s0 =	sadd.s32 $0x8F2B, s0  }
0xbd: {  	[sflag:s0] =	ssyncadd.remote.s32 $0x1  }
0xbe: {  	_ =	sfence.sel $0xFFFF  }
0xbf: {  	[dreg:$0x0] =	wrdreg $0xFFFFFFFF;
	(pc) =	sbr.abs _section_cstart, $3  }
0xc0: {  	[dreg:$0x1] =	wrdreg $0xFFFFFFFF  }
0xc1: {  	_ =	task.clear_ibuf [dreg:s6], $0x2FFFF;
	_ =	strace $0x9FFFFFFF  }
0xc2: {  	(tm) =	ssettm $0x7FFFFFFF  }
0xc3: {  	_ =	shalt  }
tec
execute0_lowered:
.L_overlay_start_1:
0x0: {  	(tag) =	ssettag $0x1  }
0x1: {  	s0 =	srdreg.scid  }
0x2: {  	s11 =	stileid.u32;
	s1 =	rddreg [dreg:$0x0]  }
0x3: {  	s2 =	rddreg [dreg:$0x1];
	s18 =	simm.s32 $0xB;
	s20 =	simm.s32 $0x28  }
0x4: {  	s12 =	simm.s32 $0x9;
	s13 =	simm.s32 $0x4;
	s7 =	smul.u32 $0x14000, s11  }
0x5: {  	s0 =	sand.u32 $0x1, s0;
	s3 =	sshll.u32 s11, $0x1;
	s23 =	smul.u32 $0x50000, s11  }
0x6: {  	s26 =	sshll.u32 s11, $0x6;
	s6 =	sor.u32 s0, s3;
	s8 =	smul.u32 $0x140000, s0  }
0x7: {  	s3 =	simm.s32 $0x0;
	s0 =	ssub.s32 $0x2, s0;
	s5 =	smul.u32 $0x4E2, s6  }
0x8: {  	[smem:$0x7FF] =	sst s3;
	s10 =	sshrl.u32 s7, $0x3;
	s24 =	sshrl.u32 s0, $0x1  }
0x9: {  	s28 =	sshll.u32 s6, $0xC;
	_ =	strace $0x8000004D;
	s10 =	sadd.s32 s10, s1  }
0xa: {  	s7 =	sadd.s32 s7, s8;
	s0 =	ssub.s32 s0, s24;
	s10 =	sadd.s32 $0x5FC00, s10  }
0xb: {  	s9 =	sadd.s32 s5, s1;
	s0 =	smax.u32 s0, $0x1;
	[dreg:$0x3] =	wrdreg s10  }
0xc: {  	s5 =	sadd.s32 $0x18A00, s1;
	s9 =	sadd.s32 $0xDC00, s9;
	[dreg:$0xc] =	wrdreg s0  }
0xd: {  	s8 =	sshrl.u32 s23, $0x2;
	s29 =	sadd.s32 s5, s28;
	[dreg:$0x5] =	wrdreg s9  }
0xe: {  	s25 =	sadd.s32 s8, s2;
	s10 =	sor.u32 $0x1C0B, s26;
	[dreg:$0x6] =	wrdreg s29  }
0xf: {  	s14 =	simm.s32 $0xA;
	s16 =	sshrl.u32 s25, $0x3;
	[dreg:$0x4] =	wrdreg s10  }
0x10: {  	s4 =	sadd.s32 $0x38A00, s1;
	s8 =	sadd.s32 $0x10, s29;
	[dreg:$0xd] =	wrdreg s16  }
0x11: {  	s7 =	sshrl.u32 s7, $0x3;
	s30 =	sadd.s32 $0x20, s29;
	[dreg:$0x7] =	wrdreg s8  }
0x12: {  	s1 =	sadd.s32 s7, s1;
	s31 =	sadd.s32 $0x30, s29;
	[dreg:$0x8] =	wrdreg s30  }
0x13: {  	s9 =	sshll.u32 s6, $0xF;
	s6 =	sadd.s32 $0x40, s29;
	[dreg:$0x9] =	wrdreg s31  }
0x14: {  	s15 =	simm.s32 $0x5;
	s1 =	sadd.s32 $0x87C00, s1;
	[dreg:$0xa] =	wrdreg s6  }
0x15: {  	s11 =	simm.s32 $0x3;
	s0 =	simm.s32 $0x0;
	[dreg:$0xb] =	wrdreg s1  }
0x16: {  	s1 =	simm.s32 $0x7;
	s6 =	simm.s32 $0x2;
	s8 =	simm.s32 $0x8  }
.LBB2_1:
0x17: {  	[dreg:$0xe] =	wrdreg s0  }
0x18: {  	s7 =	rddreg [dreg:$0x3]  }
0x19: {  	[spmem:s16], [sflag:s10] =	dma.local [hbm:s7], $0x2800  }
0x1a: {  	_ =	swait.ge [sflag:s18], $0x2800  }
0x1b: {  	[sflag:s18] =	ssyncset.done $0x0  }
0x1c: {  	s26 =	rddreg [dreg:$0x5];
	[sflag:s18] =	ssyncadd.s32 $0xFFFFD800  }
0x1d: {  	[tilespmem:s3], [sflag:$0xB] =	stream.linear.gather [hbm4b:s26+s3], $0x2710, $0x38;
	[tilespmem:$0x1CE00] =	vst v63  }
0x1e: {  	_ =	swait.ge [sflag:s18], $0x2710  }
0x1f: {  	[sflag:s18] =	ssyncset.done $0x0  }
0x20: {  	[sflag:s18] =	ssyncadd.s32 $0xFFFFD8F0  }
0x21: {  	[bflag:$0x0] =	sbarrier.arrive $0xFFFF  }
0x22: {  	s17 =	simm.s32 $0x2780;
	s28 =	rddreg [dreg:$0x6]  }
0x23: {  	[tilespmem:s17], [sflag:$0x6] =	stream.linear.gather [hbm4b:s28+s3], $0x80, $0x38;
	[tilespmem:$0x1CE00] =	vst v63  }
0x24: {  	s19 =	simm.s32 $0x2A00  }
0x25: {  	[tilespmem:s19], [sflag:$0x1] =	stream.indirect.gather [hbm4b:s4+s20], $0x80, s3, s20, $0xb8;
	[tilespmem:$0x1CE00] =	vst v63  }
0x26: {  	s21 =	simm.s32 $0x2800;
	s29 =	rddreg [dreg:$0x7]  }
0x27: {  	[tilespmem:s21], [sflag:$0x7] =	stream.linear.gather [hbm4b:s29+s3], $0x80, $0x38;
	[tilespmem:$0x1CE00] =	vst v63  }
0x28: {  	s22 =	simm.s32 $0x3E00  }
0x29: {  	[tilespmem:s22], [sflag:$0x2] =	stream.indirect.gather [hbm4b:s4+s20], $0x80, s20, s20, $0xb8;
	[tilespmem:$0x1CE00] =	vst v63  }
0x2a: {  	s23 =	simm.s32 $0x2880;
	s30 =	rddreg [dreg:$0x8]  }
0x2b: {  	[tilespmem:s23], [sflag:$0x8] =	stream.linear.gather [hbm4b:s30+s3], $0x80, $0x38;
	[tilespmem:$0x1CE00] =	vst v63  }
0x2c: {  	s31 =	simm.s32 $0x50;
	s24 =	simm.s32 $0x5200  }
0x2d: {  	[tilespmem:s24], [sflag:$0x3] =	stream.indirect.gather [hbm4b:s4+s20], $0x80, s31, s20, $0xb8;
	[tilespmem:$0x1CE00] =	vst v63  }
0x2e: {  	s26 =	simm.s32 $0x2900;
	s0 =	rddreg [dreg:$0x9]  }
0x2f: {  	[tilespmem:s26], [sflag:$0x9] =	stream.linear.gather [hbm4b:s0+s3], $0x80, $0x38;
	[tilespmem:$0x1CE00] =	vst v63  }
0x30: {  	s7 =	simm.s32 $0x78;
	s28 =	simm.s32 $0x6600  }
0x31: {  	[tilespmem:s28], [sflag:$0x4] =	stream.indirect.gather [hbm4b:s4+s20], $0x80, s7, s20, $0xb8;
	[tilespmem:$0x1CE00] =	vst v63  }
0x32: {  	s10 =	rddreg [dreg:$0xa];
	s0 =	simm.s32 $0x2980  }
0x33: {  	[tilespmem:s0], [sflag:$0xA] =	stream.linear.gather [hbm4b:s10+s3], $0x80, $0x38;
	[tilespmem:$0x1CE00] =	vst v63  }
0x34: {  	s25 =	simm.s32 $0x7A00;
	s16 =	simm.s32 $0xA0;
	s29 =	simm.s32 $0x6  }
0x35: {  	[tilespmem:s25], [sflag:$0x5] =	stream.indirect.gather [hbm4b:s4+s20], $0x80, s16, s20, $0xb8;
	[tilespmem:$0x1CE00] =	vst v63  }
0x36: {  	_ =	swait.ge [sflag:s29], $0x80  }
0x37: {  	[sflag:s29] =	ssyncset.done $0x0  }
0x38: {  	[sflag:s29] =	ssyncadd.s32 $0xFFFFFF80;
	s29 =	simm.s32 $0x1  }
0x39: {  	s10 =	simm.s32 $0x280;
	_ =	swait.ge [sflag:s29], $0x1400  }
0x3a: {  	s30 =	sand.u32 $0x1FC00, s10;
	[sflag:s29] =	ssyncset.done $0x0  }
0x3b: {  	s31 =	sand.u32 $0x380, s10;
	s7 =	sadd.s32 s9, s30;
	[sflag:s29] =	ssyncadd.s32 $0xFFFFEC00  }
0x3c: {  	[spmem:s2] =	stream.indirect.scatter.add.f32 [tilespmem:s19], [sflag:$0xB], $0x80, s17, s20, $0xb8;
	[tilespmem:$0x1CE00] =	vst v63  }
0x3d: {  	s7 =	sor.u32 s31, s7;
	_ =	swait.ge [sflag:s18], $0x1400  }
0x3e: {  	s7 =	sshrl.u32 s7, $0x3;
	[sflag:s18] =	ssyncset.done $0x0  }
0x3f: {  	s7 =	sadd.s32 s5, s7;
	[sflag:s18] =	ssyncadd.s32 $0xFFFFEC00  }
0x40: {  	[tilespmem:s17], [sflag:$0x6] =	stream.linear.gather [hbm4b:s7+s3], $0x80, $0x38;
	[tilespmem:$0x1CE00] =	vst v63  }
0x41: {  	s29 =	simm.s32 $0xC8  }
0x42: {  	[tilespmem:s19], [sflag:$0x1] =	stream.indirect.gather [hbm4b:s4+s20], $0x80, s29, s20, $0xb8;
	[tilespmem:$0x1CE00] =	vst v63  }
0x43: {  	_ =	swait.ge [sflag:s1], $0x80  }
0x44: {  	[sflag:s1] =	ssyncset.done $0x0  }
0x45: {  	[sflag:s1] =	ssyncadd.s32 $0xFFFFFF80  }
0x46: {  	s30 =	simm.s32 $0x300;
	_ =	swait.ge [sflag:s6], $0x1400  }
0x47: {  	s31 =	sand.u32 $0x1FC00, s30;
	[sflag:s6] =	ssyncset.done $0x0  }
0x48: {  	s16 =	sadd.s32 s9, s31;
	s7 =	sand.u32 $0x380, s30;
	[sflag:s6] =	ssyncadd.s32 $0xFFFFEC00  }
0x49: {  	[spmem:s2] =	stream.indirect.scatter.add.f32 [tilespmem:s22], [sflag:$0xB], $0x80, s21, s20, $0xb8;
	[tilespmem:$0x1CE00] =	vst v63  }
0x4a: {  	s7 =	sor.u32 s7, s16;
	_ =	swait.ge [sflag:s18], $0x1400  }
0x4b: {  	s7 =	sshrl.u32 s7, $0x3;
	[sflag:s18] =	ssyncset.done $0x0  }
0x4c: {  	s7 =	sadd.s32 s5, s7;
	[sflag:s18] =	ssyncadd.s32 $0xFFFFEC00  }
0x4d: {  	[tilespmem:s21], [sflag:$0x7] =	stream.linear.gather [hbm4b:s7+s3], $0x80, $0x38;
	[tilespmem:$0x1CE00] =	vst v63  }
0x4e: {  	s17 =	simm.s32 $0xF0  }
0x4f: {  	[tilespmem:s22], [sflag:$0x2] =	stream.indirect.gather [hbm4b:s4+s20], $0x80, s17, s20, $0xb8;
	[tilespmem:$0x1CE00] =	vst v63  }
0x50: {  	_ =	swait.ge [sflag:s8], $0x80  }
0x51: {  	[sflag:s8] =	ssyncset.done $0x0  }
0x52: {  	[sflag:s8] =	ssyncadd.s32 $0xFFFFFF80  }
0x53: {  	s19 =	simm.s32 $0x380;
	_ =	swait.ge [sflag:s11], $0x1400  }
0x54: {  	s21 =	sand.u32 $0x1FC00, s19;
	[sflag:s11] =	ssyncset.done $0x0  }
0x55: {  	s7 =	sand.u32 $0x380, s19;
	s16 =	sadd.s32 s9, s21;
	[sflag:s11] =	ssyncadd.s32 $0xFFFFEC00  }
0x56: {  	[spmem:s2] =	stream.indirect.scatter.add.f32 [tilespmem:s24], [sflag:$0xB], $0x80, s23, s20, $0xb8;
	[tilespmem:$0x1CE00] =	vst v63  }
0x57: {  	s7 =	sor.u32 s7, s16;
	_ =	swait.ge [sflag:s18], $0x1400  }
0x58: {  	s7 =	sshrl.u32 s7, $0x3;
	[sflag:s18] =	ssyncset.done $0x0  }
0x59: {  	s7 =	sadd.s32 s5, s7;
	[sflag:s18] =	ssyncadd.s32 $0xFFFFEC00  }
0x5a: {  	[tilespmem:s23], [sflag:$0x8] =	stream.linear.gather [hbm4b:s7+s3], $0x80, $0x38;
	[tilespmem:$0x1CE00] =	vst v63  }
0x5b: {  	s22 =	simm.s32 $0x118  }
0x5c: {  	[tilespmem:s24], [sflag:$0x3] =	stream.indirect.gather [hbm4b:s4+s20], $0x80, s22, s20, $0xb8;
	[tilespmem:$0x1CE00] =	vst v63  }
0x5d: {  	_ =	swait.ge [sflag:s12], $0x80  }
0x5e: {  	[sflag:s12] =	ssyncset.done $0x0  }
0x5f: {  	[sflag:s12] =	ssyncadd.s32 $0xFFFFFF80  }
0x60: {  	s23 =	simm.s32 $0x400;
	_ =	swait.ge [sflag:s13], $0x1400  }
0x61: {  	s7 =	sand.u32 $0x1FC00, s23;
	[sflag:s13] =	ssyncset.done $0x0  }
0x62: {  	s7 =	sadd.s32 s9, s7;
	s24 =	sand.u32 $0x380, s3;
	[sflag:s13] =	ssyncadd.s32 $0xFFFFEC00  }
0x63: {  	[spmem:s2] =	stream.indirect.scatter.add.f32 [tilespmem:s28], [sflag:$0xB], $0x80, s26, s20, $0xb8;
	[tilespmem:$0x1CE00] =	vst v63  }
0x64: {  	s7 =	sor.u32 s24, s7;
	_ =	swait.ge [sflag:s18], $0x1400  }
0x65: {  	s7 =	sshrl.u32 s7, $0x3;
	[sflag:s18] =	ssyncset.done $0x0  }
0x66: {  	s7 =	sadd.s32 s5, s7;
	[sflag:s18] =	ssyncadd.s32 $0xFFFFEC00  }
0x67: {  	[tilespmem:s26], [sflag:$0x9] =	stream.linear.gather [hbm4b:s7+s3], $0x80, $0x38;
	[tilespmem:$0x1CE00] =	vst v63  }
0x68: {  	s29 =	simm.s32 $0x140  }
0x69: {  	[tilespmem:s28], [sflag:$0x4] =	stream.indirect.gather [hbm4b:s4+s20], $0x80, s29, s20, $0xb8;
	[tilespmem:$0x1CE00] =	vst v63  }
0x6a: {  	_ =	swait.ge [sflag:s14], $0x80  }
0x6b: {  	[sflag:s14] =	ssyncset.done $0x0  }
0x6c: {  	[sflag:s14] =	ssyncadd.s32 $0xFFFFFF80  }
0x6d: {  	s30 =	simm.s32 $0x480;
	_ =	swait.ge [sflag:s15], $0x1400  }
0x6e: {  	s31 =	sand.u32 $0x1FC00, s30;
	[sflag:s15] =	ssyncset.done $0x0  }
0x6f: {  	s16 =	sadd.s32 s9, s31;
	s7 =	sand.u32 $0x380, s30;
	[sflag:s15] =	ssyncadd.s32 $0xFFFFEC00  }
0x70: {  	[spmem:s2] =	stream.indirect.scatter.add.f32 [tilespmem:s25], [sflag:$0xB], $0x80, s0, s20, $0xb8;
	[tilespmem:$0x1CE00] =	vst v63  }
0x71: {  	s7 =	sor.u32 s7, s16;
	_ =	swait.ge [sflag:s18], $0x1400  }
0x72: {  	s7 =	sshrl.u32 s7, $0x3;
	[sflag:s18] =	ssyncset.done $0x0  }
0x73: {  	s7 =	sadd.s32 s5, s7;
	[sflag:s18] =	ssyncadd.s32 $0xFFFFEC00  }
0x74: {  	[tilespmem:s0], [sflag:$0xA] =	stream.linear.gather [hbm4b:s7+s3], $0x80, $0x38;
	[tilespmem:$0x1CE00] =	vst v63  }
0x75: {  	s17 =	simm.s32 $0x168;
	s7 =	simm.s32 $0x168  }
.LBB2_2:
0x76: {  	p0 =	sne.s32 s10, $0x7800;
	s7 =	sadd.s32 $0xC8, s7;
	s16 =	smov.u32 s10  }
0x77: {  	s10 =	sadd.s32 $0x280, s10;
	s29 =	simm.s32 $0x7A00;
	s0 =	simm.s32 $0x6  }
0x78: {  	[tilespmem:s29], [sflag:$0x5] =	stream.indirect.gather [hbm4b:s4+s20], $0x80, s17, s20, $0xb8;
	[tilespmem:$0x1CE00] =	vst v63  }
0x79: {  	s17 =	sand.u32 $0x1FC00, s10;
	s19 =	sand.u32 $0x380, s10;
	_ =	swait.ge [sflag:s0], $0x80  }
0x7a: {  	s21 =	sadd.s32 s9, s17;
	s17 =	smov.u32 s7;
	[sflag:s0] =	ssyncset.done $0x0  }
0x7b: {  	s19 =	sor.u32 s19, s21;
	[sflag:s0] =	ssyncadd.s32 $0xFFFFFF80;
	s0 =	simm.s32 $0x1  }
0x7c: {  	s19 =	sshrl.u32 s19, $0x3;
	_ =	swait.ge [sflag:s0], $0x1400  }
0x7d: {  	[sflag:s0] =	ssyncset.done $0x0  }
0x7e: {  	s24 =	simm.s32 $0x2A00;
	s21 =	simm.s32 $0x2780;
	[sflag:s0] =	ssyncadd.s32 $0xFFFFEC00  }
0x7f: {  	[spmem:s2] =	stream.indirect.scatter.add.f32 [tilespmem:s24], [sflag:$0xB], $0x80, s21, s20, $0xb8;
	[tilespmem:$0x1CE00] =	vst v63  }
0x80: {  	_ =	swait.ge [sflag:s18], $0x1400  }
0x81: {  	[sflag:s18] =	ssyncset.done $0x0  }
0x82: {  	s22 =	simm.s32 $0x2780;
	s19 =	sadd.s32 s5, s19;
	[sflag:s18] =	ssyncadd.s32 $0xFFFFEC00  }
0x83: {  	[tilespmem:s21], [sflag:$0x6] =	stream.linear.gather [hbm4b:s19+s3], $0x80, $0x38;
	[tilespmem:$0x1CE00] =	vst v63  }
0x84: {  	s23 =	simm.s32 $0x2A00;
	s19 =	sadd.s32 $0xFFFFFF60, s7  }
0x85: {  	[tilespmem:s24], [sflag:$0x1] =	stream.indirect.gather [hbm4b:s4+s20], $0x80, s19, s20, $0xb8;
	[tilespmem:$0x1CE00] =	vst v63  }
0x86: {  	_ =	swait.ge [sflag:s1], $0x80  }
0x87: {  	[sflag:s1] =	ssyncset.done $0x0  }
0x88: {  	[sflag:s1] =	ssyncadd.s32 $0xFFFFFF80  }
0x89: {  	s26 =	simm.s32 $0x2800;
	_ =	swait.ge [sflag:s6], $0x1400  }
0x8a: {  	s28 =	simm.s32 $0x3E00;
	s19 =	sadd.s32 $0x300, s16;
	[sflag:s6] =	ssyncset.done $0x0  }
0x8b: {  	s21 =	sand.u32 $0x1FC00, s19;
	s19 =	sand.u32 $0x380, s19;
	[sflag:s6] =	ssyncadd.s32 $0xFFFFEC00  }
0x8c: {  	[spmem:s2] =	stream.indirect.scatter.add.f32 [tilespmem:s28], [sflag:$0xB], $0x80, s26, s20, $0xb8;
	[tilespmem:$0x1CE00] =	vst v63  }
0x8d: {  	s21 =	sadd.s32 s9, s21;
	_ =	swait.ge [sflag:s18], $0x1400  }
0x8e: {  	s19 =	sor.u32 s19, s21;
	[sflag:s18] =	ssyncset.done $0x0  }
0x8f: {  	s19 =	sshrl.u32 s19, $0x3;
	[sflag:s18] =	ssyncadd.s32 $0xFFFFEC00  }
0x90: {  	s24 =	simm.s32 $0x2800;
	s21 =	sadd.s32 $0xFFFFFF88, s7;
	s19 =	sadd.s32 s5, s19  }
0x91: {  	[tilespmem:s26], [sflag:$0x7] =	stream.linear.gather [hbm4b:s19+s3], $0x80, $0x38;
	[tilespmem:$0x1CE00] =	vst v63  }
0x92: {  	s26 =	simm.s32 $0x3E00  }
0x93: {  	[tilespmem:s28], [sflag:$0x2] =	stream.indirect.gather [hbm4b:s4+s20], $0x80, s21, s20, $0xb8;
	[tilespmem:$0x1CE00] =	vst v63  }
0x94: {  	_ =	swait.ge [sflag:s8], $0x80  }
0x95: {  	[sflag:s8] =	ssyncset.done $0x0  }
0x96: {  	[sflag:s8] =	ssyncadd.s32 $0xFFFFFF80  }
0x97: {  	s30 =	simm.s32 $0x2880;
	s19 =	sadd.s32 $0x380, s16;
	_ =	swait.ge [sflag:s11], $0x1400  }
0x98: {  	s21 =	sand.u32 $0x1FC00, s19;
	s19 =	sand.u32 $0x380, s19;
	[sflag:s11] =	ssyncset.done $0x0  }
0x99: {  	s31 =	simm.s32 $0x5200;
	s21 =	sadd.s32 s9, s21;
	[sflag:s11] =	ssyncadd.s32 $0xFFFFEC00  }
0x9a: {  	[spmem:s2] =	stream.indirect.scatter.add.f32 [tilespmem:s31], [sflag:$0xB], $0x80, s30, s20, $0xb8;
	[tilespmem:$0x1CE00] =	vst v63  }
0x9b: {  	s19 =	sor.u32 s19, s21;
	_ =	swait.ge [sflag:s18], $0x1400  }
0x9c: {  	s28 =	simm.s32 $0x2880;
	s19 =	sshrl.u32 s19, $0x3;
	[sflag:s18] =	ssyncset.done $0x0  }
0x9d: {  	s21 =	sadd.s32 $0xFFFFFFB0, s7;
	s19 =	sadd.s32 s5, s19;
	[sflag:s18] =	ssyncadd.s32 $0xFFFFEC00  }
0x9e: {  	[tilespmem:s30], [sflag:$0x8] =	stream.linear.gather [hbm4b:s19+s3], $0x80, $0x38;
	[tilespmem:$0x1CE00] =	vst v63  }
0x9f: {  	s30 =	simm.s32 $0x5200  }
0xa0: {  	[tilespmem:s31], [sflag:$0x3] =	stream.indirect.gather [hbm4b:s4+s20], $0x80, s21, s20, $0xb8;
	[tilespmem:$0x1CE00] =	vst v63  }
0xa1: {  	_ =	swait.ge [sflag:s12], $0x80  }
0xa2: {  	[sflag:s12] =	ssyncset.done $0x0  }
0xa3: {  	[sflag:s12] =	ssyncadd.s32 $0xFFFFFF80  }
0xa4: {  	s25 =	simm.s32 $0x6600;
	s19 =	sadd.s32 $0x400, s16;
	_ =	swait.ge [sflag:s13], $0x1400  }
0xa5: {  	s0 =	simm.s32 $0x2900;
	s19 =	sand.u32 $0x1FC00, s19;
	[sflag:s13] =	ssyncset.done $0x0  }
0xa6: {  	s19 =	sadd.s32 s9, s19;
	s21 =	sand.u32 $0x380, s16;
	[sflag:s13] =	ssyncadd.s32 $0xFFFFEC00  }
0xa7: {  	[spmem:s2] =	stream.indirect.scatter.add.f32 [tilespmem:s25], [sflag:$0xB], $0x80, s0, s20, $0xb8;
	[tilespmem:$0x1CE00] =	vst v63  }
0xa8: {  	s19 =	sor.u32 s21, s19;
	_ =	swait.ge [sflag:s18], $0x1400  }
0xa9: {  	s31 =	simm.s32 $0x2900;
	s19 =	sshrl.u32 s19, $0x3;
	[sflag:s18] =	ssyncset.done $0x0  }
0xaa: {  	s21 =	sadd.s32 $0xFFFFFFD8, s7;
	s19 =	sadd.s32 s5, s19;
	[sflag:s18] =	ssyncadd.s32 $0xFFFFEC00  }
0xab: {  	[tilespmem:s0], [sflag:$0x9] =	stream.linear.gather [hbm4b:s19+s3], $0x80, $0x38;
	[tilespmem:$0x1CE00] =	vst v63  }
0xac: {  	s0 =	simm.s32 $0x6600  }
0xad: {  	[tilespmem:s25], [sflag:$0x4] =	stream.indirect.gather [hbm4b:s4+s20], $0x80, s21, s20, $0xb8;
	[tilespmem:$0x1CE00] =	vst v63  }
0xae: {  	_ =	swait.ge [sflag:s14], $0x80  }
0xaf: {  	[sflag:s14] =	ssyncset.done $0x0  }
0xb0: {  	[sflag:s14] =	ssyncadd.s32 $0xFFFFFF80  }
0xb1: {  	s16 =	sadd.s32 $0x480, s16;
	_ =	swait.ge [sflag:s15], $0x1400  }
0xb2: {  	s19 =	sand.u32 $0x1FC00, s16;
	s16 =	sand.u32 $0x380, s16;
	[sflag:s15] =	ssyncset.done $0x0  }
0xb3: {  	s19 =	sadd.s32 s9, s19;
	s21 =	simm.s32 $0x2980;
	[sflag:s15] =	ssyncadd.s32 $0xFFFFEC00  }
0xb4: {  	[spmem:s2] =	stream.indirect.scatter.add.f32 [tilespmem:s29], [sflag:$0xB], $0x80, s21, s20, $0xb8;
	[tilespmem:$0x1CE00] =	vst v63  }
.Ltmp0:
0xb5: {  	_ = 	snop;
	(pc) =	sbr.rel @p0 .LBB2_2-.Ltmp0, $4  }
0xb6: {  	s16 =	sor.u32 s16, s19;
	_ =	swait.ge [sflag:s18], $0x1400  }
0xb7: {  	s16 =	sshrl.u32 s16, $0x3;
	[sflag:s18] =	ssyncset.done $0x0  }
0xb8: {  	s19 =	simm.s32 $0x2980;
	s16 =	sadd.s32 s5, s16;
	[sflag:s18] =	ssyncadd.s32 $0xFFFFEC00  }
0xb9: {  	[tilespmem:s21], [sflag:$0xA] =	stream.linear.gather [hbm4b:s16+s3], $0x80, $0x38;
	[tilespmem:$0x1CE00] =	vst v63  }
0xba: {  	s7 =	simm.s32 $0x7A00;
	s10 =	simm.s32 $0x6  }
0xbb: {  	[tilespmem:s7], [sflag:$0x5] =	stream.indirect.gather [hbm4b:s4+s20], $0x80, s17, s20, $0xb8;
	[tilespmem:$0x1CE00] =	vst v63  }
0xbc: {  	_ =	swait.ge [sflag:s10], $0x80  }
0xbd: {  	[sflag:s10] =	ssyncset.done $0x0  }
0xbe: {  	s25 =	simm.s32 $0x1;
	[sflag:s10] =	ssyncadd.s32 $0xFFFFFF80  }
0xbf: {  	_ =	swait.ge [sflag:s25], $0x1400  }
0xc0: {  	[sflag:s25] =	ssyncset.done $0x0  }
0xc1: {  	[sflag:s25] =	ssyncadd.s32 $0xFFFFEC00  }
0xc2: {  	[spmem:s2] =	stream.indirect.scatter.add.f32 [tilespmem:s23], [sflag:$0xB], $0x80, s22, s20, $0xb8;
	[tilespmem:$0x1CE00] =	vst v63  }
0xc3: {  	_ =	swait.ge [sflag:s18], $0x1400  }
0xc4: {  	[sflag:s18] =	ssyncset.done $0x0  }
0xc5: {  	[sflag:s18] =	ssyncadd.s32 $0xFFFFEC00  }
0xc6: {  	_ =	swait.ge [sflag:s1], $0x80  }
0xc7: {  	[sflag:s1] =	ssyncset.done $0x0  }
0xc8: {  	[sflag:s1] =	ssyncadd.s32 $0xFFFFFF80  }
0xc9: {  	_ =	swait.ge [sflag:s6], $0x1400  }
0xca: {  	[sflag:s6] =	ssyncset.done $0x0  }
0xcb: {  	[sflag:s6] =	ssyncadd.s32 $0xFFFFEC00  }
0xcc: {  	[spmem:s2] =	stream.indirect.scatter.add.f32 [tilespmem:s26], [sflag:$0xB], $0x80, s24, s20, $0xb8;
	[tilespmem:$0x1CE00] =	vst v63  }
0xcd: {  	_ =	swait.ge [sflag:s18], $0x1400  }
0xce: {  	[sflag:s18] =	ssyncset.done $0x0  }
0xcf: {  	[sflag:s18] =	ssyncadd.s32 $0xFFFFEC00  }
0xd0: {  	_ =	swait.ge [sflag:s8], $0x80  }
0xd1: {  	[sflag:s8] =	ssyncset.done $0x0  }
0xd2: {  	[sflag:s8] =	ssyncadd.s32 $0xFFFFFF80  }
0xd3: {  	_ =	swait.ge [sflag:s11], $0x1400  }
0xd4: {  	[sflag:s11] =	ssyncset.done $0x0  }
0xd5: {  	[sflag:s11] =	ssyncadd.s32 $0xFFFFEC00  }
0xd6: {  	[spmem:s2] =	stream.indirect.scatter.add.f32 [tilespmem:s30], [sflag:$0xB], $0x80, s28, s20, $0xb8;
	[tilespmem:$0x1CE00] =	vst v63  }
0xd7: {  	_ =	swait.ge [sflag:s18], $0x1400  }
0xd8: {  	[sflag:s18] =	ssyncset.done $0x0  }
0xd9: {  	[sflag:s18] =	ssyncadd.s32 $0xFFFFEC00  }
0xda: {  	_ =	swait.ge [sflag:s12], $0x80  }
0xdb: {  	[sflag:s12] =	ssyncset.done $0x0  }
0xdc: {  	[sflag:s12] =	ssyncadd.s32 $0xFFFFFF80  }
0xdd: {  	_ =	swait.ge [sflag:s13], $0x1400  }
0xde: {  	[sflag:s13] =	ssyncset.done $0x0  }
0xdf: {  	[sflag:s13] =	ssyncadd.s32 $0xFFFFEC00  }
0xe0: {  	[spmem:s2] =	stream.indirect.scatter.add.f32 [tilespmem:s0], [sflag:$0xB], $0x80, s31, s20, $0xb8;
	[tilespmem:$0x1CE00] =	vst v63  }
0xe1: {  	_ =	swait.ge [sflag:s18], $0x1400  }
0xe2: {  	[sflag:s18] =	ssyncset.done $0x0  }
0xe3: {  	[sflag:s18] =	ssyncadd.s32 $0xFFFFEC00  }
0xe4: {  	_ =	swait.ge [sflag:s14], $0x80  }
0xe5: {  	[sflag:s14] =	ssyncset.done $0x0  }
0xe6: {  	[sflag:s14] =	ssyncadd.s32 $0xFFFFFF80  }
0xe7: {  	_ =	swait.ge [sflag:s15], $0x1400  }
0xe8: {  	[sflag:s15] =	ssyncset.done $0x0  }
0xe9: {  	[sflag:s15] =	ssyncadd.s32 $0xFFFFEC00  }
0xea: {  	[spmem:s2] =	stream.indirect.scatter.add.f32 [tilespmem:s7], [sflag:$0xB], $0x80, s19, s20, $0xb8;
	[tilespmem:$0x1CE00] =	vst v63  }
0xeb: {  	_ =	swait.ge [sflag:s18], $0x1400  }
0xec: {  	[sflag:s18] =	ssyncset.done $0x0  }
0xed: {  	[sflag:s18] =	ssyncadd.s32 $0xFFFFEC00  }
0xee: {  	[bflag:$0x0] =	sbarrier.arrive $0xFFFF  }
0xef: {  	s10 =	rddreg [dreg:$0x4]  }
0xf0: {  	s29 =	rddreg [dreg:$0xb]  }
0xf1: {  	s16 =	rddreg [dreg:$0xd]  }
0xf2: {  	[hbm:s29], [sflag:s10] =	dma.local [spmem:s16], $0x2800  }
0xf3: {  	_ =	swait.ge [sflag:s18], $0x2800  }
0xf4: {  	s30 =	rddreg [dreg:$0xe]  }
0xf5: {  	s31 =	rddreg [dreg:$0xc];
	s0 =	sadd.s32 $0x1, s30  }
0xf6: {  	p0 =	sne.s32 s0, s31  }
.Ltmp1:
0xf7: {  	_ = 	snop;
	(pc) =	sbr.rel @p0 .LBB2_1-.Ltmp1, $3  }
0xf8: {  	_ =	sdelay $0x1  }
0xf9: {  	[sflag:s18] =	ssyncset.done $0x0  }
0xfa: {  	[sflag:s18] =	ssyncadd.s32 $0xFFFFD800  }
0xfb: {  	_ =	sfence.sel $0x180000  }
0xfc: {  	[bflag:$0x0] =	sbarrier.arrive $0xFFFF  }
0xfd: {  	_ =	strace $0x9000004D  }
0xfe: {  	s0 =	stileid.u32;
	[bflag:$0x2] =	sbarrier.arrive $0xFFFF  }
0xff: {  	p0 =	sne.s32 s0, $0x0;
	s0 =	rddreg [dreg:$0x2]  }
0x100: {  	s0 =	sadd.s32 @!p0 $0x100000, s0  }
0x101: {  	[sflag:s0] =	ssyncadd.tile.s32 @!p0 $0x1;
	_ =	shalt  }
.Lfunc_end2:
_tile_overlayer_lowered:
.L_overlay_start_2:
0x102: {  	(tag) =	ssettag $0x2  }
0x103: {  	s0 =	rddreg [dreg:$0x0];
	s2 =	stileid.u32  }
0x104: {  	s1 =	rddreg [dreg:$0x1];
	p0 =	sne.s32 s2, $0x0  }
0x105: {  	s3 =	rddreg [dreg:$0x2];
	[bflag:$0x3] =	sbarrier.arrive $0xFFFF;
	s2 =	simm.s32 @!p0 $0x1C0B  }
0x106: {  	[timem:s3], [sflag:s2] =	dma.local @!p0 [hbm:s0], s1  }
0x107: {  	s0 =	simm.s32 @!p0 $0xB  }
0x108: {  	_ =	swait.ge @!p0 [sflag:s0], s1  }
0x109: {  	s1 =	ssub.s32 @!p0 $0x0, s1;
	[sflag:s0] =	ssyncset.done @!p0 $0x0  }
0x10a: {  	[sflag:s0] =	ssyncadd.s32 @!p0 s1  }
0x10b: {  	[bflag:$0x3] =	sbarrier.arrive $0xFFFF  }
0x10c: {  	_ =	shalt  }

// kernel: kernel.8.cloned.1.call-start
scs
__scs_entry_jumppad:
0x0: {  	(pc) =	sbr.rel $0x88, $3  }
0x1: {  	(tag) =	ssettag $0x0;
	lr =	simm.s32 $0x1  }
0x2: {  	[smem:$0x3F8E] =	sst lr;
	_ =	strace $0xD0000000  }
0x3: {  	_ = 	snop  }
0x4: {  	_ = 	snop  }
0x5: {  	_ = 	snop  }
0x6: {  	_ = 	snop  }
0x7: {  	_ = 	snop  }
__scs_overlays_trampoline_lowered:
0x8: {  	[smem:$0x3F9D] =	sst s0  }
0x9: {  	[smem:$0x3F9E] =	sst s1  }
0xa: {  	[smem:$0x3F9F] =	sst s2  }
0xb: {  	[smem:$0x3FA0] =	sst s3  }
0xc: {  	[smem:$0x3FA1] =	sst s4  }
0xd: {  	[smem:$0x3FA2] =	sst s5  }
0xe: {  	[smem:$0x3FA3] =	sst s6  }
0xf: {  	[smem:$0x3FA4] =	sst s7  }
0x10: {  	[smem:$0x3FA5] =	sst s8  }
0x11: {  	[smem:$0x3FA6] =	sst s9;
	s0 =	simm.s32 @!p0 $0x0  }
0x12: {  	s1 =	sld [smem:$0x3F8C];
	s0 =	simm.s32 @p0 $0x1  }
0x13: {  	[smem:$0x3FA7] =	sst s0;
	s0 =	simm.s32 @!p1 $0x0  }
0x14: {  	s2 =	sld [smem:$0x3F8B];
	s0 =	simm.s32 @p1 $0x1  }
0x15: {  	[smem:$0x3FA8] =	sst s0;
	s0 =	simm.s32 @!p2 $0x0  }
0x16: {  	s3 =	sld [smem:$0x3FDB];
	s0 =	simm.s32 @p2 $0x1  }
0x17: {  	s4 =	simm.s32 $0x1BF5;
	[smem:$0x3FAA] =	sst s0  }
0x18: {  	s0 =	sld [smem:$0x3F8D];
	_ =	swait.ge [sflag:s4], $0x0  }
0x19: {  	s7 =	sld [smem:$0x3F8E]  }
0x1a: {  	s8 =	sadd.s32 $0xFFFFE003, lr  }
0x1b: {  	s9 =	sadd.s32 $0xFFFFFEF7, lr;
	s5 =	simm.s32 $0xFFFFFFFF;
	p2 =	slt.u32 s8, $0xFFFFF086  }
0x1c: {  	p1 =	slt.u32 s9, $0xF7A;
	s5 =	simm.s32 @!p2 $0x0  }
0x1d: {  	s5 =	simm.s32 @p1 $0x1;
	p0 =	seq.s32 s7, s2  }
0x1e: {  	s7 =	smul.u32 @!p0 $0xF7A, s2;
	p2 =	seq.s32 @!p0 s5, $0x0  }
0x1f: {  	s9 =	smul.u32 $0xF7A, s1;
	s8 =	simm.s32 @!p0 $0x1BF5;
	p2 =	por !p2, p0  }
0x20: {  	[sflag:s8] =	ssyncset.s32 @!p0 $0xFFFFF086;
	s6 =	sadd.s32 @!p0 s3, s7;
	s7 =	simm.s32 @!p0 $0x108  }
0x21: {  	s3 =	sadd.s32 s3, s9;
	s6 =	sadd.s32 @!p0 $0x88, s6;
	s7 =	simm.s32 @p2 $0x1082  }
0x22: {  	[simem:s7], [sflag:s8] =	dma.local @!p0 [hbm:s6], $0xF7A  }
0x23: {  	s9 =	sor.u32 $0xD0000000, s2;
	s6 =	simm.s32 $0x108;
	_ =	swait.ge @!p0 [sflag:s8], $0x0  }
0x24: {  	s3 =	sadd.s32 $0x88, s3;
	s6 =	simm.s32 @!p1 $0x1082;
	[sflag:s4] =	ssyncset.s32 $0xFFFFF086  }
0x25: {  	[simem:s6], [sflag:s4] =	dma.local [hbm:s3], $0xF7A  }
0x26: {  	[smem:$0x3F8E] =	sst s1;
	(tag) =	ssettag s2;
	_ =	strace s9  }
0x27: {  	s1 =	sld [smem:$0x3F9E]  }
0x28: {  	s2 =	sld [smem:$0x3F9F]  }
0x29: {  	s4 =	sld [smem:$0x3FA1]  }
0x2a: {  	p0 =	seq.s32 s5, $0x0;
	s5 =	sld [smem:$0x3FA2]  }
0x2b: {  	s6 =	sld [smem:$0x3FA3]  }
0x2c: {  	s7 =	sld [smem:$0x3FA4]  }
0x2d: {  	s3 =	simm.s32 $0x108;
	s8 =	sld [smem:$0x3FA5]  }
0x2e: {  	s3 =	simm.s32 @!p0 $0x1082;
	s9 =	sld [smem:$0x3FA6]  }
0x2f: {  	lr =	sadd.s32 s0, s3;
	s0 =	sld [smem:$0x3F9D]  }
0x30: {  	s3 =	sld [smem:$0x3FA0]  }
0x31: {  	[smem:$0x3FA9] =	sst s10  }
0x32: {  	s10 =	sld [smem:$0x3FA7];
	_ =	sdelay $0x3  }
0x33: {  	p0 =	seq.s32 s10, $0x1;
	s10 =	sld [smem:$0x3FA9];
	_ =	sdelay $0x3  }
0x34: {  	[smem:$0x3FA9] =	sst s10  }
0x35: {  	s10 =	sld [smem:$0x3FA8];
	_ =	sdelay $0x3  }
0x36: {  	p1 =	seq.s32 s10, $0x1;
	s10 =	sld [smem:$0x3FA9];
	_ =	sdelay $0x3  }
0x37: {  	[smem:$0x3FA9] =	sst s10  }
0x38: {  	s10 =	sld [smem:$0x3FAA]  }
0x39: {  	_ = 	snop;
	(pc) =	sbr.ind lr, $3  }
0x3a: {  	_ = 	snop  }
0x3b: {  	_ = 	snop  }
0x3c: {  	p2 =	seq.s32 s10, $0x1;
	s10 =	sld [smem:$0x3FA9]  }
0x3d: {  	_ =	shalt  }
0x3e: {  	_ =	shalt  }
0x3f: {  	_ =	shalt  }
0x40: {  	_ =	shalt  }
0x41: {  	_ =	shalt  }
0x42: {  	_ =	shalt  }
0x43: {  	_ =	shalt  }
0x44: {  	_ =	shalt  }
0x45: {  	_ =	shalt  }
0x46: {  	_ =	shalt  }
0x47: {  	_ =	shalt  }
0x48: {  	_ =	shalt  }
0x49: {  	_ =	shalt  }
0x4a: {  	_ =	shalt  }
0x4b: {  	_ =	shalt  }
0x4c: {  	_ =	shalt  }
0x4d: {  	_ =	shalt  }
0x4e: {  	_ =	shalt  }
0x4f: {  	_ =	shalt  }
0x50: {  	_ =	shalt  }
0x51: {  	_ =	shalt  }
0x52: {  	_ =	shalt  }
0x53: {  	_ =	shalt  }
0x54: {  	_ =	shalt  }
0x55: {  	_ =	shalt  }
0x56: {  	_ =	shalt  }
0x57: {  	_ =	shalt  }
0x58: {  	_ =	shalt  }
0x59: {  	_ =	shalt  }
0x5a: {  	_ =	shalt  }
0x5b: {  	_ =	shalt  }
0x5c: {  	_ =	shalt  }
0x5d: {  	_ =	shalt  }
0x5e: {  	_ =	shalt  }
0x5f: {  	_ =	shalt  }
0x60: {  	_ =	shalt  }
0x61: {  	_ =	shalt  }
0x62: {  	_ =	shalt  }
0x63: {  	_ =	shalt  }
0x64: {  	_ =	shalt  }
0x65: {  	_ =	shalt  }
0x66: {  	_ =	shalt  }
0x67: {  	_ =	shalt  }
0x68: {  	_ =	shalt  }
0x69: {  	_ =	shalt  }
0x6a: {  	_ =	shalt  }
0x6b: {  	_ =	shalt  }
0x6c: {  	_ =	shalt  }
0x6d: {  	_ =	shalt  }
0x6e: {  	_ =	shalt  }
0x6f: {  	_ =	shalt  }
0x70: {  	_ =	shalt  }
0x71: {  	_ =	shalt  }
0x72: {  	_ =	shalt  }
0x73: {  	_ =	shalt  }
0x74: {  	_ =	shalt  }
0x75: {  	_ =	shalt  }
0x76: {  	_ =	shalt  }
0x77: {  	_ =	shalt  }
0x78: {  	_ =	shalt  }
0x79: {  	_ =	shalt  }
0x7a: {  	_ =	shalt  }
0x7b: {  	_ =	shalt  }
0x7c: {  	_ =	shalt  }
0x7d: {  	_ =	shalt  }
0x7e: {  	_ =	shalt  }
0x7f: {  	_ =	shalt  }
0x80: {  	_ =	shalt  }
0x81: {  	_ =	shalt  }
0x82: {  	_ =	shalt  }
0x83: {  	_ =	shalt  }
0x84: {  	_ =	shalt  }
0x85: {  	_ =	shalt  }
0x86: {  	_ =	shalt  }
0x87: {  	_ =	shalt  }
.Lfunc_end0:
.L_simem_size_0:
called_computation_lowered:
.L_overlay_start_0:
0x88: {  	s2 =	sld [smem:$0x3FD9]  }
0x89: {  	s3 =	sld [smem:$0x3FFE];
	_ =	sdelay $0x1  }
0x8a: {  	s1 =	srdreg.scid  }
0x8b: {  	s0 =	sand.u32 $0x1, s1  }
0x8c: {  	s16 =	sshll.u32 s0, $0xA;
	s2 =	sadd.s32 s3, s2  }
0x8d: {  	s2 =	sadd.s32 s2, s16  }
0x8e: {  	[smem:$0x3FB5] =	sst s2  }
0x8f: {  	_ = 	snop  }
0x90: {  	(tm) =	ssettm $0x1  }
0x91: {  	s17 =	sld [smem:$0x3FFB];
	_ =	sdelay $0x3  }
0x92: {  	_ =	strace s17  }
0x93: {  	s2 =	sld [smem:$0x3FFC];
	_ =	sdelay $0x3  }
0x94: {  	_ =	strace s2  }
0x95: {  	s2 =	sld [smem:$0x3FFD];
	_ =	sdelay $0x3  }
0x96: {  	_ =	strace s2  }
0x97: {  	_ =	strace $0x8FFFFFFF  }
0x98: {  	s18 =	sld [smem:$0x3FDB];
	_ =	sdelay $0x1  }
0x99: {  	s19 =	simm.s32 $_scs_section_size  }
0x9a: {  	s4 =	simm.s32 $_size__tile_overlayer_lowered;
	s5 =	simm.s32 $_tile_overlayer_lowered  }
0x9b: {  	s22 =	simm.s32 $0x1BFF;
	s21 =	sshll.u32 s5, $0x1;
	s2 =	sadd.s32 s19, s18  }
0x9c: {  	s6 =	simm.s32 $0x0;
	s20 =	sshll.u32 s4, $0x1;
	s4 =	sadd.s32 s21, s2  }
0x9d: {  	[timem:s6], [sflag:s22] =	dma.local [hbm:s4], s20  }
0x9e: {  	_ =	swait.ge [sflag:s22], s20  }
0x9f: {  	s3 =	ssub.s32 $0x0, s20;
	[sflag:s22] =	ssyncset.done $0x0  }
0xa0: {  	[sflag:s22] =	ssyncadd.s32 s3;
	_ =	sdelay $0x1  }
0xa1: {  	s23 =	simm.s32 $0x1B8B  }
0xa2: {  	_ =	swait.ge [sflag:s23], $0x1  }
0xa3: {  	[sflag:s23] =	ssyncset.done $0x0  }
0xa4: {  	s25 =	simm.s32 $0x1B8E;
	s24 =	sld [smem:$0x3FFE];
	[sflag:s23] =	ssyncadd.s32 $0xFFFFFFFF  }
0xa5: {  	s26 =	simm.s32 $execute0_lowered;
	[smem:$0x3FD2] =	sst s25  }
0xa6: {  	s4 =	sshll.u32 s26, $0x1;
	_ =	strace $0x80000046;
	[dreg:$0x1] =	wrdreg $0xFFFFFFFF  }
0xa7: {  	s28 =	simm.s32 $_size_execute0_lowered;
	s2 =	sadd.s32 s2, s4;
	[dreg:$0x0] =	wrdreg $0x0  }
0xa8: {  	s4 =	sshll.u32 s28, $0x1;
	[dreg:$0x2] =	wrdreg s2  }
0xa9: {  	[dreg:$0x3] =	wrdreg s4  }
0xaa: {  	[dreg:$0x4] =	wrdreg $0xC0  }
0xab: {  	_ =	task [dreg:s6], $0x5FFFF  }
0xac: {  	[dreg:$0x1] =	wrdreg $0xFFFFFFFF  }
0xad: {  	[dreg:$0x0] =	wrdreg $0x60  }
0xae: {  	[dreg:$0x2] =	wrdreg s24  }
0xaf: {  	[dreg:$0x3] =	wrdreg $0x50000  }
0xb0: {  	[dreg:$0x4] =	wrdreg $0x9  }
0xb1: {  	_ =	task.clear_ibuf [dreg:s6], $0x5FFFF;
	_ =	strace $0x90000046  }
0xb2: {  	s29 =	simm.s32 $0x9;
	_ =	strace $0x80000048  }
0xb3: {  	_ =	swait.ge [sflag:s29], $0x1  }
0xb4: {  	[sflag:s29] =	ssyncadd.s32 $0xFFFFFFFF  }
0xb5: {  	_ =	strace $0x90000048  }
0xb6: {  	_ =	sfence  }
0xb7: {  	s30 =	sld [smem:$0x0];
	_ =	sdelay $0x2  }
0xb8: {  	s31 =	sshll.u32 s1, $0xD;
	s1 =	sshrl.u32 s1, $0x2  }
0xb9: {  	s3 =	sand.u32 $0x4000, s31;
	s1 =	sadd.s32 s1, s30  }
0xba: {  	s0 =	sor.u32 s3, s0;
	s1 =	sshll.u32 s1, $0x11  }
0xbb: {  	s0 =	sor.u32 s1, s0  }
0xbc: {  	s0 =	sadd.s32 $0x8F2B, s0  }
0xbd: {  	[sflag:s0] =	ssyncadd.remote.s32 $0x1  }
0xbe: {  	_ =	sfence.sel $0xFFFF  }
0xbf: {  	[dreg:$0x0] =	wrdreg $0xFFFFFFFF;
	(pc) =	sbr.abs _section_cstart, $3  }
0xc0: {  	[dreg:$0x1] =	wrdreg $0xFFFFFFFF  }
0xc1: {  	_ =	task.clear_ibuf [dreg:s6], $0x2FFFF;
	_ =	strace $0x9FFFFFFF  }
0xc2: {  	(tm) =	ssettm $0x7FFFFFFF  }
0xc3: {  	_ =	shalt  }
tec
execute0_lowered:
.L_overlay_start_1:
0x0: {  	(tag) =	ssettag $0x1  }
0x1: {  	s0 =	srdreg.scid;
	s4 =	rddreg [dreg:$0x0]  }
0x2: {  	s6 =	stileid.u32;
	s1 =	rddreg [dreg:$0x1]  }
0x3: {  	s2 =	simm.s32 $0x0;
	s10 =	simm.s32 $0x50;
	s11 =	simm.s32 $0x4F80  }
0x4: {  	s3 =	sand.u32 $0x1, s0;
	s31 =	sshll.u32 s6, $0x1;
	s0 =	rddreg [dreg:$0x2]  }
0x5: {  	[smem:$0x7FF] =	sst s2;
	p0 =	sne.s32 s6, $0x0;
	s5 =	sor.u32 s3, s31  }
0x6: {  	s7 =	smul.u32 $0x500, s3;
	s8 =	ssub.s32 $0x2, s3;
	_ =	strace $0x80000047  }
0x7: {  	s3 =	sadd.s32 $0x17A00, s4;
	s5 =	smul.u32 $0x4E2, s5;
	s9 =	sshrl.u32 s8, $0x1  }
0x8: {  	v0 =	vlaneseq.u32;
	s7 =	sadd.s32 s7, s4;
	s8 =	ssub.s32 s8, s9;
	s9 =	simm.s32 $0x2780  }
0x9: {  	v1 =	vimm.f32 $0.0e+00;
	v6 =	vimm.f32 $1.000000000e+00;
	v2 =	vor.u32 $0x10, v0;
	s5 =	sadd.s32 s5, s4;
	s6 =	smax.u32 s8, $0x1;
	s8 =	simm.s32 $0x1  }
0xa: {  	v3 =	vor.u32 $0x20, v0;
	v4 =	vor.u32 $0x30, v0;
	v5 =	vor.u32 $0x40, v0;
	s4 =	sadd.s32 $0x3E00, s5;
	s5 =	sadd.s32 $0x18000, s7;
	s7 =	sshrl.u32 @!p0 s1, $0x3  }
.LBB2_1:
0xb: {  	s12 =	simm.s32 @!p0 $0x1C01  }
0xc: {  	[spmem:s7], [sflag:s12] =	dma.local @!p0 [hbm:s3], $0x500  }
0xd: {  	s12 =	simm.s32 @!p0 $0x1  }
0xe: {  	_ =	swait.ge @!p0 [sflag:s12], $0x500  }
0xf: {  	[sflag:s12] =	ssyncset.done @!p0 $0x0  }
0x10: {  	s13 =	simm.s32 $0x3C0;
	[sflag:s12] =	ssyncadd.s32 @!p0 $0xFFFFFB00;
	s12 =	simm.s32 $0x70  }
.LBB2_2:
0x11: {  	p1 =	sne.s32 s13, $0x9FC0;
	[tilespmem:s12+$0x2780] =	vst v1  }
0x12: {  	[tilespmem:s12+$0x2710] =	vst v1  }
0x13: {  	[tilespmem:s12+$0x2720] =	vst v1  }
.Ltmp0:
0x14: {  	[tilespmem:s12+$0x2730] =	vst v1;
	(pc) =	sbr.rel @p1 .LBB2_2-.Ltmp0, $4  }
0x15: {  	[tilespmem:s12+$0x2740] =	vst v1  }
0x16: {  	[tilespmem:s12+$0x2750] =	vst v1  }
0x17: {  	[tilespmem:s12+$0x2760] =	vst v1  }
0x18: {  	[tilespmem:s12+$0x2770] =	vst v1;
	s12 =	sshra.s32 s13, $0x2;
	s13 =	sadd.s32 $0x200, s13  }
0x19: {  	[tilespmem:s12+$0x2780] =	vst v1  }
0x1a: {  	[tilespmem:s12+$0x2710] =	vst v1  }
0x1b: {  	[tilespmem:s12+$0x2720] =	vst v1  }
0x1c: {  	[tilespmem:s12+$0x2730] =	vst v1  }
0x1d: {  	[tilespmem:s12+$0x2740] =	vst v1  }
0x1e: {  	[tilespmem:s12+$0x2750] =	vst v1  }
0x1f: {  	[tilespmem:s12+$0x2760] =	vst v1  }
0x20: {  	[tilespmem:s12+$0x2770] =	vst v1;
	s31 =	simm.s32 $0x0  }
0x21: {  	[tilespmem:s31], [sflag:$0x1] =	stream.linear.gather [hbm4b:s4+s31], $0x2710, $0x38;
	[tilespmem:$0x5280] =	vst v63  }
0x22: {  	_ =	swait.ge [sflag:s8], $0x2710  }
0x23: {  	[sflag:s8] =	ssyncset.done $0x0  }
0x24: {  	[sflag:s8] =	ssyncadd.s32 $0xFFFFD8F0  }
0x25: {  	[tilespmem:$0x4F80] =	vst v0  }
0x26: {  	[tilespmem:$0x4F90] =	vst v2  }
0x27: {  	[tilespmem:$0x4FA0] =	vst v3  }
0x28: {  	[tilespmem:$0x4FB0] =	vst v4  }
0x29: {  	s13 =	simm.s32 $0x0;
	s12 =	simm.s32 $0x40;
	[tilespmem:$0x4FC0] =	vst v5  }
.LBB2_4:
0x2a: {  	p1 =	sne.s32 s12, $0x9C00;
	v7 =	vld [tilespmem:s13+$0x0];
	_ =	sdelay $0x3  }
.Ltmp1:
0x2b: {  	(pc) =	sbr.rel @p1 .LBB2_4-.Ltmp1, $2  }
0x2c: {  	_ =	sdelay $0x2  }
0x2d: {  	s13 =	sshra.s32 s12, $0x2;
	s12 =	sadd.s32 $0x40, s12;
	[tilespmem:v7+s9+$0x0] =	vst.idx.add.f32.msk $0xffff, v6  }
0x2e: {  	v7 =	vld [tilespmem:s13+$0x0];
	_ =	sdelay $0x7  }
0x2f: {  	[tilespmem:v7+s9+$0x0] =	vst.idx.add.f32.msk $0xffff, v6  }
0x30: {  	[bflag:$0x0] =	sbarrier.arrive $0xFFFF  }
0x31: {  	[spmem:s1] =	stream.indirect.scatter.add.f32 [tilespmem:s9], [sflag:$0x1], $0x80, s11, s10, $0xb8;
	[tilespmem:$0x5280] =	vst v63  }
0x32: {  	_ =	swait.ge [sflag:s8], $0x2800  }
0x33: {  	[sflag:s8] =	ssyncset.done $0x0  }
0x34: {  	s2 =	sadd.s32 $0x1, s2;
	[sflag:s8] =	ssyncadd.s32 $0xFFFFD800  }
0x35: {  	s12 =	simm.s32 @!p0 $0x1C01;
	p1 =	sne.s32 s2, s6;
	[bflag:$0x0] =	sbarrier.arrive $0xFFFF  }
0x36: {  	[hbm:s5], [sflag:s12] =	dma.local @!p0 [spmem:s7], $0x500  }
.Ltmp2:
0x37: {  	_ = 	snop;
	(pc) =	sbr.rel @p1 .LBB2_1-.Ltmp2, $4  }
0x38: {  	s12 =	simm.s32 @!p0 $0x1  }
0x39: {  	_ =	swait.ge @!p0 [sflag:s12], $0x500  }
0x3a: {  	[sflag:s12] =	ssyncset.done @!p0 $0x0  }
0x3b: {  	[sflag:s12] =	ssyncadd.s32 @!p0 $0xFFFFFB00  }
0x3c: {  	_ =	sfence.sel $0x180000  }
0x3d: {  	[bflag:$0x0] =	sbarrier.arrive $0xFFFF  }
0x3e: {  	_ =	strace $0x90000047  }
0x3f: {  	s0 =	sadd.s32 @!p0 $0x100000, s0;
	[bflag:$0x2] =	sbarrier.arrive $0xFFFF  }
0x40: {  	[sflag:s0] =	ssyncadd.tile.s32 @!p0 $0x1;
	_ =	shalt  }
.Lfunc_end2:
_tile_overlayer_lowered:
.L_overlay_start_2:
0x41: {  	(tag) =	ssettag $0x2  }
0x42: {  	s0 =	rddreg [dreg:$0x0];
	s2 =	stileid.u32  }
0x43: {  	s1 =	rddreg [dreg:$0x1];
	p0 =	sne.s32 s2, $0x0  }
0x44: {  	s3 =	rddreg [dreg:$0x2];
	[bflag:$0x3] =	sbarrier.arrive $0xFFFF;
	s2 =	simm.s32 @!p0 $0x1C01  }
0x45: {  	[timem:s3], [sflag:s2] =	dma.local @!p0 [hbm:s0], s1  }
0x46: {  	s0 =	simm.s32 @!p0 $0x1  }
0x47: {  	_ =	swait.ge @!p0 [sflag:s0], s1  }
0x48: {  	s1 =	ssub.s32 @!p0 $0x0, s1;
	[sflag:s0] =	ssyncset.done @!p0 $0x0  }
0x49: {  	[sflag:s0] =	ssyncadd.s32 @!p0 s1  }
0x4a: {  	[bflag:$0x3] =	sbarrier.arrive $0xFFFF  }
0x4b: {  	_ =	shalt  }

</sc_bundles>
